<compile_context>
chip_gen: v7x
topology: tpu7x:2x2x1
jax: 0.10.2.dev20260603
libtpu: 0.0.44.dev20260713+nightly
codegen_flags: <defaults>
</compile_context>

<pallas_src>
import functools
from itertools import accumulate

import jax
import jax.numpy as jnp
from jax import lax
from jax.experimental import pallas as pl
from jax.experimental.pallas import tpu as pltpu
from jax.experimental.pallas import tpu_sc as plsc

_FIELD_DIMS = [40000] * 26
_EMBED = 64
_BATCH = 4096
_NF = len(_FIELD_DIMS)

_NC = 2
_NS = 16
_NW = _NC * _NS

_B_TOTAL = _BATCH * _NF
_B_PER_W = _B_TOTAL // _NW
_CH = 128
_NCH = _B_PER_W // _CH
_NBUF = 4
_LOOKAHEAD = 2

_LANES = 128


def _make_sc_gather():
    mesh = plsc.VectorSubcoreMesh(core_axis_name="c", subcore_axis_name="s")

    @functools.partial(
        pl.kernel,
        mesh=mesh,
        compiler_params=pltpu.CompilerParams(use_tc_tiling_on_sc=False),
        out_type=jax.ShapeDtypeStruct((_B_TOTAL, _EMBED), jnp.float32),
        scratch_types=[
            pltpu.VMEM((_B_PER_W,), jnp.int32),
            pltpu.VMEM((_NBUF, _CH, _LANES), jnp.float32),
            pltpu.SemaphoreType.DMA,
            pltpu.SemaphoreType.DMA,
        ],
    )
    def k(idx_hbm, w_hbm, out_hbm, idx_v, rows_v, gsem, osem):
        wid = lax.axis_index("s") * _NC + lax.axis_index("c")
        base = wid * _B_PER_W

        pltpu.sync_copy(idx_hbm.at[pl.ds(base, _B_PER_W)], idx_v)

        def start_gather(t):
            return pltpu.async_copy(
                w_hbm.at[idx_v.at[pl.ds(t * _CH, _CH)]],
                rows_v.at[t % _NBUF],
                gsem,
            )

        h_g = [None] * _NCH
        h_o = [None] * _NCH
        for t in range(_LOOKAHEAD):
            h_g[t] = start_gather(t)
        for s in range(_NCH):
            t = s + _LOOKAHEAD
            if t < _NCH:
                if t - _NBUF >= 0:
                    h_o[t - _NBUF].wait()
                h_g[t] = start_gather(t)
            h_g[s].wait()
            h_o[s] = pltpu.async_copy(
                rows_v.at[s % _NBUF, pl.ds(0, _CH), pl.ds(0, _EMBED)],
                out_hbm.at[pl.ds(base + s * _CH, _CH)],
                osem,
            )
        for s in range(max(0, _NCH - _NBUF), _NCH):
            h_o[s].wait()

    return k


_sc_gather = _make_sc_gather()


def kernel(x, weight):
    offset = jnp.asarray(
        [0, *accumulate(_FIELD_DIMS)][:-1], dtype=jnp.int32
    )
    idx_flat = (x.astype(jnp.int32) + offset[None, :]).reshape(_B_TOTAL)
    wp = jnp.pad(weight, ((0, 0), (0, _LANES - _EMBED)))
    inter = _sc_gather(idx_flat, wp)
    return inter.reshape(_BATCH, _NF, _EMBED)

# --- scband reference (transcript-rebuilt; emitter-appended) ---
"""Pipeline reference for scband-field-embedding-8847632630219 (READ-ONLY COPY).

The authoritative reference and input builder live on the scoring server;
editing this copy changes nothing except your own understanding.
"""

import jax, jax.numpy as jnp
import numpy as np
from itertools import accumulate

FIELD_DIMS = [40000] * 26
EMBED_DIM = 64
BATCH = 4096
NUM_FIELDS = len(FIELD_DIMS)
TOTAL_ROWS = sum(FIELD_DIMS)


def setup_inputs(seed: int = 0) -> dict:
    key = jax.random.key(seed)
    k1, k2 = jax.random.split(key)
    x = jax.random.randint(k1, (BATCH, NUM_FIELDS), 0, FIELD_DIMS[0])
    weight = jax.random.normal(k2, (TOTAL_ROWS, EMBED_DIM), dtype=jnp.float32) * 0.01
    return {"x": x, "weight": weight}


def reference(x, weight):
    # offsets: cumulative start index of each field within the fused table
    offset = jnp.asarray([0, *accumulate(FIELD_DIMS)][:-1], dtype=x.dtype)
    idx = x + offset[None, :]  # (batch, num_fields)
    # embedding lookup == row gather from fused table
    out = jnp.take(weight, idx, axis=0)  # (batch, num_fields, embed_dim)
    return out

if __name__ == "__main__":
    import jax
    _d = setup_inputs()
    print(jax.jit(kernel)(*tuple(_d.values())))

</pallas_src>

<mosaic_0001>
#map = affine_map<(d0, d1) -> (0)>
#map1 = affine_map<(d0, d1) -> (0, 0)>
module attributes {stable_mosaic.version = 14 : i64} {
  func.func @k(%arg0: i32, %arg1: i32, %arg2: memref<106496xi32, #tpu.memory_space<hbm>>, %arg3: memref<1040000x128xf32, #tpu.memory_space<hbm>>, %arg4: memref<106496x64xf32, #tpu.memory_space<hbm>>, %arg5: memref<3328xi32, #tpu.memory_space<vmem>>, %arg6: memref<4x128x128xf32, #tpu.memory_space<vmem>>, %arg7: memref<!tpu.dma_semaphore, #tpu.memory_space<semaphore_mem>>, %arg8: memref<!tpu.dma_semaphore, #tpu.memory_space<semaphore_mem>>) attributes {dimension_semantics = [#tpu.dimension_semantics<core_parallel>, #tpu.dimension_semantics<subcore_parallel>], iteration_bounds = array<i64: 2, 16>, scalar_prefetch = 0 : i64, scratch_operands = 4 : i64, tpu.core_type = #tpu.core_type<sc_vector_subcore>, window_params = [{transform_indices = #map}, {transform_indices = #map1}, {transform_indices = #map1}]} {
    %mul3A = arith.constant 2 : i32
    %mul3A_0 = arith.muli %arg1, %mul3A : i32
    %add3A = arith.addi %mul3A_0, %arg0 : i32
    %mul3A_1 = arith.constant 3328 : i32
    %mul3A_2 = arith.muli %add3A, %mul3A_1 : i32
    "tpu.region"() ({
      %run_scoped3A = tpu.sem_alloc : memref<!tpu.dma_semaphore, #tpu.memory_space<semaphore_mem>>
      %dma_start3A_1249 = tpu.memref_slice %arg2[%mul3A_2] : memref<106496xi32, #tpu.memory_space<hbm>> -> memref<3328xi32, #tpu.memory_space<hbm>>
      %dma_start3A_1250 = tpu.memref_slice %arg2[%mul3A_2] : memref<106496xi32, #tpu.memory_space<hbm>> -> memref<3328xi32, #tpu.memory_space<hbm>>
      tpu.enqueue_dma source(%dma_start3A_1250 : memref<3328xi32, #tpu.memory_space<hbm>>) target(%arg5 : memref<3328xi32, #tpu.memory_space<vmem>>) target_semaphore(%run_scoped3A : memref<!tpu.dma_semaphore, #tpu.memory_space<semaphore_mem>>)
      %dma_wait3A_1251 = tpu.memref_slice %arg2[%mul3A_2] : memref<106496xi32, #tpu.memory_space<hbm>> -> memref<3328xi32, #tpu.memory_space<hbm>>
      %dma_wait3A_1252 = tpu.memref_slice %arg2[%mul3A_2] : memref<106496xi32, #tpu.memory_space<hbm>> -> memref<3328xi32, #tpu.memory_space<hbm>>
      tpu.wait_dma2 semaphore(%run_scoped3A : memref<!tpu.dma_semaphore, #tpu.memory_space<semaphore_mem>>) src(%dma_wait3A_1252 : memref<3328xi32, #tpu.memory_space<hbm>>) dst(%arg5 : memref<3328xi32, #tpu.memory_space<vmem>>)
      tpu.yield
    }) : () -> ()
    %dma_start3A = arith.constant 0 : i32
    %dma_start3A_3 = arith.constant 0 : i32
    %dma_start3A_4 = arith.constant 0 : i32
    %dma_start3A_5 = tpu.memref_slice %arg6[%dma_start3A, %dma_start3A_3, %dma_start3A_4] : memref<4x128x128xf32, #tpu.memory_space<vmem>> -> memref<1x128x128xf32, #tpu.memory_space<vmem>>
    %dma_start3A_6 = tpu.memref_squeeze %dma_start3A_5 : memref<1x128x128xf32, #tpu.memory_space<vmem>> -> memref<128x128xf32, #tpu.memory_space<vmem>>
    %dma_start3A_7 = arith.constant 0 : i32
    %dma_start3A_8 = tpu.memref_slice %arg5[%dma_start3A_7] : memref<3328xi32, #tpu.memory_space<vmem>> -> memref<128xi32, #tpu.memory_space<vmem>>
    %dma_start3A_9 = arith.constant 0 : i32
    %dma_start3A_10 = arith.constant 0 : i32
    %dma_start3A_11 = tpu.memref_slice %arg3[%dma_start3A_9, %dma_start3A_10] : memref<1040000x128xf32, #tpu.memory_space<hbm>> -> memref<1040000x128xf32, #tpu.memory_space<hbm>>
    tpu.enqueue_indirect_dma source(%dma_start3A_11 : memref<1040000x128xf32, #tpu.memory_space<hbm>>) target(%dma_start3A_6 : memref<128x128xf32, #tpu.memory_space<vmem>>) offsets(%dma_start3A_8 : memref<128xi32, #tpu.memory_space<vmem>>) semaphore(%arg7 : memref<!tpu.dma_semaphore, #tpu.memory_space<semaphore_mem>>)
    %dma_start3A_12 = arith.constant 1 : i32
    %dma_start3A_13 = arith.constant 0 : i32
    %dma_start3A_14 = arith.constant 0 : i32
    %dma_start3A_15 = tpu.memref_slice %arg6[%dma_start3A_12, %dma_start3A_13, %dma_start3A_14] : memref<4x128x128xf32, #tpu.memory_space<vmem>> -> memref<1x128x128xf32, #tpu.memory_space<vmem>>
    %dma_start3A_16 = tpu.memref_squeeze %dma_start3A_15 : memref<1x128x128xf32, #tpu.memory_space<vmem>> -> memref<128x128xf32, #tpu.memory_space<vmem>>
    %dma_start3A_17 = arith.constant 128 : i32
    %dma_start3A_18 = tpu.memref_slice %arg5[%dma_start3A_17] : memref<3328xi32, #tpu.memory_space<vmem>> -> memref<128xi32, #tpu.memory_space<vmem>>
    %dma_start3A_19 = arith.constant 0 : i32
    %dma_start3A_20 = arith.constant 0 : i32
    %dma_start3A_21 = tpu.memref_slice %arg3[%dma_start3A_19, %dma_start3A_20] : memref<1040000x128xf32, #tpu.memory_space<hbm>> -> memref<1040000x128xf32, #tpu.memory_space<hbm>>
    tpu.enqueue_indirect_dma source(%dma_start3A_21 : memref<1040000x128xf32, #tpu.memory_space<hbm>>) target(%dma_start3A_16 : memref<128x128xf32, #tpu.memory_space<vmem>>) offsets(%dma_start3A_18 : memref<128xi32, #tpu.memory_space<vmem>>) semaphore(%arg7 : memref<!tpu.dma_semaphore, #tpu.memory_space<semaphore_mem>>)
    %dma_start3A_22 = arith.constant 2 : i32
    %dma_start3A_23 = arith.constant 0 : i32
    %dma_start3A_24 = arith.constant 0 : i32
    %dma_start3A_25 = tpu.memref_slice %arg6[%dma_start3A_22, %dma_start3A_23, %dma_start3A_24] : memref<4x128x128xf32, #tpu.memory_space<vmem>> -> memref<1x128x128xf32, #tpu.memory_space<vmem>>
    %dma_start3A_26 = tpu.memref_squeeze %dma_start3A_25 : memref<1x128x128xf32, #tpu.memory_space<vmem>> -> memref<128x128xf32, #tpu.memory_space<vmem>>
    %dma_start3A_27 = arith.constant 256 : i32
    %dma_start3A_28 = tpu.memref_slice %arg5[%dma_start3A_27] : memref<3328xi32, #tpu.memory_space<vmem>> -> memref<128xi32, #tpu.memory_space<vmem>>
    %dma_start3A_29 = arith.constant 0 : i32
    %dma_start3A_30 = arith.constant 0 : i32
    %dma_start3A_31 = tpu.memref_slice %arg3[%dma_start3A_29, %dma_start3A_30] : memref<1040000x128xf32, #tpu.memory_space<hbm>> -> memref<1040000x128xf32, #tpu.memory_space<hbm>>
    tpu.enqueue_indirect_dma source(%dma_start3A_31 : memref<1040000x128xf32, #tpu.memory_space<hbm>>) target(%dma_start3A_26 : memref<128x128xf32, #tpu.memory_space<vmem>>) offsets(%dma_start3A_28 : memref<128xi32, #tpu.memory_space<vmem>>) semaphore(%arg7 : memref<!tpu.dma_semaphore, #tpu.memory_space<semaphore_mem>>)
    %dma_wait3A = arith.constant 0 : i32
    %dma_wait3A_32 = arith.constant 0 : i32
    %dma_wait3A_33 = arith.constant 0 : i32
    %dma_wait3A_34 = tpu.memref_slice %arg6[%dma_wait3A, %dma_wait3A_32, %dma_wait3A_33] : memref<4x128x128xf32, #tpu.memory_space<vmem>> -> memref<1x128x128xf32, #tpu.memory_space<vmem>>
    %dma_wait3A_35 = tpu.memref_squeeze %dma_wait3A_34 : memref<1x128x128xf32, #tpu.memory_space<vmem>> -> memref<128x128xf32, #tpu.memory_space<vmem>>
    %dma_wait3A_36 = arith.constant 0 : i32
    %dma_wait3A_37 = tpu.memref_slice %arg5[%dma_wait3A_36] : memref<3328xi32, #tpu.memory_space<vmem>> -> memref<128xi32, #tpu.memory_space<vmem>>
    %dma_wait3A_38 = arith.constant 0 : i32
    %dma_wait3A_39 = arith.constant 0 : i32
    %dma_wait3A_40 = tpu.memref_slice %arg3[%dma_wait3A_38, %dma_wait3A_39] : memref<1040000x128xf32, #tpu.memory_space<hbm>> -> memref<1040000x128xf32, #tpu.memory_space<hbm>>
    tpu.wait_indirect_dma semaphore(%arg7 : memref<!tpu.dma_semaphore, #tpu.memory_space<semaphore_mem>>) src(%dma_wait3A_40 : memref<1040000x128xf32, #tpu.memory_space<hbm>>) dst(%dma_wait3A_35 : memref<128x128xf32, #tpu.memory_space<vmem>>)
    %add3A_41 = arith.constant 0 : i32
    %add3A_42 = arith.addi %mul3A_2, %add3A_41 : i32
    %dma_start3A_43 = arith.constant 0 : i32
    %dma_start3A_44 = arith.constant 0 : i32
    %dma_start3A_45 = arith.constant 0 : i32
    %dma_start3A_46 = tpu.memref_slice %arg6[%dma_start3A_43, %dma_start3A_44, %dma_start3A_45] : memref<4x128x128xf32, #tpu.memory_space<vmem>> -> memref<1x128x64xf32, #tpu.memory_space<vmem>>
    %dma_start3A_47 = tpu.memref_squeeze %dma_start3A_46 : memref<1x128x64xf32, #tpu.memory_space<vmem>> -> memref<128x64xf32, #tpu.memory_space<vmem>>
    %dma_start3A_48 = arith.constant 0 : i32
    %dma_start3A_49 = tpu.memref_slice %arg4[%add3A_42, %dma_start3A_48] : memref<106496x64xf32, #tpu.memory_space<hbm>> -> memref<128x64xf32, #tpu.memory_space<hbm>>
    %dma_start3A_50 = arith.constant 0 : i32
    %dma_start3A_51 = tpu.memref_slice %arg4[%add3A_42, %dma_start3A_50] : memref<106496x64xf32, #tpu.memory_space<hbm>> -> memref<128x64xf32, #tpu.memory_space<hbm>>
    %dma_start3A_52 = arith.constant 0 : i32
    %dma_start3A_53 = arith.constant 0 : i32
    %dma_start3A_54 = tpu.memref_slice %arg6[%dma_start3A_43, %dma_start3A_52, %dma_start3A_53] : memref<4x128x128xf32, #tpu.memory_space<vmem>> -> memref<1x128x64xf32, #tpu.memory_space<vmem>>
    %dma_start3A_55 = tpu.memref_squeeze %dma_start3A_54 : memref<1x128x64xf32, #tpu.memory_space<vmem>> -> memref<128x64xf32, #tpu.memory_space<vmem>>
    tpu.enqueue_dma source(%dma_start3A_55 : memref<128x64xf32, #tpu.memory_space<vmem>>) target(%dma_start3A_51 : memref<128x64xf32, #tpu.memory_space<hbm>>) target_semaphore(%arg8 : memref<!tpu.dma_semaphore, #tpu.memory_space<semaphore_mem>>)
    %dma_start3A_56 = arith.constant 3 : i32
    %dma_start3A_57 = arith.constant 0 : i32
    %dma_start3A_58 = arith.constant 0 : i32
    %dma_start3A_59 = tpu.memref_slice %arg6[%dma_start3A_56, %dma_start3A_57, %dma_start3A_58] : memref<4x128x128xf32, #tpu.memory_space<vmem>> -> memref<1x128x128xf32, #tpu.memory_space<vmem>>
    %dma_start3A_60 = tpu.memref_squeeze %dma_start3A_59 : memref<1x128x128xf32, #tpu.memory_space<vmem>> -> memref<128x128xf32, #tpu.memory_space<vmem>>
    %dma_start3A_61 = arith.constant 384 : i32
    %dma_start3A_62 = tpu.memref_slice %arg5[%dma_start3A_61] : memref<3328xi32, #tpu.memory_space<vmem>> -> memref<128xi32, #tpu.memory_space<vmem>>
    %dma_start3A_63 = arith.constant 0 : i32
    %dma_start3A_64 = arith.constant 0 : i32
    %dma_start3A_65 = tpu.memref_slice %arg3[%dma_start3A_63, %dma_start3A_64] : memref<1040000x128xf32, #tpu.memory_space<hbm>> -> memref<1040000x128xf32, #tpu.memory_space<hbm>>
    tpu.enqueue_indirect_dma source(%dma_start3A_65 : memref<1040000x128xf32, #tpu.memory_space<hbm>>) target(%dma_start3A_60 : memref<128x128xf32, #tpu.memory_space<vmem>>) offsets(%dma_start3A_62 : memref<128xi32, #tpu.memory_space<vmem>>) semaphore(%arg7 : memref<!tpu.dma_semaphore, #tpu.memory_space<semaphore_mem>>)
    %dma_wait3A_66 = arith.constant 1 : i32
    %dma_wait3A_67 = arith.constant 0 : i32
    %dma_wait3A_68 = arith.constant 0 : i32
    %dma_wait3A_69 = tpu.memref_slice %arg6[%dma_wait3A_66, %dma_wait3A_67, %dma_wait3A_68] : memref<4x128x128xf32, #tpu.memory_space<vmem>> -> memref<1x128x128xf32, #tpu.memory_space<vmem>>
    %dma_wait3A_70 = tpu.memref_squeeze %dma_wait3A_69 : memref<1x128x128xf32, #tpu.memory_space<vmem>> -> memref<128x128xf32, #tpu.memory_space<vmem>>
    %dma_wait3A_71 = arith.constant 128 : i32
    %dma_wait3A_72 = tpu.memref_slice %arg5[%dma_wait3A_71] : memref<3328xi32, #tpu.memory_space<vmem>> -> memref<128xi32, #tpu.memory_space<vmem>>
    %dma_wait3A_73 = arith.constant 0 : i32
    %dma_wait3A_74 = arith.constant 0 : i32
    %dma_wait3A_75 = tpu.memref_slice %arg3[%dma_wait3A_73, %dma_wait3A_74] : memref<1040000x128xf32, #tpu.memory_space<hbm>> -> memref<1040000x128xf32, #tpu.memory_space<hbm>>
    tpu.wait_indirect_dma semaphore(%arg7 : memref<!tpu.dma_semaphore, #tpu.memory_space<semaphore_mem>>) src(%dma_wait3A_75 : memref<1040000x128xf32, #tpu.memory_space<hbm>>) dst(%dma_wait3A_70 : memref<128x128xf32, #tpu.memory_space<vmem>>)
    %add3A_76 = arith.constant 128 : i32
    %add3A_77 = arith.addi %mul3A_2, %add3A_76 : i32
    %dma_start3A_78 = arith.constant 1 : i32
    %dma_start3A_79 = arith.constant 0 : i32
    %dma_start3A_80 = arith.constant 0 : i32
    %dma_start3A_81 = tpu.memref_slice %arg6[%dma_start3A_78, %dma_start3A_79, %dma_start3A_80] : memref<4x128x128xf32, #tpu.memory_space<vmem>> -> memref<1x128x64xf32, #tpu.memory_space<vmem>>
    %dma_start3A_82 = tpu.memref_squeeze %dma_start3A_81 : memref<1x128x64xf32, #tpu.memory_space<vmem>> -> memref<128x64xf32, #tpu.memory_space<vmem>>
    %dma_start3A_83 = arith.constant 0 : i32
    %dma_start3A_84 = tpu.memref_slice %arg4[%add3A_77, %dma_start3A_83] : memref<106496x64xf32, #tpu.memory_space<hbm>> -> memref<128x64xf32, #tpu.memory_space<hbm>>
    %dma_start3A_85 = arith.constant 0 : i32
    %dma_start3A_86 = tpu.memref_slice %arg4[%add3A_77, %dma_start3A_85] : memref<106496x64xf32, #tpu.memory_space<hbm>> -> memref<128x64xf32, #tpu.memory_space<hbm>>
    %dma_start3A_87 = arith.constant 0 : i32
    %dma_start3A_88 = arith.constant 0 : i32
    %dma_start3A_89 = tpu.memref_slice %arg6[%dma_start3A_78, %dma_start3A_87, %dma_start3A_88] : memref<4x128x128xf32, #tpu.memory_space<vmem>> -> memref<1x128x64xf32, #tpu.memory_space<vmem>>
    %dma_start3A_90 = tpu.memref_squeeze %dma_start3A_89 : memref<1x128x64xf32, #tpu.memory_space<vmem>> -> memref<128x64xf32, #tpu.memory_space<vmem>>
    tpu.enqueue_dma source(%dma_start3A_90 : memref<128x64xf32, #tpu.memory_space<vmem>>) target(%dma_start3A_86 : memref<128x64xf32, #tpu.memory_space<hbm>>) target_semaphore(%arg8 : memref<!tpu.dma_semaphore, #tpu.memory_space<semaphore_mem>>)
    %dma_wait3A_91 = arith.constant 0 : i32
    %dma_wait3A_92 = arith.constant 0 : i32
    %dma_wait3A_93 = arith.constant 0 : i32
    %dma_wait3A_94 = tpu.memref_slice %arg6[%dma_wait3A_91, %dma_wait3A_92, %dma_wait3A_93] : memref<4x128x128xf32, #tpu.memory_space<vmem>> -> memref<1x128x64xf32, #tpu.memory_space<vmem>>
    %dma_wait3A_95 = tpu.memref_squeeze %dma_wait3A_94 : memref<1x128x64xf32, #tpu.memory_space<vmem>> -> memref<128x64xf32, #tpu.memory_space<vmem>>
    %dma_wait3A_96 = arith.constant 0 : i32
    %dma_wait3A_97 = tpu.memref_slice %arg4[%add3A_42, %dma_wait3A_96] : memref<106496x64xf32, #tpu.memory_space<hbm>> -> memref<128x64xf32, #tpu.memory_space<hbm>>
    %dma_wait3A_98 = arith.constant 0 : i32
    %dma_wait3A_99 = tpu.memref_slice %arg4[%add3A_42, %dma_wait3A_98] : memref<106496x64xf32, #tpu.memory_space<hbm>> -> memref<128x64xf32, #tpu.memory_space<hbm>>
    %dma_wait3A_100 = arith.constant 0 : i32
    %dma_wait3A_101 = arith.constant 0 : i32
    %dma_wait3A_102 = tpu.memref_slice %arg6[%dma_wait3A_91, %dma_wait3A_100, %dma_wait3A_101] : memref<4x128x128xf32, #tpu.memory_space<vmem>> -> memref<1x128x64xf32, #tpu.memory_space<vmem>>
    %dma_wait3A_103 = tpu.memref_squeeze %dma_wait3A_102 : memref<1x128x64xf32, #tpu.memory_space<vmem>> -> memref<128x64xf32, #tpu.memory_space<vmem>>
    tpu.wait_dma2 semaphore(%arg8 : memref<!tpu.dma_semaphore, #tpu.memory_space<semaphore_mem>>) src(%dma_wait3A_103 : memref<128x64xf32, #tpu.memory_space<vmem>>) dst(%dma_wait3A_99 : memref<128x64xf32, #tpu.memory_space<hbm>>)
    %dma_start3A_104 = arith.constant 0 : i32
    %dma_start3A_105 = arith.constant 0 : i32
    %dma_start3A_106 = arith.constant 0 : i32
    %dma_start3A_107 = tpu.memref_slice %arg6[%dma_start3A_104, %dma_start3A_105, %dma_start3A_106] : memref<4x128x128xf32, #tpu.memory_space<vmem>> -> memref<1x128x128xf32, #tpu.memory_space<vmem>>
    %dma_start3A_108 = tpu.memref_squeeze %dma_start3A_107 : memref<1x128x128xf32, #tpu.memory_space<vmem>> -> memref<128x128xf32, #tpu.memory_space<vmem>>
    %dma_start3A_109 = arith.constant 512 : i32
    %dma_start3A_110 = tpu.memref_slice %arg5[%dma_start3A_109] : memref<3328xi32, #tpu.memory_space<vmem>> -> memref<128xi32, #tpu.memory_space<vmem>>
    %dma_start3A_111 = arith.constant 0 : i32
    %dma_start3A_112 = arith.constant 0 : i32
    %dma_start3A_113 = tpu.memref_slice %arg3[%dma_start3A_111, %dma_start3A_112] : memref<1040000x128xf32, #tpu.memory_space<hbm>> -> memref<1040000x128xf32, #tpu.memory_space<hbm>>
    tpu.enqueue_indirect_dma source(%dma_start3A_113 : memref<1040000x128xf32, #tpu.memory_space<hbm>>) target(%dma_start3A_108 : memref<128x128xf32, #tpu.memory_space<vmem>>) offsets(%dma_start3A_110 : memref<128xi32, #tpu.memory_space<vmem>>) semaphore(%arg7 : memref<!tpu.dma_semaphore, #tpu.memory_space<semaphore_mem>>)
    %dma_wait3A_114 = arith.constant 2 : i32
    %dma_wait3A_115 = arith.constant 0 : i32
    %dma_wait3A_116 = arith.constant 0 : i32
    %dma_wait3A_117 = tpu.memref_slice %arg6[%dma_wait3A_114, %dma_wait3A_115, %dma_wait3A_116] : memref<4x128x128xf32, #tpu.memory_space<vmem>> -> memref<1x128x128xf32, #tpu.memory_space<vmem>>
    %dma_wait3A_118 = tpu.memref_squeeze %dma_wait3A_117 : memref<1x128x128xf32, #tpu.memory_space<vmem>> -> memref<128x128xf32, #tpu.memory_space<vmem>>
    %dma_wait3A_119 = arith.constant 256 : i32
    %dma_wait3A_120 = tpu.memref_slice %arg5[%dma_wait3A_119] : memref<3328xi32, #tpu.memory_space<vmem>> -> memref<128xi32, #tpu.memory_space<vmem>>
    %dma_wait3A_121 = arith.constant 0 : i32
    %dma_wait3A_122 = arith.constant 0 : i32
    %dma_wait3A_123 = tpu.memref_slice %arg3[%dma_wait3A_121, %dma_wait3A_122] : memref<1040000x128xf32, #tpu.memory_space<hbm>> -> memref<1040000x128xf32, #tpu.memory_space<hbm>>
    tpu.wait_indirect_dma semaphore(%arg7 : memref<!tpu.dma_semaphore, #tpu.memory_space<semaphore_mem>>) src(%dma_wait3A_123 : memref<1040000x128xf32, #tpu.memory_space<hbm>>) dst(%dma_wait3A_118 : memref<128x128xf32, #tpu.memory_space<vmem>>)
    %add3A_124 = arith.constant 256 : i32
    %add3A_125 = arith.addi %mul3A_2, %add3A_124 : i32
    %dma_start3A_126 = arith.constant 2 : i32
    %dma_start3A_127 = arith.constant 0 : i32
    %dma_start3A_128 = arith.constant 0 : i32
    %dma_start3A_129 = tpu.memref_slice %arg6[%dma_start3A_126, %dma_start3A_127, %dma_start3A_128] : memref<4x128x128xf32, #tpu.memory_space<vmem>> -> memref<1x128x64xf32, #tpu.memory_space<vmem>>
    %dma_start3A_130 = tpu.memref_squeeze %dma_start3A_129 : memref<1x128x64xf32, #tpu.memory_space<vmem>> -> memref<128x64xf32, #tpu.memory_space<vmem>>
    %dma_start3A_131 = arith.constant 0 : i32
    %dma_start3A_132 = tpu.memref_slice %arg4[%add3A_125, %dma_start3A_131] : memref<106496x64xf32, #tpu.memory_space<hbm>> -> memref<128x64xf32, #tpu.memory_space<hbm>>
    %dma_start3A_133 = arith.constant 0 : i32
    %dma_start3A_134 = tpu.memref_slice %arg4[%add3A_125, %dma_start3A_133] : memref<106496x64xf32, #tpu.memory_space<hbm>> -> memref<128x64xf32, #tpu.memory_space<hbm>>
    %dma_start3A_135 = arith.constant 0 : i32
    %dma_start3A_136 = arith.constant 0 : i32
    %dma_start3A_137 = tpu.memref_slice %arg6[%dma_start3A_126, %dma_start3A_135, %dma_start3A_136] : memref<4x128x128xf32, #tpu.memory_space<vmem>> -> memref<1x128x64xf32, #tpu.memory_space<vmem>>
    %dma_start3A_138 = tpu.memref_squeeze %dma_start3A_137 : memref<1x128x64xf32, #tpu.memory_space<vmem>> -> memref<128x64xf32, #tpu.memory_space<vmem>>
    tpu.enqueue_dma source(%dma_start3A_138 : memref<128x64xf32, #tpu.memory_space<vmem>>) target(%dma_start3A_134 : memref<128x64xf32, #tpu.memory_space<hbm>>) target_semaphore(%arg8 : memref<!tpu.dma_semaphore, #tpu.memory_space<semaphore_mem>>)
    %dma_wait3A_139 = arith.constant 1 : i32
    %dma_wait3A_140 = arith.constant 0 : i32
    %dma_wait3A_141 = arith.constant 0 : i32
    %dma_wait3A_142 = tpu.memref_slice %arg6[%dma_wait3A_139, %dma_wait3A_140, %dma_wait3A_141] : memref<4x128x128xf32, #tpu.memory_space<vmem>> -> memref<1x128x64xf32, #tpu.memory_space<vmem>>
    %dma_wait3A_143 = tpu.memref_squeeze %dma_wait3A_142 : memref<1x128x64xf32, #tpu.memory_space<vmem>> -> memref<128x64xf32, #tpu.memory_space<vmem>>
    %dma_wait3A_144 = arith.constant 0 : i32
    %dma_wait3A_145 = tpu.memref_slice %arg4[%add3A_77, %dma_wait3A_144] : memref<106496x64xf32, #tpu.memory_space<hbm>> -> memref<128x64xf32, #tpu.memory_space<hbm>>
    %dma_wait3A_146 = arith.constant 0 : i32
    %dma_wait3A_147 = tpu.memref_slice %arg4[%add3A_77, %dma_wait3A_146] : memref<106496x64xf32, #tpu.memory_space<hbm>> -> memref<128x64xf32, #tpu.memory_space<hbm>>
    %dma_wait3A_148 = arith.constant 0 : i32
    %dma_wait3A_149 = arith.constant 0 : i32
    %dma_wait3A_150 = tpu.memref_slice %arg6[%dma_wait3A_139, %dma_wait3A_148, %dma_wait3A_149] : memref<4x128x128xf32, #tpu.memory_space<vmem>> -> memref<1x128x64xf32, #tpu.memory_space<vmem>>
    %dma_wait3A_151 = tpu.memref_squeeze %dma_wait3A_150 : memref<1x128x64xf32, #tpu.memory_space<vmem>> -> memref<128x64xf32, #tpu.memory_space<vmem>>
    tpu.wait_dma2 semaphore(%arg8 : memref<!tpu.dma_semaphore, #tpu.memory_space<semaphore_mem>>) src(%dma_wait3A_151 : memref<128x64xf32, #tpu.memory_space<vmem>>) dst(%dma_wait3A_147 : memref<128x64xf32, #tpu.memory_space<hbm>>)
    %dma_start3A_152 = arith.constant 1 : i32
    %dma_start3A_153 = arith.constant 0 : i32
    %dma_start3A_154 = arith.constant 0 : i32
    %dma_start3A_155 = tpu.memref_slice %arg6[%dma_start3A_152, %dma_start3A_153, %dma_start3A_154] : memref<4x128x128xf32, #tpu.memory_space<vmem>> -> memref<1x128x128xf32, #tpu.memory_space<vmem>>
    %dma_start3A_156 = tpu.memref_squeeze %dma_start3A_155 : memref<1x128x128xf32, #tpu.memory_space<vmem>> -> memref<128x128xf32, #tpu.memory_space<vmem>>
    %dma_start3A_157 = arith.constant 640 : i32
    %dma_start3A_158 = tpu.memref_slice %arg5[%dma_start3A_157] : memref<3328xi32, #tpu.memory_space<vmem>> -> memref<128xi32, #tpu.memory_space<vmem>>
    %dma_start3A_159 = arith.constant 0 : i32
    %dma_start3A_160 = arith.constant 0 : i32
    %dma_start3A_161 = tpu.memref_slice %arg3[%dma_start3A_159, %dma_start3A_160] : memref<1040000x128xf32, #tpu.memory_space<hbm>> -> memref<1040000x128xf32, #tpu.memory_space<hbm>>
    tpu.enqueue_indirect_dma source(%dma_start3A_161 : memref<1040000x128xf32, #tpu.memory_space<hbm>>) target(%dma_start3A_156 : memref<128x128xf32, #tpu.memory_space<vmem>>) offsets(%dma_start3A_158 : memref<128xi32, #tpu.memory_space<vmem>>) semaphore(%arg7 : memref<!tpu.dma_semaphore, #tpu.memory_space<semaphore_mem>>)
    %dma_wait3A_162 = arith.constant 3 : i32
    %dma_wait3A_163 = arith.constant 0 : i32
    %dma_wait3A_164 = arith.constant 0 : i32
    %dma_wait3A_165 = tpu.memref_slice %arg6[%dma_wait3A_162, %dma_wait3A_163, %dma_wait3A_164] : memref<4x128x128xf32, #tpu.memory_space<vmem>> -> memref<1x128x128xf32, #tpu.memory_space<vmem>>
    %dma_wait3A_166 = tpu.memref_squeeze %dma_wait3A_165 : memref<1x128x128xf32, #tpu.memory_space<vmem>> -> memref<128x128xf32, #tpu.memory_space<vmem>>
    %dma_wait3A_167 = arith.constant 384 : i32
    %dma_wait3A_168 = tpu.memref_slice %arg5[%dma_wait3A_167] : memref<3328xi32, #tpu.memory_space<vmem>> -> memref<128xi32, #tpu.memory_space<vmem>>
    %dma_wait3A_169 = arith.constant 0 : i32
    %dma_wait3A_170 = arith.constant 0 : i32
    %dma_wait3A_171 = tpu.memref_slice %arg3[%dma_wait3A_169, %dma_wait3A_170] : memref<1040000x128xf32, #tpu.memory_space<hbm>> -> memref<1040000x128xf32, #tpu.memory_space<hbm>>
    tpu.wait_indirect_dma semaphore(%arg7 : memref<!tpu.dma_semaphore, #tpu.memory_space<semaphore_mem>>) src(%dma_wait3A_171 : memref<1040000x128xf32, #tpu.memory_space<hbm>>) dst(%dma_wait3A_166 : memref<128x128xf32, #tpu.memory_space<vmem>>)
    %add3A_172 = arith.constant 384 : i32
    %add3A_173 = arith.addi %mul3A_2, %add3A_172 : i32
    %dma_start3A_174 = arith.constant 3 : i32
    %dma_start3A_175 = arith.constant 0 : i32
    %dma_start3A_176 = arith.constant 0 : i32
    %dma_start3A_177 = tpu.memref_slice %arg6[%dma_start3A_174, %dma_start3A_175, %dma_start3A_176] : memref<4x128x128xf32, #tpu.memory_space<vmem>> -> memref<1x128x64xf32, #tpu.memory_space<vmem>>
    %dma_start3A_178 = tpu.memref_squeeze %dma_start3A_177 : memref<1x128x64xf32, #tpu.memory_space<vmem>> -> memref<128x64xf32, #tpu.memory_space<vmem>>
    %dma_start3A_179 = arith.constant 0 : i32
    %dma_start3A_180 = tpu.memref_slice %arg4[%add3A_173, %dma_start3A_179] : memref<106496x64xf32, #tpu.memory_space<hbm>> -> memref<128x64xf32, #tpu.memory_space<hbm>>
    %dma_start3A_181 = arith.constant 0 : i32
    %dma_start3A_182 = tpu.memref_slice %arg4[%add3A_173, %dma_start3A_181] : memref<106496x64xf32, #tpu.memory_space<hbm>> -> memref<128x64xf32, #tpu.memory_space<hbm>>
    %dma_start3A_183 = arith.constant 0 : i32
    %dma_start3A_184 = arith.constant 0 : i32
    %dma_start3A_185 = tpu.memref_slice %arg6[%dma_start3A_174, %dma_start3A_183, %dma_start3A_184] : memref<4x128x128xf32, #tpu.memory_space<vmem>> -> memref<1x128x64xf32, #tpu.memory_space<vmem>>
    %dma_start3A_186 = tpu.memref_squeeze %dma_start3A_185 : memref<1x128x64xf32, #tpu.memory_space<vmem>> -> memref<128x64xf32, #tpu.memory_space<vmem>>
    tpu.enqueue_dma source(%dma_start3A_186 : memref<128x64xf32, #tpu.memory_space<vmem>>) target(%dma_start3A_182 : memref<128x64xf32, #tpu.memory_space<hbm>>) target_semaphore(%arg8 : memref<!tpu.dma_semaphore, #tpu.memory_space<semaphore_mem>>)
    %dma_wait3A_187 = arith.constant 2 : i32
    %dma_wait3A_188 = arith.constant 0 : i32
    %dma_wait3A_189 = arith.constant 0 : i32
    %dma_wait3A_190 = tpu.memref_slice %arg6[%dma_wait3A_187, %dma_wait3A_188, %dma_wait3A_189] : memref<4x128x128xf32, #tpu.memory_space<vmem>> -> memref<1x128x64xf32, #tpu.memory_space<vmem>>
    %dma_wait3A_191 = tpu.memref_squeeze %dma_wait3A_190 : memref<1x128x64xf32, #tpu.memory_space<vmem>> -> memref<128x64xf32, #tpu.memory_space<vmem>>
    %dma_wait3A_192 = arith.constant 0 : i32
    %dma_wait3A_193 = tpu.memref_slice %arg4[%add3A_125, %dma_wait3A_192] : memref<106496x64xf32, #tpu.memory_space<hbm>> -> memref<128x64xf32, #tpu.memory_space<hbm>>
    %dma_wait3A_194 = arith.constant 0 : i32
    %dma_wait3A_195 = tpu.memref_slice %arg4[%add3A_125, %dma_wait3A_194] : memref<106496x64xf32, #tpu.memory_space<hbm>> -> memref<128x64xf32, #tpu.memory_space<hbm>>
    %dma_wait3A_196 = arith.constant 0 : i32
    %dma_wait3A_197 = arith.constant 0 : i32
    %dma_wait3A_198 = tpu.memref_slice %arg6[%dma_wait3A_187, %dma_wait3A_196, %dma_wait3A_197] : memref<4x128x128xf32, #tpu.memory_space<vmem>> -> memref<1x128x64xf32, #tpu.memory_space<vmem>>
    %dma_wait3A_199 = tpu.memref_squeeze %dma_wait3A_198 : memref<1x128x64xf32, #tpu.memory_space<vmem>> -> memref<128x64xf32, #tpu.memory_space<vmem>>
    tpu.wait_dma2 semaphore(%arg8 : memref<!tpu.dma_semaphore, #tpu.memory_space<semaphore_mem>>) src(%dma_wait3A_199 : memref<128x64xf32, #tpu.memory_space<vmem>>) dst(%dma_wait3A_195 : memref<128x64xf32, #tpu.memory_space<hbm>>)
    %dma_start3A_200 = arith.constant 2 : i32
    %dma_start3A_201 = arith.constant 0 : i32
    %dma_start3A_202 = arith.constant 0 : i32
    %dma_start3A_203 = tpu.memref_slice %arg6[%dma_start3A_200, %dma_start3A_201, %dma_start3A_202] : memref<4x128x128xf32, #tpu.memory_space<vmem>> -> memref<1x128x128xf32, #tpu.memory_space<vmem>>
    %dma_start3A_204 = tpu.memref_squeeze %dma_start3A_203 : memref<1x128x128xf32, #tpu.memory_space<vmem>> -> memref<128x128xf32, #tpu.memory_space<vmem>>
    %dma_start3A_205 = arith.constant 768 : i32
    %dma_start3A_206 = tpu.memref_slice %arg5[%dma_start3A_205] : memref<3328xi32, #tpu.memory_space<vmem>> -> memref<128xi32, #tpu.memory_space<vmem>>
    %dma_start3A_207 = arith.constant 0 : i32
    %dma_start3A_208 = arith.constant 0 : i32
    %dma_start3A_209 = tpu.memref_slice %arg3[%dma_start3A_207, %dma_start3A_208] : memref<1040000x128xf32, #tpu.memory_space<hbm>> -> memref<1040000x128xf32, #tpu.memory_space<hbm>>
    tpu.enqueue_indirect_dma source(%dma_start3A_209 : memref<1040000x128xf32, #tpu.memory_space<hbm>>) target(%dma_start3A_204 : memref<128x128xf32, #tpu.memory_space<vmem>>) offsets(%dma_start3A_206 : memref<128xi32, #tpu.memory_space<vmem>>) semaphore(%arg7 : memref<!tpu.dma_semaphore, #tpu.memory_space<semaphore_mem>>)
    %dma_wait3A_210 = arith.constant 0 : i32
    %dma_wait3A_211 = arith.constant 0 : i32
    %dma_wait3A_212 = arith.constant 0 : i32
    %dma_wait3A_213 = tpu.memref_slice %arg6[%dma_wait3A_210, %dma_wait3A_211, %dma_wait3A_212] : memref<4x128x128xf32, #tpu.memory_space<vmem>> -> memref<1x128x128xf32, #tpu.memory_space<vmem>>
    %dma_wait3A_214 = tpu.memref_squeeze %dma_wait3A_213 : memref<1x128x128xf32, #tpu.memory_space<vmem>> -> memref<128x128xf32, #tpu.memory_space<vmem>>
    %dma_wait3A_215 = arith.constant 512 : i32
    %dma_wait3A_216 = tpu.memref_slice %arg5[%dma_wait3A_215] : memref<3328xi32, #tpu.memory_space<vmem>> -> memref<128xi32, #tpu.memory_space<vmem>>
    %dma_wait3A_217 = arith.constant 0 : i32
    %dma_wait3A_218 = arith.constant 0 : i32
    %dma_wait3A_219 = tpu.memref_slice %arg3[%dma_wait3A_217, %dma_wait3A_218] : memref<1040000x128xf32, #tpu.memory_space<hbm>> -> memref<1040000x128xf32, #tpu.memory_space<hbm>>
    tpu.wait_indirect_dma semaphore(%arg7 : memref<!tpu.dma_semaphore, #tpu.memory_space<semaphore_mem>>) src(%dma_wait3A_219 : memref<1040000x128xf32, #tpu.memory_space<hbm>>) dst(%dma_wait3A_214 : memref<128x128xf32, #tpu.memory_space<vmem>>)
    %add3A_220 = arith.constant 512 : i32
    %add3A_221 = arith.addi %mul3A_2, %add3A_220 : i32
    %dma_start3A_222 = arith.constant 0 : i32
    %dma_start3A_223 = arith.constant 0 : i32
    %dma_start3A_224 = arith.constant 0 : i32
    %dma_start3A_225 = tpu.memref_slice %arg6[%dma_start3A_222, %dma_start3A_223, %dma_start3A_224] : memref<4x128x128xf32, #tpu.memory_space<vmem>> -> memref<1x128x64xf32, #tpu.memory_space<vmem>>
    %dma_start3A_226 = tpu.memref_squeeze %dma_start3A_225 : memref<1x128x64xf32, #tpu.memory_space<vmem>> -> memref<128x64xf32, #tpu.memory_space<vmem>>
    %dma_start3A_227 = arith.constant 0 : i32
    %dma_start3A_228 = tpu.memref_slice %arg4[%add3A_221, %dma_start3A_227] : memref<106496x64xf32, #tpu.memory_space<hbm>> -> memref<128x64xf32, #tpu.memory_space<hbm>>
    %dma_start3A_229 = arith.constant 0 : i32
    %dma_start3A_230 = tpu.memref_slice %arg4[%add3A_221, %dma_start3A_229] : memref<106496x64xf32, #tpu.memory_space<hbm>> -> memref<128x64xf32, #tpu.memory_space<hbm>>
    %dma_start3A_231 = arith.constant 0 : i32
    %dma_start3A_232 = arith.constant 0 : i32
    %dma_start3A_233 = tpu.memref_slice %arg6[%dma_start3A_222, %dma_start3A_231, %dma_start3A_232] : memref<4x128x128xf32, #tpu.memory_space<vmem>> -> memref<1x128x64xf32, #tpu.memory_space<vmem>>
    %dma_start3A_234 = tpu.memref_squeeze %dma_start3A_233 : memref<1x128x64xf32, #tpu.memory_space<vmem>> -> memref<128x64xf32, #tpu.memory_space<vmem>>
    tpu.enqueue_dma source(%dma_start3A_234 : memref<128x64xf32, #tpu.memory_space<vmem>>) target(%dma_start3A_230 : memref<128x64xf32, #tpu.memory_space<hbm>>) target_semaphore(%arg8 : memref<!tpu.dma_semaphore, #tpu.memory_space<semaphore_mem>>)
    %dma_wait3A_235 = arith.constant 3 : i32
    %dma_wait3A_236 = arith.constant 0 : i32
    %dma_wait3A_237 = arith.constant 0 : i32
    %dma_wait3A_238 = tpu.memref_slice %arg6[%dma_wait3A_235, %dma_wait3A_236, %dma_wait3A_237] : memref<4x128x128xf32, #tpu.memory_space<vmem>> -> memref<1x128x64xf32, #tpu.memory_space<vmem>>
    %dma_wait3A_239 = tpu.memref_squeeze %dma_wait3A_238 : memref<1x128x64xf32, #tpu.memory_space<vmem>> -> memref<128x64xf32, #tpu.memory_space<vmem>>
    %dma_wait3A_240 = arith.constant 0 : i32
    %dma_wait3A_241 = tpu.memref_slice %arg4[%add3A_173, %dma_wait3A_240] : memref<106496x64xf32, #tpu.memory_space<hbm>> -> memref<128x64xf32, #tpu.memory_space<hbm>>
    %dma_wait3A_242 = arith.constant 0 : i32
    %dma_wait3A_243 = tpu.memref_slice %arg4[%add3A_173, %dma_wait3A_242] : memref<106496x64xf32, #tpu.memory_space<hbm>> -> memref<128x64xf32, #tpu.memory_space<hbm>>
    %dma_wait3A_244 = arith.constant 0 : i32
    %dma_wait3A_245 = arith.constant 0 : i32
    %dma_wait3A_246 = tpu.memref_slice %arg6[%dma_wait3A_235, %dma_wait3A_244, %dma_wait3A_245] : memref<4x128x128xf32, #tpu.memory_space<vmem>> -> memref<1x128x64xf32, #tpu.memory_space<vmem>>
    %dma_wait3A_247 = tpu.memref_squeeze %dma_wait3A_246 : memref<1x128x64xf32, #tpu.memory_space<vmem>> -> memref<128x64xf32, #tpu.memory_space<vmem>>
    tpu.wait_dma2 semaphore(%arg8 : memref<!tpu.dma_semaphore, #tpu.memory_space<semaphore_mem>>) src(%dma_wait3A_247 : memref<128x64xf32, #tpu.memory_space<vmem>>) dst(%dma_wait3A_243 : memref<128x64xf32, #tpu.memory_space<hbm>>)
    %dma_start3A_248 = arith.constant 3 : i32
    %dma_start3A_249 = arith.constant 0 : i32
    %dma_start3A_250 = arith.constant 0 : i32
    %dma_start3A_251 = tpu.memref_slice %arg6[%dma_start3A_248, %dma_start3A_249, %dma_start3A_250] : memref<4x128x128xf32, #tpu.memory_space<vmem>> -> memref<1x128x128xf32, #tpu.memory_space<vmem>>
    %dma_start3A_252 = tpu.memref_squeeze %dma_start3A_251 : memref<1x128x128xf32, #tpu.memory_space<vmem>> -> memref<128x128xf32, #tpu.memory_space<vmem>>
    %dma_start3A_253 = arith.constant 896 : i32
    %dma_start3A_254 = tpu.memref_slice %arg5[%dma_start3A_253] : memref<3328xi32, #tpu.memory_space<vmem>> -> memref<128xi32, #tpu.memory_space<vmem>>
    %dma_start3A_255 = arith.constant 0 : i32
    %dma_start3A_256 = arith.constant 0 : i32
    %dma_start3A_257 = tpu.memref_slice %arg3[%dma_start3A_255, %dma_start3A_256] : memref<1040000x128xf32, #tpu.memory_space<hbm>> -> memref<1040000x128xf32, #tpu.memory_space<hbm>>
    tpu.enqueue_indirect_dma source(%dma_start3A_257 : memref<1040000x128xf32, #tpu.memory_space<hbm>>) target(%dma_start3A_252 : memref<128x128xf32, #tpu.memory_space<vmem>>) offsets(%dma_start3A_254 : memref<128xi32, #tpu.memory_space<vmem>>) semaphore(%arg7 : memref<!tpu.dma_semaphore, #tpu.memory_space<semaphore_mem>>)
    %dma_wait3A_258 = arith.constant 1 : i32
    %dma_wait3A_259 = arith.constant 0 : i32
    %dma_wait3A_260 = arith.constant 0 : i32
    %dma_wait3A_261 = tpu.memref_slice %arg6[%dma_wait3A_258, %dma_wait3A_259, %dma_wait3A_260] : memref<4x128x128xf32, #tpu.memory_space<vmem>> -> memref<1x128x128xf32, #tpu.memory_space<vmem>>
    %dma_wait3A_262 = tpu.memref_squeeze %dma_wait3A_261 : memref<1x128x128xf32, #tpu.memory_space<vmem>> -> memref<128x128xf32, #tpu.memory_space<vmem>>
    %dma_wait3A_263 = arith.constant 640 : i32
    %dma_wait3A_264 = tpu.memref_slice %arg5[%dma_wait3A_263] : memref<3328xi32, #tpu.memory_space<vmem>> -> memref<128xi32, #tpu.memory_space<vmem>>
    %dma_wait3A_265 = arith.constant 0 : i32
    %dma_wait3A_266 = arith.constant 0 : i32
    %dma_wait3A_267 = tpu.memref_slice %arg3[%dma_wait3A_265, %dma_wait3A_266] : memref<1040000x128xf32, #tpu.memory_space<hbm>> -> memref<1040000x128xf32, #tpu.memory_space<hbm>>
    tpu.wait_indirect_dma semaphore(%arg7 : memref<!tpu.dma_semaphore, #tpu.memory_space<semaphore_mem>>) src(%dma_wait3A_267 : memref<1040000x128xf32, #tpu.memory_space<hbm>>) dst(%dma_wait3A_262 : memref<128x128xf32, #tpu.memory_space<vmem>>)
    %add3A_268 = arith.constant 640 : i32
    %add3A_269 = arith.addi %mul3A_2, %add3A_268 : i32
    %dma_start3A_270 = arith.constant 1 : i32
    %dma_start3A_271 = arith.constant 0 : i32
    %dma_start3A_272 = arith.constant 0 : i32
    %dma_start3A_273 = tpu.memref_slice %arg6[%dma_start3A_270, %dma_start3A_271, %dma_start3A_272] : memref<4x128x128xf32, #tpu.memory_space<vmem>> -> memref<1x128x64xf32, #tpu.memory_space<vmem>>
    %dma_start3A_274 = tpu.memref_squeeze %dma_start3A_273 : memref<1x128x64xf32, #tpu.memory_space<vmem>> -> memref<128x64xf32, #tpu.memory_space<vmem>>
    %dma_start3A_275 = arith.constant 0 : i32
    %dma_start3A_276 = tpu.memref_slice %arg4[%add3A_269, %dma_start3A_275] : memref<106496x64xf32, #tpu.memory_space<hbm>> -> memref<128x64xf32, #tpu.memory_space<hbm>>
    %dma_start3A_277 = arith.constant 0 : i32
    %dma_start3A_278 = tpu.memref_slice %arg4[%add3A_269, %dma_start3A_277] : memref<106496x64xf32, #tpu.memory_space<hbm>> -> memref<128x64xf32, #tpu.memory_space<hbm>>
    %dma_start3A_279 = arith.constant 0 : i32
    %dma_start3A_280 = arith.constant 0 : i32
    %dma_start3A_281 = tpu.memref_slice %arg6[%dma_start3A_270, %dma_start3A_279, %dma_start3A_280] : memref<4x128x128xf32, #tpu.memory_space<vmem>> -> memref<1x128x64xf32, #tpu.memory_space<vmem>>
    %dma_start3A_282 = tpu.memref_squeeze %dma_start3A_281 : memref<1x128x64xf32, #tpu.memory_space<vmem>> -> memref<128x64xf32, #tpu.memory_space<vmem>>
    tpu.enqueue_dma source(%dma_start3A_282 : memref<128x64xf32, #tpu.memory_space<vmem>>) target(%dma_start3A_278 : memref<128x64xf32, #tpu.memory_space<hbm>>) target_semaphore(%arg8 : memref<!tpu.dma_semaphore, #tpu.memory_space<semaphore_mem>>)
    %dma_wait3A_283 = arith.constant 0 : i32
    %dma_wait3A_284 = arith.constant 0 : i32
    %dma_wait3A_285 = arith.constant 0 : i32
    %dma_wait3A_286 = tpu.memref_slice %arg6[%dma_wait3A_283, %dma_wait3A_284, %dma_wait3A_285] : memref<4x128x128xf32, #tpu.memory_space<vmem>> -> memref<1x128x64xf32, #tpu.memory_space<vmem>>
    %dma_wait3A_287 = tpu.memref_squeeze %dma_wait3A_286 : memref<1x128x64xf32, #tpu.memory_space<vmem>> -> memref<128x64xf32, #tpu.memory_space<vmem>>
    %dma_wait3A_288 = arith.constant 0 : i32
    %dma_wait3A_289 = tpu.memref_slice %arg4[%add3A_221, %dma_wait3A_288] : memref<106496x64xf32, #tpu.memory_space<hbm>> -> memref<128x64xf32, #tpu.memory_space<hbm>>
    %dma_wait3A_290 = arith.constant 0 : i32
    %dma_wait3A_291 = tpu.memref_slice %arg4[%add3A_221, %dma_wait3A_290] : memref<106496x64xf32, #tpu.memory_space<hbm>> -> memref<128x64xf32, #tpu.memory_space<hbm>>
    %dma_wait3A_292 = arith.constant 0 : i32
    %dma_wait3A_293 = arith.constant 0 : i32
    %dma_wait3A_294 = tpu.memref_slice %arg6[%dma_wait3A_283, %dma_wait3A_292, %dma_wait3A_293] : memref<4x128x128xf32, #tpu.memory_space<vmem>> -> memref<1x128x64xf32, #tpu.memory_space<vmem>>
    %dma_wait3A_295 = tpu.memref_squeeze %dma_wait3A_294 : memref<1x128x64xf32, #tpu.memory_space<vmem>> -> memref<128x64xf32, #tpu.memory_space<vmem>>
    tpu.wait_dma2 semaphore(%arg8 : memref<!tpu.dma_semaphore, #tpu.memory_space<semaphore_mem>>) src(%dma_wait3A_295 : memref<128x64xf32, #tpu.memory_space<vmem>>) dst(%dma_wait3A_291 : memref<128x64xf32, #tpu.memory_space<hbm>>)
    %dma_start3A_296 = arith.constant 0 : i32
    %dma_start3A_297 = arith.constant 0 : i32
    %dma_start3A_298 = arith.constant 0 : i32
    %dma_start3A_299 = tpu.memref_slice %arg6[%dma_start3A_296, %dma_start3A_297, %dma_start3A_298] : memref<4x128x128xf32, #tpu.memory_space<vmem>> -> memref<1x128x128xf32, #tpu.memory_space<vmem>>
    %dma_start3A_300 = tpu.memref_squeeze %dma_start3A_299 : memref<1x128x128xf32, #tpu.memory_space<vmem>> -> memref<128x128xf32, #tpu.memory_space<vmem>>
    %dma_start3A_301 = arith.constant 1024 : i32
    %dma_start3A_302 = tpu.memref_slice %arg5[%dma_start3A_301] : memref<3328xi32, #tpu.memory_space<vmem>> -> memref<128xi32, #tpu.memory_space<vmem>>
    %dma_start3A_303 = arith.constant 0 : i32
    %dma_start3A_304 = arith.constant 0 : i32
    %dma_start3A_305 = tpu.memref_slice %arg3[%dma_start3A_303, %dma_start3A_304] : memref<1040000x128xf32, #tpu.memory_space<hbm>> -> memref<1040000x128xf32, #tpu.memory_space<hbm>>
    tpu.enqueue_indirect_dma source(%dma_start3A_305 : memref<1040000x128xf32, #tpu.memory_space<hbm>>) target(%dma_start3A_300 : memref<128x128xf32, #tpu.memory_space<vmem>>) offsets(%dma_start3A_302 : memref<128xi32, #tpu.memory_space<vmem>>) semaphore(%arg7 : memref<!tpu.dma_semaphore, #tpu.memory_space<semaphore_mem>>)
    %dma_wait3A_306 = arith.constant 2 : i32
    %dma_wait3A_307 = arith.constant 0 : i32
    %dma_wait3A_308 = arith.constant 0 : i32
    %dma_wait3A_309 = tpu.memref_slice %arg6[%dma_wait3A_306, %dma_wait3A_307, %dma_wait3A_308] : memref<4x128x128xf32, #tpu.memory_space<vmem>> -> memref<1x128x128xf32, #tpu.memory_space<vmem>>
    %dma_wait3A_310 = tpu.memref_squeeze %dma_wait3A_309 : memref<1x128x128xf32, #tpu.memory_space<vmem>> -> memref<128x128xf32, #tpu.memory_space<vmem>>
    %dma_wait3A_311 = arith.constant 768 : i32
    %dma_wait3A_312 = tpu.memref_slice %arg5[%dma_wait3A_311] : memref<3328xi32, #tpu.memory_space<vmem>> -> memref<128xi32, #tpu.memory_space<vmem>>
    %dma_wait3A_313 = arith.constant 0 : i32
    %dma_wait3A_314 = arith.constant 0 : i32
    %dma_wait3A_315 = tpu.memref_slice %arg3[%dma_wait3A_313, %dma_wait3A_314] : memref<1040000x128xf32, #tpu.memory_space<hbm>> -> memref<1040000x128xf32, #tpu.memory_space<hbm>>
    tpu.wait_indirect_dma semaphore(%arg7 : memref<!tpu.dma_semaphore, #tpu.memory_space<semaphore_mem>>) src(%dma_wait3A_315 : memref<1040000x128xf32, #tpu.memory_space<hbm>>) dst(%dma_wait3A_310 : memref<128x128xf32, #tpu.memory_space<vmem>>)
    %add3A_316 = arith.constant 768 : i32
    %add3A_317 = arith.addi %mul3A_2, %add3A_316 : i32
    %dma_start3A_318 = arith.constant 2 : i32
    %dma_start3A_319 = arith.constant 0 : i32
    %dma_start3A_320 = arith.constant 0 : i32
    %dma_start3A_321 = tpu.memref_slice %arg6[%dma_start3A_318, %dma_start3A_319, %dma_start3A_320] : memref<4x128x128xf32, #tpu.memory_space<vmem>> -> memref<1x128x64xf32, #tpu.memory_space<vmem>>
    %dma_start3A_322 = tpu.memref_squeeze %dma_start3A_321 : memref<1x128x64xf32, #tpu.memory_space<vmem>> -> memref<128x64xf32, #tpu.memory_space<vmem>>
    %dma_start3A_323 = arith.constant 0 : i32
    %dma_start3A_324 = tpu.memref_slice %arg4[%add3A_317, %dma_start3A_323] : memref<106496x64xf32, #tpu.memory_space<hbm>> -> memref<128x64xf32, #tpu.memory_space<hbm>>
    %dma_start3A_325 = arith.constant 0 : i32
    %dma_start3A_326 = tpu.memref_slice %arg4[%add3A_317, %dma_start3A_325] : memref<106496x64xf32, #tpu.memory_space<hbm>> -> memref<128x64xf32, #tpu.memory_space<hbm>>
    %dma_start3A_327 = arith.constant 0 : i32
    %dma_start3A_328 = arith.constant 0 : i32
    %dma_start3A_329 = tpu.memref_slice %arg6[%dma_start3A_318, %dma_start3A_327, %dma_start3A_328] : memref<4x128x128xf32, #tpu.memory_space<vmem>> -> memref<1x128x64xf32, #tpu.memory_space<vmem>>
    %dma_start3A_330 = tpu.memref_squeeze %dma_start3A_329 : memref<1x128x64xf32, #tpu.memory_space<vmem>> -> memref<128x64xf32, #tpu.memory_space<vmem>>
    tpu.enqueue_dma source(%dma_start3A_330 : memref<128x64xf32, #tpu.memory_space<vmem>>) target(%dma_start3A_326 : memref<128x64xf32, #tpu.memory_space<hbm>>) target_semaphore(%arg8 : memref<!tpu.dma_semaphore, #tpu.memory_space<semaphore_mem>>)
    %dma_wait3A_331 = arith.constant 1 : i32
    %dma_wait3A_332 = arith.constant 0 : i32
    %dma_wait3A_333 = arith.constant 0 : i32
    %dma_wait3A_334 = tpu.memref_slice %arg6[%dma_wait3A_331, %dma_wait3A_332, %dma_wait3A_333] : memref<4x128x128xf32, #tpu.memory_space<vmem>> -> memref<1x128x64xf32, #tpu.memory_space<vmem>>
    %dma_wait3A_335 = tpu.memref_squeeze %dma_wait3A_334 : memref<1x128x64xf32, #tpu.memory_space<vmem>> -> memref<128x64xf32, #tpu.memory_space<vmem>>
    %dma_wait3A_336 = arith.constant 0 : i32
    %dma_wait3A_337 = tpu.memref_slice %arg4[%add3A_269, %dma_wait3A_336] : memref<106496x64xf32, #tpu.memory_space<hbm>> -> memref<128x64xf32, #tpu.memory_space<hbm>>
    %dma_wait3A_338 = arith.constant 0 : i32
    %dma_wait3A_339 = tpu.memref_slice %arg4[%add3A_269, %dma_wait3A_338] : memref<106496x64xf32, #tpu.memory_space<hbm>> -> memref<128x64xf32, #tpu.memory_space<hbm>>
    %dma_wait3A_340 = arith.constant 0 : i32
    %dma_wait3A_341 = arith.constant 0 : i32
    %dma_wait3A_342 = tpu.memref_slice %arg6[%dma_wait3A_331, %dma_wait3A_340, %dma_wait3A_341] : memref<4x128x128xf32, #tpu.memory_space<vmem>> -> memref<1x128x64xf32, #tpu.memory_space<vmem>>
    %dma_wait3A_343 = tpu.memref_squeeze %dma_wait3A_342 : memref<1x128x64xf32, #tpu.memory_space<vmem>> -> memref<128x64xf32, #tpu.memory_space<vmem>>
    tpu.wait_dma2 semaphore(%arg8 : memref<!tpu.dma_semaphore, #tpu.memory_space<semaphore_mem>>) src(%dma_wait3A_343 : memref<128x64xf32, #tpu.memory_space<vmem>>) dst(%dma_wait3A_339 : memref<128x64xf32, #tpu.memory_space<hbm>>)
    %dma_start3A_344 = arith.constant 1 : i32
    %dma_start3A_345 = arith.constant 0 : i32
    %dma_start3A_346 = arith.constant 0 : i32
    %dma_start3A_347 = tpu.memref_slice %arg6[%dma_start3A_344, %dma_start3A_345, %dma_start3A_346] : memref<4x128x128xf32, #tpu.memory_space<vmem>> -> memref<1x128x128xf32, #tpu.memory_space<vmem>>
    %dma_start3A_348 = tpu.memref_squeeze %dma_start3A_347 : memref<1x128x128xf32, #tpu.memory_space<vmem>> -> memref<128x128xf32, #tpu.memory_space<vmem>>
    %dma_start3A_349 = arith.constant 1152 : i32
    %dma_start3A_350 = tpu.memref_slice %arg5[%dma_start3A_349] : memref<3328xi32, #tpu.memory_space<vmem>> -> memref<128xi32, #tpu.memory_space<vmem>>
    %dma_start3A_351 = arith.constant 0 : i32
    %dma_start3A_352 = arith.constant 0 : i32
    %dma_start3A_353 = tpu.memref_slice %arg3[%dma_start3A_351, %dma_start3A_352] : memref<1040000x128xf32, #tpu.memory_space<hbm>> -> memref<1040000x128xf32, #tpu.memory_space<hbm>>
    tpu.enqueue_indirect_dma source(%dma_start3A_353 : memref<1040000x128xf32, #tpu.memory_space<hbm>>) target(%dma_start3A_348 : memref<128x128xf32, #tpu.memory_space<vmem>>) offsets(%dma_start3A_350 : memref<128xi32, #tpu.memory_space<vmem>>) semaphore(%arg7 : memref<!tpu.dma_semaphore, #tpu.memory_space<semaphore_mem>>)
    %dma_wait3A_354 = arith.constant 3 : i32
    %dma_wait3A_355 = arith.constant 0 : i32
    %dma_wait3A_356 = arith.constant 0 : i32
    %dma_wait3A_357 = tpu.memref_slice %arg6[%dma_wait3A_354, %dma_wait3A_355, %dma_wait3A_356] : memref<4x128x128xf32, #tpu.memory_space<vmem>> -> memref<1x128x128xf32, #tpu.memory_space<vmem>>
    %dma_wait3A_358 = tpu.memref_squeeze %dma_wait3A_357 : memref<1x128x128xf32, #tpu.memory_space<vmem>> -> memref<128x128xf32, #tpu.memory_space<vmem>>
    %dma_wait3A_359 = arith.constant 896 : i32
    %dma_wait3A_360 = tpu.memref_slice %arg5[%dma_wait3A_359] : memref<3328xi32, #tpu.memory_space<vmem>> -> memref<128xi32, #tpu.memory_space<vmem>>
    %dma_wait3A_361 = arith.constant 0 : i32
    %dma_wait3A_362 = arith.constant 0 : i32
    %dma_wait3A_363 = tpu.memref_slice %arg3[%dma_wait3A_361, %dma_wait3A_362] : memref<1040000x128xf32, #tpu.memory_space<hbm>> -> memref<1040000x128xf32, #tpu.memory_space<hbm>>
    tpu.wait_indirect_dma semaphore(%arg7 : memref<!tpu.dma_semaphore, #tpu.memory_space<semaphore_mem>>) src(%dma_wait3A_363 : memref<1040000x128xf32, #tpu.memory_space<hbm>>) dst(%dma_wait3A_358 : memref<128x128xf32, #tpu.memory_space<vmem>>)
    %add3A_364 = arith.constant 896 : i32
    %add3A_365 = arith.addi %mul3A_2, %add3A_364 : i32
    %dma_start3A_366 = arith.constant 3 : i32
    %dma_start3A_367 = arith.constant 0 : i32
    %dma_start3A_368 = arith.constant 0 : i32
    %dma_start3A_369 = tpu.memref_slice %arg6[%dma_start3A_366, %dma_start3A_367, %dma_start3A_368] : memref<4x128x128xf32, #tpu.memory_space<vmem>> -> memref<1x128x64xf32, #tpu.memory_space<vmem>>
    %dma_start3A_370 = tpu.memref_squeeze %dma_start3A_369 : memref<1x128x64xf32, #tpu.memory_space<vmem>> -> memref<128x64xf32, #tpu.memory_space<vmem>>
    %dma_start3A_371 = arith.constant 0 : i32
    %dma_start3A_372 = tpu.memref_slice %arg4[%add3A_365, %dma_start3A_371] : memref<106496x64xf32, #tpu.memory_space<hbm>> -> memref<128x64xf32, #tpu.memory_space<hbm>>
    %dma_start3A_373 = arith.constant 0 : i32
    %dma_start3A_374 = tpu.memref_slice %arg4[%add3A_365, %dma_start3A_373] : memref<106496x64xf32, #tpu.memory_space<hbm>> -> memref<128x64xf32, #tpu.memory_space<hbm>>
    %dma_start3A_375 = arith.constant 0 : i32
    %dma_start3A_376 = arith.constant 0 : i32
    %dma_start3A_377 = tpu.memref_slice %arg6[%dma_start3A_366, %dma_start3A_375, %dma_start3A_376] : memref<4x128x128xf32, #tpu.memory_space<vmem>> -> memref<1x128x64xf32, #tpu.memory_space<vmem>>
    %dma_start3A_378 = tpu.memref_squeeze %dma_start3A_377 : memref<1x128x64xf32, #tpu.memory_space<vmem>> -> memref<128x64xf32, #tpu.memory_space<vmem>>
    tpu.enqueue_dma source(%dma_start3A_378 : memref<128x64xf32, #tpu.memory_space<vmem>>) target(%dma_start3A_374 : memref<128x64xf32, #tpu.memory_space<hbm>>) target_semaphore(%arg8 : memref<!tpu.dma_semaphore, #tpu.memory_space<semaphore_mem>>)
    %dma_wait3A_379 = arith.constant 2 : i32
    %dma_wait3A_380 = arith.constant 0 : i32
    %dma_wait3A_381 = arith.constant 0 : i32
    %dma_wait3A_382 = tpu.memref_slice %arg6[%dma_wait3A_379, %dma_wait3A_380, %dma_wait3A_381] : memref<4x128x128xf32, #tpu.memory_space<vmem>> -> memref<1x128x64xf32, #tpu.memory_space<vmem>>
    %dma_wait3A_383 = tpu.memref_squeeze %dma_wait3A_382 : memref<1x128x64xf32, #tpu.memory_space<vmem>> -> memref<128x64xf32, #tpu.memory_space<vmem>>
    %dma_wait3A_384 = arith.constant 0 : i32
    %dma_wait3A_385 = tpu.memref_slice %arg4[%add3A_317, %dma_wait3A_384] : memref<106496x64xf32, #tpu.memory_space<hbm>> -> memref<128x64xf32, #tpu.memory_space<hbm>>
    %dma_wait3A_386 = arith.constant 0 : i32
    %dma_wait3A_387 = tpu.memref_slice %arg4[%add3A_317, %dma_wait3A_386] : memref<106496x64xf32, #tpu.memory_space<hbm>> -> memref<128x64xf32, #tpu.memory_space<hbm>>
    %dma_wait3A_388 = arith.constant 0 : i32
    %dma_wait3A_389 = arith.constant 0 : i32
    %dma_wait3A_390 = tpu.memref_slice %arg6[%dma_wait3A_379, %dma_wait3A_388, %dma_wait3A_389] : memref<4x128x128xf32, #tpu.memory_space<vmem>> -> memref<1x128x64xf32, #tpu.memory_space<vmem>>
    %dma_wait3A_391 = tpu.memref_squeeze %dma_wait3A_390 : memref<1x128x64xf32, #tpu.memory_space<vmem>> -> memref<128x64xf32, #tpu.memory_space<vmem>>
    tpu.wait_dma2 semaphore(%arg8 : memref<!tpu.dma_semaphore, #tpu.memory_space<semaphore_mem>>) src(%dma_wait3A_391 : memref<128x64xf32, #tpu.memory_space<vmem>>) dst(%dma_wait3A_387 : memref<128x64xf32, #tpu.memory_space<hbm>>)
    %dma_start3A_392 = arith.constant 2 : i32
    %dma_start3A_393 = arith.constant 0 : i32
    %dma_start3A_394 = arith.constant 0 : i32
    %dma_start3A_395 = tpu.memref_slice %arg6[%dma_start3A_392, %dma_start3A_393, %dma_start3A_394] : memref<4x128x128xf32, #tpu.memory_space<vmem>> -> memref<1x128x128xf32, #tpu.memory_space<vmem>>
    %dma_start3A_396 = tpu.memref_squeeze %dma_start3A_395 : memref<1x128x128xf32, #tpu.memory_space<vmem>> -> memref<128x128xf32, #tpu.memory_space<vmem>>
    %dma_start3A_397 = arith.constant 1280 : i32
    %dma_start3A_398 = tpu.memref_slice %arg5[%dma_start3A_397] : memref<3328xi32, #tpu.memory_space<vmem>> -> memref<128xi32, #tpu.memory_space<vmem>>
    %dma_start3A_399 = arith.constant 0 : i32
    %dma_start3A_400 = arith.constant 0 : i32
    %dma_start3A_401 = tpu.memref_slice %arg3[%dma_start3A_399, %dma_start3A_400] : memref<1040000x128xf32, #tpu.memory_space<hbm>> -> memref<1040000x128xf32, #tpu.memory_space<hbm>>
    tpu.enqueue_indirect_dma source(%dma_start3A_401 : memref<1040000x128xf32, #tpu.memory_space<hbm>>) target(%dma_start3A_396 : memref<128x128xf32, #tpu.memory_space<vmem>>) offsets(%dma_start3A_398 : memref<128xi32, #tpu.memory_space<vmem>>) semaphore(%arg7 : memref<!tpu.dma_semaphore, #tpu.memory_space<semaphore_mem>>)
    %dma_wait3A_402 = arith.constant 0 : i32
    %dma_wait3A_403 = arith.constant 0 : i32
    %dma_wait3A_404 = arith.constant 0 : i32
    %dma_wait3A_405 = tpu.memref_slice %arg6[%dma_wait3A_402, %dma_wait3A_403, %dma_wait3A_404] : memref<4x128x128xf32, #tpu.memory_space<vmem>> -> memref<1x128x128xf32, #tpu.memory_space<vmem>>
    %dma_wait3A_406 = tpu.memref_squeeze %dma_wait3A_405 : memref<1x128x128xf32, #tpu.memory_space<vmem>> -> memref<128x128xf32, #tpu.memory_space<vmem>>
    %dma_wait3A_407 = arith.constant 1024 : i32
    %dma_wait3A_408 = tpu.memref_slice %arg5[%dma_wait3A_407] : memref<3328xi32, #tpu.memory_space<vmem>> -> memref<128xi32, #tpu.memory_space<vmem>>
    %dma_wait3A_409 = arith.constant 0 : i32
    %dma_wait3A_410 = arith.constant 0 : i32
    %dma_wait3A_411 = tpu.memref_slice %arg3[%dma_wait3A_409, %dma_wait3A_410] : memref<1040000x128xf32, #tpu.memory_space<hbm>> -> memref<1040000x128xf32, #tpu.memory_space<hbm>>
    tpu.wait_indirect_dma semaphore(%arg7 : memref<!tpu.dma_semaphore, #tpu.memory_space<semaphore_mem>>) src(%dma_wait3A_411 : memref<1040000x128xf32, #tpu.memory_space<hbm>>) dst(%dma_wait3A_406 : memref<128x128xf32, #tpu.memory_space<vmem>>)
    %add3A_412 = arith.constant 1024 : i32
    %add3A_413 = arith.addi %mul3A_2, %add3A_412 : i32
    %dma_start3A_414 = arith.constant 0 : i32
    %dma_start3A_415 = arith.constant 0 : i32
    %dma_start3A_416 = arith.constant 0 : i32
    %dma_start3A_417 = tpu.memref_slice %arg6[%dma_start3A_414, %dma_start3A_415, %dma_start3A_416] : memref<4x128x128xf32, #tpu.memory_space<vmem>> -> memref<1x128x64xf32, #tpu.memory_space<vmem>>
    %dma_start3A_418 = tpu.memref_squeeze %dma_start3A_417 : memref<1x128x64xf32, #tpu.memory_space<vmem>> -> memref<128x64xf32, #tpu.memory_space<vmem>>
    %dma_start3A_419 = arith.constant 0 : i32
    %dma_start3A_420 = tpu.memref_slice %arg4[%add3A_413, %dma_start3A_419] : memref<106496x64xf32, #tpu.memory_space<hbm>> -> memref<128x64xf32, #tpu.memory_space<hbm>>
    %dma_start3A_421 = arith.constant 0 : i32
    %dma_start3A_422 = tpu.memref_slice %arg4[%add3A_413, %dma_start3A_421] : memref<106496x64xf32, #tpu.memory_space<hbm>> -> memref<128x64xf32, #tpu.memory_space<hbm>>
    %dma_start3A_423 = arith.constant 0 : i32
    %dma_start3A_424 = arith.constant 0 : i32
    %dma_start3A_425 = tpu.memref_slice %arg6[%dma_start3A_414, %dma_start3A_423, %dma_start3A_424] : memref<4x128x128xf32, #tpu.memory_space<vmem>> -> memref<1x128x64xf32, #tpu.memory_space<vmem>>
    %dma_start3A_426 = tpu.memref_squeeze %dma_start3A_425 : memref<1x128x64xf32, #tpu.memory_space<vmem>> -> memref<128x64xf32, #tpu.memory_space<vmem>>
    tpu.enqueue_dma source(%dma_start3A_426 : memref<128x64xf32, #tpu.memory_space<vmem>>) target(%dma_start3A_422 : memref<128x64xf32, #tpu.memory_space<hbm>>) target_semaphore(%arg8 : memref<!tpu.dma_semaphore, #tpu.memory_space<semaphore_mem>>)
    %dma_wait3A_427 = arith.constant 3 : i32
    %dma_wait3A_428 = arith.constant 0 : i32
    %dma_wait3A_429 = arith.constant 0 : i32
    %dma_wait3A_430 = tpu.memref_slice %arg6[%dma_wait3A_427, %dma_wait3A_428, %dma_wait3A_429] : memref<4x128x128xf32, #tpu.memory_space<vmem>> -> memref<1x128x64xf32, #tpu.memory_space<vmem>>
    %dma_wait3A_431 = tpu.memref_squeeze %dma_wait3A_430 : memref<1x128x64xf32, #tpu.memory_space<vmem>> -> memref<128x64xf32, #tpu.memory_space<vmem>>
    %dma_wait3A_432 = arith.constant 0 : i32
    %dma_wait3A_433 = tpu.memref_slice %arg4[%add3A_365, %dma_wait3A_432] : memref<106496x64xf32, #tpu.memory_space<hbm>> -> memref<128x64xf32, #tpu.memory_space<hbm>>
    %dma_wait3A_434 = arith.constant 0 : i32
    %dma_wait3A_435 = tpu.memref_slice %arg4[%add3A_365, %dma_wait3A_434] : memref<106496x64xf32, #tpu.memory_space<hbm>> -> memref<128x64xf32, #tpu.memory_space<hbm>>
    %dma_wait3A_436 = arith.constant 0 : i32
    %dma_wait3A_437 = arith.constant 0 : i32
    %dma_wait3A_438 = tpu.memref_slice %arg6[%dma_wait3A_427, %dma_wait3A_436, %dma_wait3A_437] : memref<4x128x128xf32, #tpu.memory_space<vmem>> -> memref<1x128x64xf32, #tpu.memory_space<vmem>>
    %dma_wait3A_439 = tpu.memref_squeeze %dma_wait3A_438 : memref<1x128x64xf32, #tpu.memory_space<vmem>> -> memref<128x64xf32, #tpu.memory_space<vmem>>
    tpu.wait_dma2 semaphore(%arg8 : memref<!tpu.dma_semaphore, #tpu.memory_space<semaphore_mem>>) src(%dma_wait3A_439 : memref<128x64xf32, #tpu.memory_space<vmem>>) dst(%dma_wait3A_435 : memref<128x64xf32, #tpu.memory_space<hbm>>)
    %dma_start3A_440 = arith.constant 3 : i32
    %dma_start3A_441 = arith.constant 0 : i32
    %dma_start3A_442 = arith.constant 0 : i32
    %dma_start3A_443 = tpu.memref_slice %arg6[%dma_start3A_440, %dma_start3A_441, %dma_start3A_442] : memref<4x128x128xf32, #tpu.memory_space<vmem>> -> memref<1x128x128xf32, #tpu.memory_space<vmem>>
    %dma_start3A_444 = tpu.memref_squeeze %dma_start3A_443 : memref<1x128x128xf32, #tpu.memory_space<vmem>> -> memref<128x128xf32, #tpu.memory_space<vmem>>
    %dma_start3A_445 = arith.constant 1408 : i32
    %dma_start3A_446 = tpu.memref_slice %arg5[%dma_start3A_445] : memref<3328xi32, #tpu.memory_space<vmem>> -> memref<128xi32, #tpu.memory_space<vmem>>
    %dma_start3A_447 = arith.constant 0 : i32
    %dma_start3A_448 = arith.constant 0 : i32
    %dma_start3A_449 = tpu.memref_slice %arg3[%dma_start3A_447, %dma_start3A_448] : memref<1040000x128xf32, #tpu.memory_space<hbm>> -> memref<1040000x128xf32, #tpu.memory_space<hbm>>
    tpu.enqueue_indirect_dma source(%dma_start3A_449 : memref<1040000x128xf32, #tpu.memory_space<hbm>>) target(%dma_start3A_444 : memref<128x128xf32, #tpu.memory_space<vmem>>) offsets(%dma_start3A_446 : memref<128xi32, #tpu.memory_space<vmem>>) semaphore(%arg7 : memref<!tpu.dma_semaphore, #tpu.memory_space<semaphore_mem>>)
    %dma_wait3A_450 = arith.constant 1 : i32
    %dma_wait3A_451 = arith.constant 0 : i32
    %dma_wait3A_452 = arith.constant 0 : i32
    %dma_wait3A_453 = tpu.memref_slice %arg6[%dma_wait3A_450, %dma_wait3A_451, %dma_wait3A_452] : memref<4x128x128xf32, #tpu.memory_space<vmem>> -> memref<1x128x128xf32, #tpu.memory_space<vmem>>
    %dma_wait3A_454 = tpu.memref_squeeze %dma_wait3A_453 : memref<1x128x128xf32, #tpu.memory_space<vmem>> -> memref<128x128xf32, #tpu.memory_space<vmem>>
    %dma_wait3A_455 = arith.constant 1152 : i32
    %dma_wait3A_456 = tpu.memref_slice %arg5[%dma_wait3A_455] : memref<3328xi32, #tpu.memory_space<vmem>> -> memref<128xi32, #tpu.memory_space<vmem>>
    %dma_wait3A_457 = arith.constant 0 : i32
    %dma_wait3A_458 = arith.constant 0 : i32
    %dma_wait3A_459 = tpu.memref_slice %arg3[%dma_wait3A_457, %dma_wait3A_458] : memref<1040000x128xf32, #tpu.memory_space<hbm>> -> memref<1040000x128xf32, #tpu.memory_space<hbm>>
    tpu.wait_indirect_dma semaphore(%arg7 : memref<!tpu.dma_semaphore, #tpu.memory_space<semaphore_mem>>) src(%dma_wait3A_459 : memref<1040000x128xf32, #tpu.memory_space<hbm>>) dst(%dma_wait3A_454 : memref<128x128xf32, #tpu.memory_space<vmem>>)
    %add3A_460 = arith.constant 1152 : i32
    %add3A_461 = arith.addi %mul3A_2, %add3A_460 : i32
    %dma_start3A_462 = arith.constant 1 : i32
    %dma_start3A_463 = arith.constant 0 : i32
    %dma_start3A_464 = arith.constant 0 : i32
    %dma_start3A_465 = tpu.memref_slice %arg6[%dma_start3A_462, %dma_start3A_463, %dma_start3A_464] : memref<4x128x128xf32, #tpu.memory_space<vmem>> -> memref<1x128x64xf32, #tpu.memory_space<vmem>>
    %dma_start3A_466 = tpu.memref_squeeze %dma_start3A_465 : memref<1x128x64xf32, #tpu.memory_space<vmem>> -> memref<128x64xf32, #tpu.memory_space<vmem>>
    %dma_start3A_467 = arith.constant 0 : i32
    %dma_start3A_468 = tpu.memref_slice %arg4[%add3A_461, %dma_start3A_467] : memref<106496x64xf32, #tpu.memory_space<hbm>> -> memref<128x64xf32, #tpu.memory_space<hbm>>
    %dma_start3A_469 = arith.constant 0 : i32
    %dma_start3A_470 = tpu.memref_slice %arg4[%add3A_461, %dma_start3A_469] : memref<106496x64xf32, #tpu.memory_space<hbm>> -> memref<128x64xf32, #tpu.memory_space<hbm>>
    %dma_start3A_471 = arith.constant 0 : i32
    %dma_start3A_472 = arith.constant 0 : i32
    %dma_start3A_473 = tpu.memref_slice %arg6[%dma_start3A_462, %dma_start3A_471, %dma_start3A_472] : memref<4x128x128xf32, #tpu.memory_space<vmem>> -> memref<1x128x64xf32, #tpu.memory_space<vmem>>
    %dma_start3A_474 = tpu.memref_squeeze %dma_start3A_473 : memref<1x128x64xf32, #tpu.memory_space<vmem>> -> memref<128x64xf32, #tpu.memory_space<vmem>>
    tpu.enqueue_dma source(%dma_start3A_474 : memref<128x64xf32, #tpu.memory_space<vmem>>) target(%dma_start3A_470 : memref<128x64xf32, #tpu.memory_space<hbm>>) target_semaphore(%arg8 : memref<!tpu.dma_semaphore, #tpu.memory_space<semaphore_mem>>)
    %dma_wait3A_475 = arith.constant 0 : i32
    %dma_wait3A_476 = arith.constant 0 : i32
    %dma_wait3A_477 = arith.constant 0 : i32
    %dma_wait3A_478 = tpu.memref_slice %arg6[%dma_wait3A_475, %dma_wait3A_476, %dma_wait3A_477] : memref<4x128x128xf32, #tpu.memory_space<vmem>> -> memref<1x128x64xf32, #tpu.memory_space<vmem>>
    %dma_wait3A_479 = tpu.memref_squeeze %dma_wait3A_478 : memref<1x128x64xf32, #tpu.memory_space<vmem>> -> memref<128x64xf32, #tpu.memory_space<vmem>>
    %dma_wait3A_480 = arith.constant 0 : i32
    %dma_wait3A_481 = tpu.memref_slice %arg4[%add3A_413, %dma_wait3A_480] : memref<106496x64xf32, #tpu.memory_space<hbm>> -> memref<128x64xf32, #tpu.memory_space<hbm>>
    %dma_wait3A_482 = arith.constant 0 : i32
    %dma_wait3A_483 = tpu.memref_slice %arg4[%add3A_413, %dma_wait3A_482] : memref<106496x64xf32, #tpu.memory_space<hbm>> -> memref<128x64xf32, #tpu.memory_space<hbm>>
    %dma_wait3A_484 = arith.constant 0 : i32
    %dma_wait3A_485 = arith.constant 0 : i32
    %dma_wait3A_486 = tpu.memref_slice %arg6[%dma_wait3A_475, %dma_wait3A_484, %dma_wait3A_485] : memref<4x128x128xf32, #tpu.memory_space<vmem>> -> memref<1x128x64xf32, #tpu.memory_space<vmem>>
    %dma_wait3A_487 = tpu.memref_squeeze %dma_wait3A_486 : memref<1x128x64xf32, #tpu.memory_space<vmem>> -> memref<128x64xf32, #tpu.memory_space<vmem>>
    tpu.wait_dma2 semaphore(%arg8 : memref<!tpu.dma_semaphore, #tpu.memory_space<semaphore_mem>>) src(%dma_wait3A_487 : memref<128x64xf32, #tpu.memory_space<vmem>>) dst(%dma_wait3A_483 : memref<128x64xf32, #tpu.memory_space<hbm>>)
    %dma_start3A_488 = arith.constant 0 : i32
    %dma_start3A_489 = arith.constant 0 : i32
    %dma_start3A_490 = arith.constant 0 : i32
    %dma_start3A_491 = tpu.memref_slice %arg6[%dma_start3A_488, %dma_start3A_489, %dma_start3A_490] : memref<4x128x128xf32, #tpu.memory_space<vmem>> -> memref<1x128x128xf32, #tpu.memory_space<vmem>>
    %dma_start3A_492 = tpu.memref_squeeze %dma_start3A_491 : memref<1x128x128xf32, #tpu.memory_space<vmem>> -> memref<128x128xf32, #tpu.memory_space<vmem>>
    %dma_start3A_493 = arith.constant 1536 : i32
    %dma_start3A_494 = tpu.memref_slice %arg5[%dma_start3A_493] : memref<3328xi32, #tpu.memory_space<vmem>> -> memref<128xi32, #tpu.memory_space<vmem>>
    %dma_start3A_495 = arith.constant 0 : i32
    %dma_start3A_496 = arith.constant 0 : i32
    %dma_start3A_497 = tpu.memref_slice %arg3[%dma_start3A_495, %dma_start3A_496] : memref<1040000x128xf32, #tpu.memory_space<hbm>> -> memref<1040000x128xf32, #tpu.memory_space<hbm>>
    tpu.enqueue_indirect_dma source(%dma_start3A_497 : memref<1040000x128xf32, #tpu.memory_space<hbm>>) target(%dma_start3A_492 : memref<128x128xf32, #tpu.memory_space<vmem>>) offsets(%dma_start3A_494 : memref<128xi32, #tpu.memory_space<vmem>>) semaphore(%arg7 : memref<!tpu.dma_semaphore, #tpu.memory_space<semaphore_mem>>)
    %dma_wait3A_498 = arith.constant 2 : i32
    %dma_wait3A_499 = arith.constant 0 : i32
    %dma_wait3A_500 = arith.constant 0 : i32
    %dma_wait3A_501 = tpu.memref_slice %arg6[%dma_wait3A_498, %dma_wait3A_499, %dma_wait3A_500] : memref<4x128x128xf32, #tpu.memory_space<vmem>> -> memref<1x128x128xf32, #tpu.memory_space<vmem>>
    %dma_wait3A_502 = tpu.memref_squeeze %dma_wait3A_501 : memref<1x128x128xf32, #tpu.memory_space<vmem>> -> memref<128x128xf32, #tpu.memory_space<vmem>>
    %dma_wait3A_503 = arith.constant 1280 : i32
    %dma_wait3A_504 = tpu.memref_slice %arg5[%dma_wait3A_503] : memref<3328xi32, #tpu.memory_space<vmem>> -> memref<128xi32, #tpu.memory_space<vmem>>
    %dma_wait3A_505 = arith.constant 0 : i32
    %dma_wait3A_506 = arith.constant 0 : i32
    %dma_wait3A_507 = tpu.memref_slice %arg3[%dma_wait3A_505, %dma_wait3A_506] : memref<1040000x128xf32, #tpu.memory_space<hbm>> -> memref<1040000x128xf32, #tpu.memory_space<hbm>>
    tpu.wait_indirect_dma semaphore(%arg7 : memref<!tpu.dma_semaphore, #tpu.memory_space<semaphore_mem>>) src(%dma_wait3A_507 : memref<1040000x128xf32, #tpu.memory_space<hbm>>) dst(%dma_wait3A_502 : memref<128x128xf32, #tpu.memory_space<vmem>>)
    %add3A_508 = arith.constant 1280 : i32
    %add3A_509 = arith.addi %mul3A_2, %add3A_508 : i32
    %dma_start3A_510 = arith.constant 2 : i32
    %dma_start3A_511 = arith.constant 0 : i32
    %dma_start3A_512 = arith.constant 0 : i32
    %dma_start3A_513 = tpu.memref_slice %arg6[%dma_start3A_510, %dma_start3A_511, %dma_start3A_512] : memref<4x128x128xf32, #tpu.memory_space<vmem>> -> memref<1x128x64xf32, #tpu.memory_space<vmem>>
    %dma_start3A_514 = tpu.memref_squeeze %dma_start3A_513 : memref<1x128x64xf32, #tpu.memory_space<vmem>> -> memref<128x64xf32, #tpu.memory_space<vmem>>
    %dma_start3A_515 = arith.constant 0 : i32
    %dma_start3A_516 = tpu.memref_slice %arg4[%add3A_509, %dma_start3A_515] : memref<106496x64xf32, #tpu.memory_space<hbm>> -> memref<128x64xf32, #tpu.memory_space<hbm>>
    %dma_start3A_517 = arith.constant 0 : i32
    %dma_start3A_518 = tpu.memref_slice %arg4[%add3A_509, %dma_start3A_517] : memref<106496x64xf32, #tpu.memory_space<hbm>> -> memref<128x64xf32, #tpu.memory_space<hbm>>
    %dma_start3A_519 = arith.constant 0 : i32
    %dma_start3A_520 = arith.constant 0 : i32
    %dma_start3A_521 = tpu.memref_slice %arg6[%dma_start3A_510, %dma_start3A_519, %dma_start3A_520] : memref<4x128x128xf32, #tpu.memory_space<vmem>> -> memref<1x128x64xf32, #tpu.memory_space<vmem>>
    %dma_start3A_522 = tpu.memref_squeeze %dma_start3A_521 : memref<1x128x64xf32, #tpu.memory_space<vmem>> -> memref<128x64xf32, #tpu.memory_space<vmem>>
    tpu.enqueue_dma source(%dma_start3A_522 : memref<128x64xf32, #tpu.memory_space<vmem>>) target(%dma_start3A_518 : memref<128x64xf32, #tpu.memory_space<hbm>>) target_semaphore(%arg8 : memref<!tpu.dma_semaphore, #tpu.memory_space<semaphore_mem>>)
    %dma_wait3A_523 = arith.constant 1 : i32
    %dma_wait3A_524 = arith.constant 0 : i32
    %dma_wait3A_525 = arith.constant 0 : i32
    %dma_wait3A_526 = tpu.memref_slice %arg6[%dma_wait3A_523, %dma_wait3A_524, %dma_wait3A_525] : memref<4x128x128xf32, #tpu.memory_space<vmem>> -> memref<1x128x64xf32, #tpu.memory_space<vmem>>
    %dma_wait3A_527 = tpu.memref_squeeze %dma_wait3A_526 : memref<1x128x64xf32, #tpu.memory_space<vmem>> -> memref<128x64xf32, #tpu.memory_space<vmem>>
    %dma_wait3A_528 = arith.constant 0 : i32
    %dma_wait3A_529 = tpu.memref_slice %arg4[%add3A_461, %dma_wait3A_528] : memref<106496x64xf32, #tpu.memory_space<hbm>> -> memref<128x64xf32, #tpu.memory_space<hbm>>
    %dma_wait3A_530 = arith.constant 0 : i32
    %dma_wait3A_531 = tpu.memref_slice %arg4[%add3A_461, %dma_wait3A_530] : memref<106496x64xf32, #tpu.memory_space<hbm>> -> memref<128x64xf32, #tpu.memory_space<hbm>>
    %dma_wait3A_532 = arith.constant 0 : i32
    %dma_wait3A_533 = arith.constant 0 : i32
    %dma_wait3A_534 = tpu.memref_slice %arg6[%dma_wait3A_523, %dma_wait3A_532, %dma_wait3A_533] : memref<4x128x128xf32, #tpu.memory_space<vmem>> -> memref<1x128x64xf32, #tpu.memory_space<vmem>>
    %dma_wait3A_535 = tpu.memref_squeeze %dma_wait3A_534 : memref<1x128x64xf32, #tpu.memory_space<vmem>> -> memref<128x64xf32, #tpu.memory_space<vmem>>
    tpu.wait_dma2 semaphore(%arg8 : memref<!tpu.dma_semaphore, #tpu.memory_space<semaphore_mem>>) src(%dma_wait3A_535 : memref<128x64xf32, #tpu.memory_space<vmem>>) dst(%dma_wait3A_531 : memref<128x64xf32, #tpu.memory_space<hbm>>)
    %dma_start3A_536 = arith.constant 1 : i32
    %dma_start3A_537 = arith.constant 0 : i32
    %dma_start3A_538 = arith.constant 0 : i32
    %dma_start3A_539 = tpu.memref_slice %arg6[%dma_start3A_536, %dma_start3A_537, %dma_start3A_538] : memref<4x128x128xf32, #tpu.memory_space<vmem>> -> memref<1x128x128xf32, #tpu.memory_space<vmem>>
    %dma_start3A_540 = tpu.memref_squeeze %dma_start3A_539 : memref<1x128x128xf32, #tpu.memory_space<vmem>> -> memref<128x128xf32, #tpu.memory_space<vmem>>
    %dma_start3A_541 = arith.constant 1664 : i32
    %dma_start3A_542 = tpu.memref_slice %arg5[%dma_start3A_541] : memref<3328xi32, #tpu.memory_space<vmem>> -> memref<128xi32, #tpu.memory_space<vmem>>
    %dma_start3A_543 = arith.constant 0 : i32
    %dma_start3A_544 = arith.constant 0 : i32
    %dma_start3A_545 = tpu.memref_slice %arg3[%dma_start3A_543, %dma_start3A_544] : memref<1040000x128xf32, #tpu.memory_space<hbm>> -> memref<1040000x128xf32, #tpu.memory_space<hbm>>
    tpu.enqueue_indirect_dma source(%dma_start3A_545 : memref<1040000x128xf32, #tpu.memory_space<hbm>>) target(%dma_start3A_540 : memref<128x128xf32, #tpu.memory_space<vmem>>) offsets(%dma_start3A_542 : memref<128xi32, #tpu.memory_space<vmem>>) semaphore(%arg7 : memref<!tpu.dma_semaphore, #tpu.memory_space<semaphore_mem>>)
    %dma_wait3A_546 = arith.constant 3 : i32
    %dma_wait3A_547 = arith.constant 0 : i32
    %dma_wait3A_548 = arith.constant 0 : i32
    %dma_wait3A_549 = tpu.memref_slice %arg6[%dma_wait3A_546, %dma_wait3A_547, %dma_wait3A_548] : memref<4x128x128xf32, #tpu.memory_space<vmem>> -> memref<1x128x128xf32, #tpu.memory_space<vmem>>
    %dma_wait3A_550 = tpu.memref_squeeze %dma_wait3A_549 : memref<1x128x128xf32, #tpu.memory_space<vmem>> -> memref<128x128xf32, #tpu.memory_space<vmem>>
    %dma_wait3A_551 = arith.constant 1408 : i32
    %dma_wait3A_552 = tpu.memref_slice %arg5[%dma_wait3A_551] : memref<3328xi32, #tpu.memory_space<vmem>> -> memref<128xi32, #tpu.memory_space<vmem>>
    %dma_wait3A_553 = arith.constant 0 : i32
    %dma_wait3A_554 = arith.constant 0 : i32
    %dma_wait3A_555 = tpu.memref_slice %arg3[%dma_wait3A_553, %dma_wait3A_554] : memref<1040000x128xf32, #tpu.memory_space<hbm>> -> memref<1040000x128xf32, #tpu.memory_space<hbm>>
    tpu.wait_indirect_dma semaphore(%arg7 : memref<!tpu.dma_semaphore, #tpu.memory_space<semaphore_mem>>) src(%dma_wait3A_555 : memref<1040000x128xf32, #tpu.memory_space<hbm>>) dst(%dma_wait3A_550 : memref<128x128xf32, #tpu.memory_space<vmem>>)
    %add3A_556 = arith.constant 1408 : i32
    %add3A_557 = arith.addi %mul3A_2, %add3A_556 : i32
    %dma_start3A_558 = arith.constant 3 : i32
    %dma_start3A_559 = arith.constant 0 : i32
    %dma_start3A_560 = arith.constant 0 : i32
    %dma_start3A_561 = tpu.memref_slice %arg6[%dma_start3A_558, %dma_start3A_559, %dma_start3A_560] : memref<4x128x128xf32, #tpu.memory_space<vmem>> -> memref<1x128x64xf32, #tpu.memory_space<vmem>>
    %dma_start3A_562 = tpu.memref_squeeze %dma_start3A_561 : memref<1x128x64xf32, #tpu.memory_space<vmem>> -> memref<128x64xf32, #tpu.memory_space<vmem>>
    %dma_start3A_563 = arith.constant 0 : i32
    %dma_start3A_564 = tpu.memref_slice %arg4[%add3A_557, %dma_start3A_563] : memref<106496x64xf32, #tpu.memory_space<hbm>> -> memref<128x64xf32, #tpu.memory_space<hbm>>
    %dma_start3A_565 = arith.constant 0 : i32
    %dma_start3A_566 = tpu.memref_slice %arg4[%add3A_557, %dma_start3A_565] : memref<106496x64xf32, #tpu.memory_space<hbm>> -> memref<128x64xf32, #tpu.memory_space<hbm>>
    %dma_start3A_567 = arith.constant 0 : i32
    %dma_start3A_568 = arith.constant 0 : i32
    %dma_start3A_569 = tpu.memref_slice %arg6[%dma_start3A_558, %dma_start3A_567, %dma_start3A_568] : memref<4x128x128xf32, #tpu.memory_space<vmem>> -> memref<1x128x64xf32, #tpu.memory_space<vmem>>
    %dma_start3A_570 = tpu.memref_squeeze %dma_start3A_569 : memref<1x128x64xf32, #tpu.memory_space<vmem>> -> memref<128x64xf32, #tpu.memory_space<vmem>>
    tpu.enqueue_dma source(%dma_start3A_570 : memref<128x64xf32, #tpu.memory_space<vmem>>) target(%dma_start3A_566 : memref<128x64xf32, #tpu.memory_space<hbm>>) target_semaphore(%arg8 : memref<!tpu.dma_semaphore, #tpu.memory_space<semaphore_mem>>)
    %dma_wait3A_571 = arith.constant 2 : i32
    %dma_wait3A_572 = arith.constant 0 : i32
    %dma_wait3A_573 = arith.constant 0 : i32
    %dma_wait3A_574 = tpu.memref_slice %arg6[%dma_wait3A_571, %dma_wait3A_572, %dma_wait3A_573] : memref<4x128x128xf32, #tpu.memory_space<vmem>> -> memref<1x128x64xf32, #tpu.memory_space<vmem>>
    %dma_wait3A_575 = tpu.memref_squeeze %dma_wait3A_574 : memref<1x128x64xf32, #tpu.memory_space<vmem>> -> memref<128x64xf32, #tpu.memory_space<vmem>>
    %dma_wait3A_576 = arith.constant 0 : i32
    %dma_wait3A_577 = tpu.memref_slice %arg4[%add3A_509, %dma_wait3A_576] : memref<106496x64xf32, #tpu.memory_space<hbm>> -> memref<128x64xf32, #tpu.memory_space<hbm>>
    %dma_wait3A_578 = arith.constant 0 : i32
    %dma_wait3A_579 = tpu.memref_slice %arg4[%add3A_509, %dma_wait3A_578] : memref<106496x64xf32, #tpu.memory_space<hbm>> -> memref<128x64xf32, #tpu.memory_space<hbm>>
    %dma_wait3A_580 = arith.constant 0 : i32
    %dma_wait3A_581 = arith.constant 0 : i32
    %dma_wait3A_582 = tpu.memref_slice %arg6[%dma_wait3A_571, %dma_wait3A_580, %dma_wait3A_581] : memref<4x128x128xf32, #tpu.memory_space<vmem>> -> memref<1x128x64xf32, #tpu.memory_space<vmem>>
    %dma_wait3A_583 = tpu.memref_squeeze %dma_wait3A_582 : memref<1x128x64xf32, #tpu.memory_space<vmem>> -> memref<128x64xf32, #tpu.memory_space<vmem>>
    tpu.wait_dma2 semaphore(%arg8 : memref<!tpu.dma_semaphore, #tpu.memory_space<semaphore_mem>>) src(%dma_wait3A_583 : memref<128x64xf32, #tpu.memory_space<vmem>>) dst(%dma_wait3A_579 : memref<128x64xf32, #tpu.memory_space<hbm>>)
    %dma_start3A_584 = arith.constant 2 : i32
    %dma_start3A_585 = arith.constant 0 : i32
    %dma_start3A_586 = arith.constant 0 : i32
    %dma_start3A_587 = tpu.memref_slice %arg6[%dma_start3A_584, %dma_start3A_585, %dma_start3A_586] : memref<4x128x128xf32, #tpu.memory_space<vmem>> -> memref<1x128x128xf32, #tpu.memory_space<vmem>>
    %dma_start3A_588 = tpu.memref_squeeze %dma_start3A_587 : memref<1x128x128xf32, #tpu.memory_space<vmem>> -> memref<128x128xf32, #tpu.memory_space<vmem>>
    %dma_start3A_589 = arith.constant 1792 : i32
    %dma_start3A_590 = tpu.memref_slice %arg5[%dma_start3A_589] : memref<3328xi32, #tpu.memory_space<vmem>> -> memref<128xi32, #tpu.memory_space<vmem>>
    %dma_start3A_591 = arith.constant 0 : i32
    %dma_start3A_592 = arith.constant 0 : i32
    %dma_start3A_593 = tpu.memref_slice %arg3[%dma_start3A_591, %dma_start3A_592] : memref<1040000x128xf32, #tpu.memory_space<hbm>> -> memref<1040000x128xf32, #tpu.memory_space<hbm>>
    tpu.enqueue_indirect_dma source(%dma_start3A_593 : memref<1040000x128xf32, #tpu.memory_space<hbm>>) target(%dma_start3A_588 : memref<128x128xf32, #tpu.memory_space<vmem>>) offsets(%dma_start3A_590 : memref<128xi32, #tpu.memory_space<vmem>>) semaphore(%arg7 : memref<!tpu.dma_semaphore, #tpu.memory_space<semaphore_mem>>)
    %dma_wait3A_594 = arith.constant 0 : i32
    %dma_wait3A_595 = arith.constant 0 : i32
    %dma_wait3A_596 = arith.constant 0 : i32
    %dma_wait3A_597 = tpu.memref_slice %arg6[%dma_wait3A_594, %dma_wait3A_595, %dma_wait3A_596] : memref<4x128x128xf32, #tpu.memory_space<vmem>> -> memref<1x128x128xf32, #tpu.memory_space<vmem>>
    %dma_wait3A_598 = tpu.memref_squeeze %dma_wait3A_597 : memref<1x128x128xf32, #tpu.memory_space<vmem>> -> memref<128x128xf32, #tpu.memory_space<vmem>>
    %dma_wait3A_599 = arith.constant 1536 : i32
    %dma_wait3A_600 = tpu.memref_slice %arg5[%dma_wait3A_599] : memref<3328xi32, #tpu.memory_space<vmem>> -> memref<128xi32, #tpu.memory_space<vmem>>
    %dma_wait3A_601 = arith.constant 0 : i32
    %dma_wait3A_602 = arith.constant 0 : i32
    %dma_wait3A_603 = tpu.memref_slice %arg3[%dma_wait3A_601, %dma_wait3A_602] : memref<1040000x128xf32, #tpu.memory_space<hbm>> -> memref<1040000x128xf32, #tpu.memory_space<hbm>>
    tpu.wait_indirect_dma semaphore(%arg7 : memref<!tpu.dma_semaphore, #tpu.memory_space<semaphore_mem>>) src(%dma_wait3A_603 : memref<1040000x128xf32, #tpu.memory_space<hbm>>) dst(%dma_wait3A_598 : memref<128x128xf32, #tpu.memory_space<vmem>>)
    %add3A_604 = arith.constant 1536 : i32
    %add3A_605 = arith.addi %mul3A_2, %add3A_604 : i32
    %dma_start3A_606 = arith.constant 0 : i32
    %dma_start3A_607 = arith.constant 0 : i32
    %dma_start3A_608 = arith.constant 0 : i32
    %dma_start3A_609 = tpu.memref_slice %arg6[%dma_start3A_606, %dma_start3A_607, %dma_start3A_608] : memref<4x128x128xf32, #tpu.memory_space<vmem>> -> memref<1x128x64xf32, #tpu.memory_space<vmem>>
    %dma_start3A_610 = tpu.memref_squeeze %dma_start3A_609 : memref<1x128x64xf32, #tpu.memory_space<vmem>> -> memref<128x64xf32, #tpu.memory_space<vmem>>
    %dma_start3A_611 = arith.constant 0 : i32
    %dma_start3A_612 = tpu.memref_slice %arg4[%add3A_605, %dma_start3A_611] : memref<106496x64xf32, #tpu.memory_space<hbm>> -> memref<128x64xf32, #tpu.memory_space<hbm>>
    %dma_start3A_613 = arith.constant 0 : i32
    %dma_start3A_614 = tpu.memref_slice %arg4[%add3A_605, %dma_start3A_613] : memref<106496x64xf32, #tpu.memory_space<hbm>> -> memref<128x64xf32, #tpu.memory_space<hbm>>
    %dma_start3A_615 = arith.constant 0 : i32
    %dma_start3A_616 = arith.constant 0 : i32
    %dma_start3A_617 = tpu.memref_slice %arg6[%dma_start3A_606, %dma_start3A_615, %dma_start3A_616] : memref<4x128x128xf32, #tpu.memory_space<vmem>> -> memref<1x128x64xf32, #tpu.memory_space<vmem>>
    %dma_start3A_618 = tpu.memref_squeeze %dma_start3A_617 : memref<1x128x64xf32, #tpu.memory_space<vmem>> -> memref<128x64xf32, #tpu.memory_space<vmem>>
    tpu.enqueue_dma source(%dma_start3A_618 : memref<128x64xf32, #tpu.memory_space<vmem>>) target(%dma_start3A_614 : memref<128x64xf32, #tpu.memory_space<hbm>>) target_semaphore(%arg8 : memref<!tpu.dma_semaphore, #tpu.memory_space<semaphore_mem>>)
    %dma_wait3A_619 = arith.constant 3 : i32
    %dma_wait3A_620 = arith.constant 0 : i32
    %dma_wait3A_621 = arith.constant 0 : i32
    %dma_wait3A_622 = tpu.memref_slice %arg6[%dma_wait3A_619, %dma_wait3A_620, %dma_wait3A_621] : memref<4x128x128xf32, #tpu.memory_space<vmem>> -> memref<1x128x64xf32, #tpu.memory_space<vmem>>
    %dma_wait3A_623 = tpu.memref_squeeze %dma_wait3A_622 : memref<1x128x64xf32, #tpu.memory_space<vmem>> -> memref<128x64xf32, #tpu.memory_space<vmem>>
    %dma_wait3A_624 = arith.constant 0 : i32
    %dma_wait3A_625 = tpu.memref_slice %arg4[%add3A_557, %dma_wait3A_624] : memref<106496x64xf32, #tpu.memory_space<hbm>> -> memref<128x64xf32, #tpu.memory_space<hbm>>
    %dma_wait3A_626 = arith.constant 0 : i32
    %dma_wait3A_627 = tpu.memref_slice %arg4[%add3A_557, %dma_wait3A_626] : memref<106496x64xf32, #tpu.memory_space<hbm>> -> memref<128x64xf32, #tpu.memory_space<hbm>>
    %dma_wait3A_628 = arith.constant 0 : i32
    %dma_wait3A_629 = arith.constant 0 : i32
    %dma_wait3A_630 = tpu.memref_slice %arg6[%dma_wait3A_619, %dma_wait3A_628, %dma_wait3A_629] : memref<4x128x128xf32, #tpu.memory_space<vmem>> -> memref<1x128x64xf32, #tpu.memory_space<vmem>>
    %dma_wait3A_631 = tpu.memref_squeeze %dma_wait3A_630 : memref<1x128x64xf32, #tpu.memory_space<vmem>> -> memref<128x64xf32, #tpu.memory_space<vmem>>
    tpu.wait_dma2 semaphore(%arg8 : memref<!tpu.dma_semaphore, #tpu.memory_space<semaphore_mem>>) src(%dma_wait3A_631 : memref<128x64xf32, #tpu.memory_space<vmem>>) dst(%dma_wait3A_627 : memref<128x64xf32, #tpu.memory_space<hbm>>)
    %dma_start3A_632 = arith.constant 3 : i32
    %dma_start3A_633 = arith.constant 0 : i32
    %dma_start3A_634 = arith.constant 0 : i32
    %dma_start3A_635 = tpu.memref_slice %arg6[%dma_start3A_632, %dma_start3A_633, %dma_start3A_634] : memref<4x128x128xf32, #tpu.memory_space<vmem>> -> memref<1x128x128xf32, #tpu.memory_space<vmem>>
    %dma_start3A_636 = tpu.memref_squeeze %dma_start3A_635 : memref<1x128x128xf32, #tpu.memory_space<vmem>> -> memref<128x128xf32, #tpu.memory_space<vmem>>
    %dma_start3A_637 = arith.constant 1920 : i32
    %dma_start3A_638 = tpu.memref_slice %arg5[%dma_start3A_637] : memref<3328xi32, #tpu.memory_space<vmem>> -> memref<128xi32, #tpu.memory_space<vmem>>
    %dma_start3A_639 = arith.constant 0 : i32
    %dma_start3A_640 = arith.constant 0 : i32
    %dma_start3A_641 = tpu.memref_slice %arg3[%dma_start3A_639, %dma_start3A_640] : memref<1040000x128xf32, #tpu.memory_space<hbm>> -> memref<1040000x128xf32, #tpu.memory_space<hbm>>
    tpu.enqueue_indirect_dma source(%dma_start3A_641 : memref<1040000x128xf32, #tpu.memory_space<hbm>>) target(%dma_start3A_636 : memref<128x128xf32, #tpu.memory_space<vmem>>) offsets(%dma_start3A_638 : memref<128xi32, #tpu.memory_space<vmem>>) semaphore(%arg7 : memref<!tpu.dma_semaphore, #tpu.memory_space<semaphore_mem>>)
    %dma_wait3A_642 = arith.constant 1 : i32
    %dma_wait3A_643 = arith.constant 0 : i32
    %dma_wait3A_644 = arith.constant 0 : i32
    %dma_wait3A_645 = tpu.memref_slice %arg6[%dma_wait3A_642, %dma_wait3A_643, %dma_wait3A_644] : memref<4x128x128xf32, #tpu.memory_space<vmem>> -> memref<1x128x128xf32, #tpu.memory_space<vmem>>
    %dma_wait3A_646 = tpu.memref_squeeze %dma_wait3A_645 : memref<1x128x128xf32, #tpu.memory_space<vmem>> -> memref<128x128xf32, #tpu.memory_space<vmem>>
    %dma_wait3A_647 = arith.constant 1664 : i32
    %dma_wait3A_648 = tpu.memref_slice %arg5[%dma_wait3A_647] : memref<3328xi32, #tpu.memory_space<vmem>> -> memref<128xi32, #tpu.memory_space<vmem>>
    %dma_wait3A_649 = arith.constant 0 : i32
    %dma_wait3A_650 = arith.constant 0 : i32
    %dma_wait3A_651 = tpu.memref_slice %arg3[%dma_wait3A_649, %dma_wait3A_650] : memref<1040000x128xf32, #tpu.memory_space<hbm>> -> memref<1040000x128xf32, #tpu.memory_space<hbm>>
    tpu.wait_indirect_dma semaphore(%arg7 : memref<!tpu.dma_semaphore, #tpu.memory_space<semaphore_mem>>) src(%dma_wait3A_651 : memref<1040000x128xf32, #tpu.memory_space<hbm>>) dst(%dma_wait3A_646 : memref<128x128xf32, #tpu.memory_space<vmem>>)
    %add3A_652 = arith.constant 1664 : i32
    %add3A_653 = arith.addi %mul3A_2, %add3A_652 : i32
    %dma_start3A_654 = arith.constant 1 : i32
    %dma_start3A_655 = arith.constant 0 : i32
    %dma_start3A_656 = arith.constant 0 : i32
    %dma_start3A_657 = tpu.memref_slice %arg6[%dma_start3A_654, %dma_start3A_655, %dma_start3A_656] : memref<4x128x128xf32, #tpu.memory_space<vmem>> -> memref<1x128x64xf32, #tpu.memory_space<vmem>>
    %dma_start3A_658 = tpu.memref_squeeze %dma_start3A_657 : memref<1x128x64xf32, #tpu.memory_space<vmem>> -> memref<128x64xf32, #tpu.memory_space<vmem>>
    %dma_start3A_659 = arith.constant 0 : i32
    %dma_start3A_660 = tpu.memref_slice %arg4[%add3A_653, %dma_start3A_659] : memref<106496x64xf32, #tpu.memory_space<hbm>> -> memref<128x64xf32, #tpu.memory_space<hbm>>
    %dma_start3A_661 = arith.constant 0 : i32
    %dma_start3A_662 = tpu.memref_slice %arg4[%add3A_653, %dma_start3A_661] : memref<106496x64xf32, #tpu.memory_space<hbm>> -> memref<128x64xf32, #tpu.memory_space<hbm>>
    %dma_start3A_663 = arith.constant 0 : i32
    %dma_start3A_664 = arith.constant 0 : i32
    %dma_start3A_665 = tpu.memref_slice %arg6[%dma_start3A_654, %dma_start3A_663, %dma_start3A_664] : memref<4x128x128xf32, #tpu.memory_space<vmem>> -> memref<1x128x64xf32, #tpu.memory_space<vmem>>
    %dma_start3A_666 = tpu.memref_squeeze %dma_start3A_665 : memref<1x128x64xf32, #tpu.memory_space<vmem>> -> memref<128x64xf32, #tpu.memory_space<vmem>>
    tpu.enqueue_dma source(%dma_start3A_666 : memref<128x64xf32, #tpu.memory_space<vmem>>) target(%dma_start3A_662 : memref<128x64xf32, #tpu.memory_space<hbm>>) target_semaphore(%arg8 : memref<!tpu.dma_semaphore, #tpu.memory_space<semaphore_mem>>)
    %dma_wait3A_667 = arith.constant 0 : i32
    %dma_wait3A_668 = arith.constant 0 : i32
    %dma_wait3A_669 = arith.constant 0 : i32
    %dma_wait3A_670 = tpu.memref_slice %arg6[%dma_wait3A_667, %dma_wait3A_668, %dma_wait3A_669] : memref<4x128x128xf32, #tpu.memory_space<vmem>> -> memref<1x128x64xf32, #tpu.memory_space<vmem>>
    %dma_wait3A_671 = tpu.memref_squeeze %dma_wait3A_670 : memref<1x128x64xf32, #tpu.memory_space<vmem>> -> memref<128x64xf32, #tpu.memory_space<vmem>>
    %dma_wait3A_672 = arith.constant 0 : i32
    %dma_wait3A_673 = tpu.memref_slice %arg4[%add3A_605, %dma_wait3A_672] : memref<106496x64xf32, #tpu.memory_space<hbm>> -> memref<128x64xf32, #tpu.memory_space<hbm>>
    %dma_wait3A_674 = arith.constant 0 : i32
    %dma_wait3A_675 = tpu.memref_slice %arg4[%add3A_605, %dma_wait3A_674] : memref<106496x64xf32, #tpu.memory_space<hbm>> -> memref<128x64xf32, #tpu.memory_space<hbm>>
    %dma_wait3A_676 = arith.constant 0 : i32
    %dma_wait3A_677 = arith.constant 0 : i32
    %dma_wait3A_678 = tpu.memref_slice %arg6[%dma_wait3A_667, %dma_wait3A_676, %dma_wait3A_677] : memref<4x128x128xf32, #tpu.memory_space<vmem>> -> memref<1x128x64xf32, #tpu.memory_space<vmem>>
    %dma_wait3A_679 = tpu.memref_squeeze %dma_wait3A_678 : memref<1x128x64xf32, #tpu.memory_space<vmem>> -> memref<128x64xf32, #tpu.memory_space<vmem>>
    tpu.wait_dma2 semaphore(%arg8 : memref<!tpu.dma_semaphore, #tpu.memory_space<semaphore_mem>>) src(%dma_wait3A_679 : memref<128x64xf32, #tpu.memory_space<vmem>>) dst(%dma_wait3A_675 : memref<128x64xf32, #tpu.memory_space<hbm>>)
    %dma_start3A_680 = arith.constant 0 : i32
    %dma_start3A_681 = arith.constant 0 : i32
    %dma_start3A_682 = arith.constant 0 : i32
    %dma_start3A_683 = tpu.memref_slice %arg6[%dma_start3A_680, %dma_start3A_681, %dma_start3A_682] : memref<4x128x128xf32, #tpu.memory_space<vmem>> -> memref<1x128x128xf32, #tpu.memory_space<vmem>>
    %dma_start3A_684 = tpu.memref_squeeze %dma_start3A_683 : memref<1x128x128xf32, #tpu.memory_space<vmem>> -> memref<128x128xf32, #tpu.memory_space<vmem>>
    %dma_start3A_685 = arith.constant 2048 : i32
    %dma_start3A_686 = tpu.memref_slice %arg5[%dma_start3A_685] : memref<3328xi32, #tpu.memory_space<vmem>> -> memref<128xi32, #tpu.memory_space<vmem>>
    %dma_start3A_687 = arith.constant 0 : i32
    %dma_start3A_688 = arith.constant 0 : i32
    %dma_start3A_689 = tpu.memref_slice %arg3[%dma_start3A_687, %dma_start3A_688] : memref<1040000x128xf32, #tpu.memory_space<hbm>> -> memref<1040000x128xf32, #tpu.memory_space<hbm>>
    tpu.enqueue_indirect_dma source(%dma_start3A_689 : memref<1040000x128xf32, #tpu.memory_space<hbm>>) target(%dma_start3A_684 : memref<128x128xf32, #tpu.memory_space<vmem>>) offsets(%dma_start3A_686 : memref<128xi32, #tpu.memory_space<vmem>>) semaphore(%arg7 : memref<!tpu.dma_semaphore, #tpu.memory_space<semaphore_mem>>)
    %dma_wait3A_690 = arith.constant 2 : i32
    %dma_wait3A_691 = arith.constant 0 : i32
    %dma_wait3A_692 = arith.constant 0 : i32
    %dma_wait3A_693 = tpu.memref_slice %arg6[%dma_wait3A_690, %dma_wait3A_691, %dma_wait3A_692] : memref<4x128x128xf32, #tpu.memory_space<vmem>> -> memref<1x128x128xf32, #tpu.memory_space<vmem>>
    %dma_wait3A_694 = tpu.memref_squeeze %dma_wait3A_693 : memref<1x128x128xf32, #tpu.memory_space<vmem>> -> memref<128x128xf32, #tpu.memory_space<vmem>>
    %dma_wait3A_695 = arith.constant 1792 : i32
    %dma_wait3A_696 = tpu.memref_slice %arg5[%dma_wait3A_695] : memref<3328xi32, #tpu.memory_space<vmem>> -> memref<128xi32, #tpu.memory_space<vmem>>
    %dma_wait3A_697 = arith.constant 0 : i32
    %dma_wait3A_698 = arith.constant 0 : i32
    %dma_wait3A_699 = tpu.memref_slice %arg3[%dma_wait3A_697, %dma_wait3A_698] : memref<1040000x128xf32, #tpu.memory_space<hbm>> -> memref<1040000x128xf32, #tpu.memory_space<hbm>>
    tpu.wait_indirect_dma semaphore(%arg7 : memref<!tpu.dma_semaphore, #tpu.memory_space<semaphore_mem>>) src(%dma_wait3A_699 : memref<1040000x128xf32, #tpu.memory_space<hbm>>) dst(%dma_wait3A_694 : memref<128x128xf32, #tpu.memory_space<vmem>>)
    %add3A_700 = arith.constant 1792 : i32
    %add3A_701 = arith.addi %mul3A_2, %add3A_700 : i32
    %dma_start3A_702 = arith.constant 2 : i32
    %dma_start3A_703 = arith.constant 0 : i32
    %dma_start3A_704 = arith.constant 0 : i32
    %dma_start3A_705 = tpu.memref_slice %arg6[%dma_start3A_702, %dma_start3A_703, %dma_start3A_704] : memref<4x128x128xf32, #tpu.memory_space<vmem>> -> memref<1x128x64xf32, #tpu.memory_space<vmem>>
    %dma_start3A_706 = tpu.memref_squeeze %dma_start3A_705 : memref<1x128x64xf32, #tpu.memory_space<vmem>> -> memref<128x64xf32, #tpu.memory_space<vmem>>
    %dma_start3A_707 = arith.constant 0 : i32
    %dma_start3A_708 = tpu.memref_slice %arg4[%add3A_701, %dma_start3A_707] : memref<106496x64xf32, #tpu.memory_space<hbm>> -> memref<128x64xf32, #tpu.memory_space<hbm>>
    %dma_start3A_709 = arith.constant 0 : i32
    %dma_start3A_710 = tpu.memref_slice %arg4[%add3A_701, %dma_start3A_709] : memref<106496x64xf32, #tpu.memory_space<hbm>> -> memref<128x64xf32, #tpu.memory_space<hbm>>
    %dma_start3A_711 = arith.constant 0 : i32
    %dma_start3A_712 = arith.constant 0 : i32
    %dma_start3A_713 = tpu.memref_slice %arg6[%dma_start3A_702, %dma_start3A_711, %dma_start3A_712] : memref<4x128x128xf32, #tpu.memory_space<vmem>> -> memref<1x128x64xf32, #tpu.memory_space<vmem>>
    %dma_start3A_714 = tpu.memref_squeeze %dma_start3A_713 : memref<1x128x64xf32, #tpu.memory_space<vmem>> -> memref<128x64xf32, #tpu.memory_space<vmem>>
    tpu.enqueue_dma source(%dma_start3A_714 : memref<128x64xf32, #tpu.memory_space<vmem>>) target(%dma_start3A_710 : memref<128x64xf32, #tpu.memory_space<hbm>>) target_semaphore(%arg8 : memref<!tpu.dma_semaphore, #tpu.memory_space<semaphore_mem>>)
    %dma_wait3A_715 = arith.constant 1 : i32
    %dma_wait3A_716 = arith.constant 0 : i32
    %dma_wait3A_717 = arith.constant 0 : i32
    %dma_wait3A_718 = tpu.memref_slice %arg6[%dma_wait3A_715, %dma_wait3A_716, %dma_wait3A_717] : memref<4x128x128xf32, #tpu.memory_space<vmem>> -> memref<1x128x64xf32, #tpu.memory_space<vmem>>
    %dma_wait3A_719 = tpu.memref_squeeze %dma_wait3A_718 : memref<1x128x64xf32, #tpu.memory_space<vmem>> -> memref<128x64xf32, #tpu.memory_space<vmem>>
    %dma_wait3A_720 = arith.constant 0 : i32
    %dma_wait3A_721 = tpu.memref_slice %arg4[%add3A_653, %dma_wait3A_720] : memref<106496x64xf32, #tpu.memory_space<hbm>> -> memref<128x64xf32, #tpu.memory_space<hbm>>
    %dma_wait3A_722 = arith.constant 0 : i32
    %dma_wait3A_723 = tpu.memref_slice %arg4[%add3A_653, %dma_wait3A_722] : memref<106496x64xf32, #tpu.memory_space<hbm>> -> memref<128x64xf32, #tpu.memory_space<hbm>>
    %dma_wait3A_724 = arith.constant 0 : i32
    %dma_wait3A_725 = arith.constant 0 : i32
    %dma_wait3A_726 = tpu.memref_slice %arg6[%dma_wait3A_715, %dma_wait3A_724, %dma_wait3A_725] : memref<4x128x128xf32, #tpu.memory_space<vmem>> -> memref<1x128x64xf32, #tpu.memory_space<vmem>>
    %dma_wait3A_727 = tpu.memref_squeeze %dma_wait3A_726 : memref<1x128x64xf32, #tpu.memory_space<vmem>> -> memref<128x64xf32, #tpu.memory_space<vmem>>
    tpu.wait_dma2 semaphore(%arg8 : memref<!tpu.dma_semaphore, #tpu.memory_space<semaphore_mem>>) src(%dma_wait3A_727 : memref<128x64xf32, #tpu.memory_space<vmem>>) dst(%dma_wait3A_723 : memref<128x64xf32, #tpu.memory_space<hbm>>)
    %dma_start3A_728 = arith.constant 1 : i32
    %dma_start3A_729 = arith.constant 0 : i32
    %dma_start3A_730 = arith.constant 0 : i32
    %dma_start3A_731 = tpu.memref_slice %arg6[%dma_start3A_728, %dma_start3A_729, %dma_start3A_730] : memref<4x128x128xf32, #tpu.memory_space<vmem>> -> memref<1x128x128xf32, #tpu.memory_space<vmem>>
    %dma_start3A_732 = tpu.memref_squeeze %dma_start3A_731 : memref<1x128x128xf32, #tpu.memory_space<vmem>> -> memref<128x128xf32, #tpu.memory_space<vmem>>
    %dma_start3A_733 = arith.constant 2176 : i32
    %dma_start3A_734 = tpu.memref_slice %arg5[%dma_start3A_733] : memref<3328xi32, #tpu.memory_space<vmem>> -> memref<128xi32, #tpu.memory_space<vmem>>
    %dma_start3A_735 = arith.constant 0 : i32
    %dma_start3A_736 = arith.constant 0 : i32
    %dma_start3A_737 = tpu.memref_slice %arg3[%dma_start3A_735, %dma_start3A_736] : memref<1040000x128xf32, #tpu.memory_space<hbm>> -> memref<1040000x128xf32, #tpu.memory_space<hbm>>
    tpu.enqueue_indirect_dma source(%dma_start3A_737 : memref<1040000x128xf32, #tpu.memory_space<hbm>>) target(%dma_start3A_732 : memref<128x128xf32, #tpu.memory_space<vmem>>) offsets(%dma_start3A_734 : memref<128xi32, #tpu.memory_space<vmem>>) semaphore(%arg7 : memref<!tpu.dma_semaphore, #tpu.memory_space<semaphore_mem>>)
    %dma_wait3A_738 = arith.constant 3 : i32
    %dma_wait3A_739 = arith.constant 0 : i32
    %dma_wait3A_740 = arith.constant 0 : i32
    %dma_wait3A_741 = tpu.memref_slice %arg6[%dma_wait3A_738, %dma_wait3A_739, %dma_wait3A_740] : memref<4x128x128xf32, #tpu.memory_space<vmem>> -> memref<1x128x128xf32, #tpu.memory_space<vmem>>
    %dma_wait3A_742 = tpu.memref_squeeze %dma_wait3A_741 : memref<1x128x128xf32, #tpu.memory_space<vmem>> -> memref<128x128xf32, #tpu.memory_space<vmem>>
    %dma_wait3A_743 = arith.constant 1920 : i32
    %dma_wait3A_744 = tpu.memref_slice %arg5[%dma_wait3A_743] : memref<3328xi32, #tpu.memory_space<vmem>> -> memref<128xi32, #tpu.memory_space<vmem>>
    %dma_wait3A_745 = arith.constant 0 : i32
    %dma_wait3A_746 = arith.constant 0 : i32
    %dma_wait3A_747 = tpu.memref_slice %arg3[%dma_wait3A_745, %dma_wait3A_746] : memref<1040000x128xf32, #tpu.memory_space<hbm>> -> memref<1040000x128xf32, #tpu.memory_space<hbm>>
    tpu.wait_indirect_dma semaphore(%arg7 : memref<!tpu.dma_semaphore, #tpu.memory_space<semaphore_mem>>) src(%dma_wait3A_747 : memref<1040000x128xf32, #tpu.memory_space<hbm>>) dst(%dma_wait3A_742 : memref<128x128xf32, #tpu.memory_space<vmem>>)
    %add3A_748 = arith.constant 1920 : i32
    %add3A_749 = arith.addi %mul3A_2, %add3A_748 : i32
    %dma_start3A_750 = arith.constant 3 : i32
    %dma_start3A_751 = arith.constant 0 : i32
    %dma_start3A_752 = arith.constant 0 : i32
    %dma_start3A_753 = tpu.memref_slice %arg6[%dma_start3A_750, %dma_start3A_751, %dma_start3A_752] : memref<4x128x128xf32, #tpu.memory_space<vmem>> -> memref<1x128x64xf32, #tpu.memory_space<vmem>>
    %dma_start3A_754 = tpu.memref_squeeze %dma_start3A_753 : memref<1x128x64xf32, #tpu.memory_space<vmem>> -> memref<128x64xf32, #tpu.memory_space<vmem>>
    %dma_start3A_755 = arith.constant 0 : i32
    %dma_start3A_756 = tpu.memref_slice %arg4[%add3A_749, %dma_start3A_755] : memref<106496x64xf32, #tpu.memory_space<hbm>> -> memref<128x64xf32, #tpu.memory_space<hbm>>
    %dma_start3A_757 = arith.constant 0 : i32
    %dma_start3A_758 = tpu.memref_slice %arg4[%add3A_749, %dma_start3A_757] : memref<106496x64xf32, #tpu.memory_space<hbm>> -> memref<128x64xf32, #tpu.memory_space<hbm>>
    %dma_start3A_759 = arith.constant 0 : i32
    %dma_start3A_760 = arith.constant 0 : i32
    %dma_start3A_761 = tpu.memref_slice %arg6[%dma_start3A_750, %dma_start3A_759, %dma_start3A_760] : memref<4x128x128xf32, #tpu.memory_space<vmem>> -> memref<1x128x64xf32, #tpu.memory_space<vmem>>
    %dma_start3A_762 = tpu.memref_squeeze %dma_start3A_761 : memref<1x128x64xf32, #tpu.memory_space<vmem>> -> memref<128x64xf32, #tpu.memory_space<vmem>>
    tpu.enqueue_dma source(%dma_start3A_762 : memref<128x64xf32, #tpu.memory_space<vmem>>) target(%dma_start3A_758 : memref<128x64xf32, #tpu.memory_space<hbm>>) target_semaphore(%arg8 : memref<!tpu.dma_semaphore, #tpu.memory_space<semaphore_mem>>)
    %dma_wait3A_763 = arith.constant 2 : i32
    %dma_wait3A_764 = arith.constant 0 : i32
    %dma_wait3A_765 = arith.constant 0 : i32
    %dma_wait3A_766 = tpu.memref_slice %arg6[%dma_wait3A_763, %dma_wait3A_764, %dma_wait3A_765] : memref<4x128x128xf32, #tpu.memory_space<vmem>> -> memref<1x128x64xf32, #tpu.memory_space<vmem>>
    %dma_wait3A_767 = tpu.memref_squeeze %dma_wait3A_766 : memref<1x128x64xf32, #tpu.memory_space<vmem>> -> memref<128x64xf32, #tpu.memory_space<vmem>>
    %dma_wait3A_768 = arith.constant 0 : i32
    %dma_wait3A_769 = tpu.memref_slice %arg4[%add3A_701, %dma_wait3A_768] : memref<106496x64xf32, #tpu.memory_space<hbm>> -> memref<128x64xf32, #tpu.memory_space<hbm>>
    %dma_wait3A_770 = arith.constant 0 : i32
    %dma_wait3A_771 = tpu.memref_slice %arg4[%add3A_701, %dma_wait3A_770] : memref<106496x64xf32, #tpu.memory_space<hbm>> -> memref<128x64xf32, #tpu.memory_space<hbm>>
    %dma_wait3A_772 = arith.constant 0 : i32
    %dma_wait3A_773 = arith.constant 0 : i32
    %dma_wait3A_774 = tpu.memref_slice %arg6[%dma_wait3A_763, %dma_wait3A_772, %dma_wait3A_773] : memref<4x128x128xf32, #tpu.memory_space<vmem>> -> memref<1x128x64xf32, #tpu.memory_space<vmem>>
    %dma_wait3A_775 = tpu.memref_squeeze %dma_wait3A_774 : memref<1x128x64xf32, #tpu.memory_space<vmem>> -> memref<128x64xf32, #tpu.memory_space<vmem>>
    tpu.wait_dma2 semaphore(%arg8 : memref<!tpu.dma_semaphore, #tpu.memory_space<semaphore_mem>>) src(%dma_wait3A_775 : memref<128x64xf32, #tpu.memory_space<vmem>>) dst(%dma_wait3A_771 : memref<128x64xf32, #tpu.memory_space<hbm>>)
    %dma_start3A_776 = arith.constant 2 : i32
    %dma_start3A_777 = arith.constant 0 : i32
    %dma_start3A_778 = arith.constant 0 : i32
    %dma_start3A_779 = tpu.memref_slice %arg6[%dma_start3A_776, %dma_start3A_777, %dma_start3A_778] : memref<4x128x128xf32, #tpu.memory_space<vmem>> -> memref<1x128x128xf32, #tpu.memory_space<vmem>>
    %dma_start3A_780 = tpu.memref_squeeze %dma_start3A_779 : memref<1x128x128xf32, #tpu.memory_space<vmem>> -> memref<128x128xf32, #tpu.memory_space<vmem>>
    %dma_start3A_781 = arith.constant 2304 : i32
    %dma_start3A_782 = tpu.memref_slice %arg5[%dma_start3A_781] : memref<3328xi32, #tpu.memory_space<vmem>> -> memref<128xi32, #tpu.memory_space<vmem>>
    %dma_start3A_783 = arith.constant 0 : i32
    %dma_start3A_784 = arith.constant 0 : i32
    %dma_start3A_785 = tpu.memref_slice %arg3[%dma_start3A_783, %dma_start3A_784] : memref<1040000x128xf32, #tpu.memory_space<hbm>> -> memref<1040000x128xf32, #tpu.memory_space<hbm>>
    tpu.enqueue_indirect_dma source(%dma_start3A_785 : memref<1040000x128xf32, #tpu.memory_space<hbm>>) target(%dma_start3A_780 : memref<128x128xf32, #tpu.memory_space<vmem>>) offsets(%dma_start3A_782 : memref<128xi32, #tpu.memory_space<vmem>>) semaphore(%arg7 : memref<!tpu.dma_semaphore, #tpu.memory_space<semaphore_mem>>)
    %dma_wait3A_786 = arith.constant 0 : i32
    %dma_wait3A_787 = arith.constant 0 : i32
    %dma_wait3A_788 = arith.constant 0 : i32
    %dma_wait3A_789 = tpu.memref_slice %arg6[%dma_wait3A_786, %dma_wait3A_787, %dma_wait3A_788] : memref<4x128x128xf32, #tpu.memory_space<vmem>> -> memref<1x128x128xf32, #tpu.memory_space<vmem>>
    %dma_wait3A_790 = tpu.memref_squeeze %dma_wait3A_789 : memref<1x128x128xf32, #tpu.memory_space<vmem>> -> memref<128x128xf32, #tpu.memory_space<vmem>>
    %dma_wait3A_791 = arith.constant 2048 : i32
    %dma_wait3A_792 = tpu.memref_slice %arg5[%dma_wait3A_791] : memref<3328xi32, #tpu.memory_space<vmem>> -> memref<128xi32, #tpu.memory_space<vmem>>
    %dma_wait3A_793 = arith.constant 0 : i32
    %dma_wait3A_794 = arith.constant 0 : i32
    %dma_wait3A_795 = tpu.memref_slice %arg3[%dma_wait3A_793, %dma_wait3A_794] : memref<1040000x128xf32, #tpu.memory_space<hbm>> -> memref<1040000x128xf32, #tpu.memory_space<hbm>>
    tpu.wait_indirect_dma semaphore(%arg7 : memref<!tpu.dma_semaphore, #tpu.memory_space<semaphore_mem>>) src(%dma_wait3A_795 : memref<1040000x128xf32, #tpu.memory_space<hbm>>) dst(%dma_wait3A_790 : memref<128x128xf32, #tpu.memory_space<vmem>>)
    %add3A_796 = arith.constant 2048 : i32
    %add3A_797 = arith.addi %mul3A_2, %add3A_796 : i32
    %dma_start3A_798 = arith.constant 0 : i32
    %dma_start3A_799 = arith.constant 0 : i32
    %dma_start3A_800 = arith.constant 0 : i32
    %dma_start3A_801 = tpu.memref_slice %arg6[%dma_start3A_798, %dma_start3A_799, %dma_start3A_800] : memref<4x128x128xf32, #tpu.memory_space<vmem>> -> memref<1x128x64xf32, #tpu.memory_space<vmem>>
    %dma_start3A_802 = tpu.memref_squeeze %dma_start3A_801 : memref<1x128x64xf32, #tpu.memory_space<vmem>> -> memref<128x64xf32, #tpu.memory_space<vmem>>
    %dma_start3A_803 = arith.constant 0 : i32
    %dma_start3A_804 = tpu.memref_slice %arg4[%add3A_797, %dma_start3A_803] : memref<106496x64xf32, #tpu.memory_space<hbm>> -> memref<128x64xf32, #tpu.memory_space<hbm>>
    %dma_start3A_805 = arith.constant 0 : i32
    %dma_start3A_806 = tpu.memref_slice %arg4[%add3A_797, %dma_start3A_805] : memref<106496x64xf32, #tpu.memory_space<hbm>> -> memref<128x64xf32, #tpu.memory_space<hbm>>
    %dma_start3A_807 = arith.constant 0 : i32
    %dma_start3A_808 = arith.constant 0 : i32
    %dma_start3A_809 = tpu.memref_slice %arg6[%dma_start3A_798, %dma_start3A_807, %dma_start3A_808] : memref<4x128x128xf32, #tpu.memory_space<vmem>> -> memref<1x128x64xf32, #tpu.memory_space<vmem>>
    %dma_start3A_810 = tpu.memref_squeeze %dma_start3A_809 : memref<1x128x64xf32, #tpu.memory_space<vmem>> -> memref<128x64xf32, #tpu.memory_space<vmem>>
    tpu.enqueue_dma source(%dma_start3A_810 : memref<128x64xf32, #tpu.memory_space<vmem>>) target(%dma_start3A_806 : memref<128x64xf32, #tpu.memory_space<hbm>>) target_semaphore(%arg8 : memref<!tpu.dma_semaphore, #tpu.memory_space<semaphore_mem>>)
    %dma_wait3A_811 = arith.constant 3 : i32
    %dma_wait3A_812 = arith.constant 0 : i32
    %dma_wait3A_813 = arith.constant 0 : i32
    %dma_wait3A_814 = tpu.memref_slice %arg6[%dma_wait3A_811, %dma_wait3A_812, %dma_wait3A_813] : memref<4x128x128xf32, #tpu.memory_space<vmem>> -> memref<1x128x64xf32, #tpu.memory_space<vmem>>
    %dma_wait3A_815 = tpu.memref_squeeze %dma_wait3A_814 : memref<1x128x64xf32, #tpu.memory_space<vmem>> -> memref<128x64xf32, #tpu.memory_space<vmem>>
    %dma_wait3A_816 = arith.constant 0 : i32
    %dma_wait3A_817 = tpu.memref_slice %arg4[%add3A_749, %dma_wait3A_816] : memref<106496x64xf32, #tpu.memory_space<hbm>> -> memref<128x64xf32, #tpu.memory_space<hbm>>
    %dma_wait3A_818 = arith.constant 0 : i32
    %dma_wait3A_819 = tpu.memref_slice %arg4[%add3A_749, %dma_wait3A_818] : memref<106496x64xf32, #tpu.memory_space<hbm>> -> memref<128x64xf32, #tpu.memory_space<hbm>>
    %dma_wait3A_820 = arith.constant 0 : i32
    %dma_wait3A_821 = arith.constant 0 : i32
    %dma_wait3A_822 = tpu.memref_slice %arg6[%dma_wait3A_811, %dma_wait3A_820, %dma_wait3A_821] : memref<4x128x128xf32, #tpu.memory_space<vmem>> -> memref<1x128x64xf32, #tpu.memory_space<vmem>>
    %dma_wait3A_823 = tpu.memref_squeeze %dma_wait3A_822 : memref<1x128x64xf32, #tpu.memory_space<vmem>> -> memref<128x64xf32, #tpu.memory_space<vmem>>
    tpu.wait_dma2 semaphore(%arg8 : memref<!tpu.dma_semaphore, #tpu.memory_space<semaphore_mem>>) src(%dma_wait3A_823 : memref<128x64xf32, #tpu.memory_space<vmem>>) dst(%dma_wait3A_819 : memref<128x64xf32, #tpu.memory_space<hbm>>)
    %dma_start3A_824 = arith.constant 3 : i32
    %dma_start3A_825 = arith.constant 0 : i32
    %dma_start3A_826 = arith.constant 0 : i32
    %dma_start3A_827 = tpu.memref_slice %arg6[%dma_start3A_824, %dma_start3A_825, %dma_start3A_826] : memref<4x128x128xf32, #tpu.memory_space<vmem>> -> memref<1x128x128xf32, #tpu.memory_space<vmem>>
    %dma_start3A_828 = tpu.memref_squeeze %dma_start3A_827 : memref<1x128x128xf32, #tpu.memory_space<vmem>> -> memref<128x128xf32, #tpu.memory_space<vmem>>
    %dma_start3A_829 = arith.constant 2432 : i32
    %dma_start3A_830 = tpu.memref_slice %arg5[%dma_start3A_829] : memref<3328xi32, #tpu.memory_space<vmem>> -> memref<128xi32, #tpu.memory_space<vmem>>
    %dma_start3A_831 = arith.constant 0 : i32
    %dma_start3A_832 = arith.constant 0 : i32
    %dma_start3A_833 = tpu.memref_slice %arg3[%dma_start3A_831, %dma_start3A_832] : memref<1040000x128xf32, #tpu.memory_space<hbm>> -> memref<1040000x128xf32, #tpu.memory_space<hbm>>
    tpu.enqueue_indirect_dma source(%dma_start3A_833 : memref<1040000x128xf32, #tpu.memory_space<hbm>>) target(%dma_start3A_828 : memref<128x128xf32, #tpu.memory_space<vmem>>) offsets(%dma_start3A_830 : memref<128xi32, #tpu.memory_space<vmem>>) semaphore(%arg7 : memref<!tpu.dma_semaphore, #tpu.memory_space<semaphore_mem>>)
    %dma_wait3A_834 = arith.constant 1 : i32
    %dma_wait3A_835 = arith.constant 0 : i32
    %dma_wait3A_836 = arith.constant 0 : i32
    %dma_wait3A_837 = tpu.memref_slice %arg6[%dma_wait3A_834, %dma_wait3A_835, %dma_wait3A_836] : memref<4x128x128xf32, #tpu.memory_space<vmem>> -> memref<1x128x128xf32, #tpu.memory_space<vmem>>
    %dma_wait3A_838 = tpu.memref_squeeze %dma_wait3A_837 : memref<1x128x128xf32, #tpu.memory_space<vmem>> -> memref<128x128xf32, #tpu.memory_space<vmem>>
    %dma_wait3A_839 = arith.constant 2176 : i32
    %dma_wait3A_840 = tpu.memref_slice %arg5[%dma_wait3A_839] : memref<3328xi32, #tpu.memory_space<vmem>> -> memref<128xi32, #tpu.memory_space<vmem>>
    %dma_wait3A_841 = arith.constant 0 : i32
    %dma_wait3A_842 = arith.constant 0 : i32
    %dma_wait3A_843 = tpu.memref_slice %arg3[%dma_wait3A_841, %dma_wait3A_842] : memref<1040000x128xf32, #tpu.memory_space<hbm>> -> memref<1040000x128xf32, #tpu.memory_space<hbm>>
    tpu.wait_indirect_dma semaphore(%arg7 : memref<!tpu.dma_semaphore, #tpu.memory_space<semaphore_mem>>) src(%dma_wait3A_843 : memref<1040000x128xf32, #tpu.memory_space<hbm>>) dst(%dma_wait3A_838 : memref<128x128xf32, #tpu.memory_space<vmem>>)
    %add3A_844 = arith.constant 2176 : i32
    %add3A_845 = arith.addi %mul3A_2, %add3A_844 : i32
    %dma_start3A_846 = arith.constant 1 : i32
    %dma_start3A_847 = arith.constant 0 : i32
    %dma_start3A_848 = arith.constant 0 : i32
    %dma_start3A_849 = tpu.memref_slice %arg6[%dma_start3A_846, %dma_start3A_847, %dma_start3A_848] : memref<4x128x128xf32, #tpu.memory_space<vmem>> -> memref<1x128x64xf32, #tpu.memory_space<vmem>>
    %dma_start3A_850 = tpu.memref_squeeze %dma_start3A_849 : memref<1x128x64xf32, #tpu.memory_space<vmem>> -> memref<128x64xf32, #tpu.memory_space<vmem>>
    %dma_start3A_851 = arith.constant 0 : i32
    %dma_start3A_852 = tpu.memref_slice %arg4[%add3A_845, %dma_start3A_851] : memref<106496x64xf32, #tpu.memory_space<hbm>> -> memref<128x64xf32, #tpu.memory_space<hbm>>
    %dma_start3A_853 = arith.constant 0 : i32
    %dma_start3A_854 = tpu.memref_slice %arg4[%add3A_845, %dma_start3A_853] : memref<106496x64xf32, #tpu.memory_space<hbm>> -> memref<128x64xf32, #tpu.memory_space<hbm>>
    %dma_start3A_855 = arith.constant 0 : i32
    %dma_start3A_856 = arith.constant 0 : i32
    %dma_start3A_857 = tpu.memref_slice %arg6[%dma_start3A_846, %dma_start3A_855, %dma_start3A_856] : memref<4x128x128xf32, #tpu.memory_space<vmem>> -> memref<1x128x64xf32, #tpu.memory_space<vmem>>
    %dma_start3A_858 = tpu.memref_squeeze %dma_start3A_857 : memref<1x128x64xf32, #tpu.memory_space<vmem>> -> memref<128x64xf32, #tpu.memory_space<vmem>>
    tpu.enqueue_dma source(%dma_start3A_858 : memref<128x64xf32, #tpu.memory_space<vmem>>) target(%dma_start3A_854 : memref<128x64xf32, #tpu.memory_space<hbm>>) target_semaphore(%arg8 : memref<!tpu.dma_semaphore, #tpu.memory_space<semaphore_mem>>)
    %dma_wait3A_859 = arith.constant 0 : i32
    %dma_wait3A_860 = arith.constant 0 : i32
    %dma_wait3A_861 = arith.constant 0 : i32
    %dma_wait3A_862 = tpu.memref_slice %arg6[%dma_wait3A_859, %dma_wait3A_860, %dma_wait3A_861] : memref<4x128x128xf32, #tpu.memory_space<vmem>> -> memref<1x128x64xf32, #tpu.memory_space<vmem>>
    %dma_wait3A_863 = tpu.memref_squeeze %dma_wait3A_862 : memref<1x128x64xf32, #tpu.memory_space<vmem>> -> memref<128x64xf32, #tpu.memory_space<vmem>>
    %dma_wait3A_864 = arith.constant 0 : i32
    %dma_wait3A_865 = tpu.memref_slice %arg4[%add3A_797, %dma_wait3A_864] : memref<106496x64xf32, #tpu.memory_space<hbm>> -> memref<128x64xf32, #tpu.memory_space<hbm>>
    %dma_wait3A_866 = arith.constant 0 : i32
    %dma_wait3A_867 = tpu.memref_slice %arg4[%add3A_797, %dma_wait3A_866] : memref<106496x64xf32, #tpu.memory_space<hbm>> -> memref<128x64xf32, #tpu.memory_space<hbm>>
    %dma_wait3A_868 = arith.constant 0 : i32
    %dma_wait3A_869 = arith.constant 0 : i32
    %dma_wait3A_870 = tpu.memref_slice %arg6[%dma_wait3A_859, %dma_wait3A_868, %dma_wait3A_869] : memref<4x128x128xf32, #tpu.memory_space<vmem>> -> memref<1x128x64xf32, #tpu.memory_space<vmem>>
    %dma_wait3A_871 = tpu.memref_squeeze %dma_wait3A_870 : memref<1x128x64xf32, #tpu.memory_space<vmem>> -> memref<128x64xf32, #tpu.memory_space<vmem>>
    tpu.wait_dma2 semaphore(%arg8 : memref<!tpu.dma_semaphore, #tpu.memory_space<semaphore_mem>>) src(%dma_wait3A_871 : memref<128x64xf32, #tpu.memory_space<vmem>>) dst(%dma_wait3A_867 : memref<128x64xf32, #tpu.memory_space<hbm>>)
    %dma_start3A_872 = arith.constant 0 : i32
    %dma_start3A_873 = arith.constant 0 : i32
    %dma_start3A_874 = arith.constant 0 : i32
    %dma_start3A_875 = tpu.memref_slice %arg6[%dma_start3A_872, %dma_start3A_873, %dma_start3A_874] : memref<4x128x128xf32, #tpu.memory_space<vmem>> -> memref<1x128x128xf32, #tpu.memory_space<vmem>>
    %dma_start3A_876 = tpu.memref_squeeze %dma_start3A_875 : memref<1x128x128xf32, #tpu.memory_space<vmem>> -> memref<128x128xf32, #tpu.memory_space<vmem>>
    %dma_start3A_877 = arith.constant 2560 : i32
    %dma_start3A_878 = tpu.memref_slice %arg5[%dma_start3A_877] : memref<3328xi32, #tpu.memory_space<vmem>> -> memref<128xi32, #tpu.memory_space<vmem>>
    %dma_start3A_879 = arith.constant 0 : i32
    %dma_start3A_880 = arith.constant 0 : i32
    %dma_start3A_881 = tpu.memref_slice %arg3[%dma_start3A_879, %dma_start3A_880] : memref<1040000x128xf32, #tpu.memory_space<hbm>> -> memref<1040000x128xf32, #tpu.memory_space<hbm>>
    tpu.enqueue_indirect_dma source(%dma_start3A_881 : memref<1040000x128xf32, #tpu.memory_space<hbm>>) target(%dma_start3A_876 : memref<128x128xf32, #tpu.memory_space<vmem>>) offsets(%dma_start3A_878 : memref<128xi32, #tpu.memory_space<vmem>>) semaphore(%arg7 : memref<!tpu.dma_semaphore, #tpu.memory_space<semaphore_mem>>)
    %dma_wait3A_882 = arith.constant 2 : i32
    %dma_wait3A_883 = arith.constant 0 : i32
    %dma_wait3A_884 = arith.constant 0 : i32
    %dma_wait3A_885 = tpu.memref_slice %arg6[%dma_wait3A_882, %dma_wait3A_883, %dma_wait3A_884] : memref<4x128x128xf32, #tpu.memory_space<vmem>> -> memref<1x128x128xf32, #tpu.memory_space<vmem>>
    %dma_wait3A_886 = tpu.memref_squeeze %dma_wait3A_885 : memref<1x128x128xf32, #tpu.memory_space<vmem>> -> memref<128x128xf32, #tpu.memory_space<vmem>>
    %dma_wait3A_887 = arith.constant 2304 : i32
    %dma_wait3A_888 = tpu.memref_slice %arg5[%dma_wait3A_887] : memref<3328xi32, #tpu.memory_space<vmem>> -> memref<128xi32, #tpu.memory_space<vmem>>
    %dma_wait3A_889 = arith.constant 0 : i32
    %dma_wait3A_890 = arith.constant 0 : i32
    %dma_wait3A_891 = tpu.memref_slice %arg3[%dma_wait3A_889, %dma_wait3A_890] : memref<1040000x128xf32, #tpu.memory_space<hbm>> -> memref<1040000x128xf32, #tpu.memory_space<hbm>>
    tpu.wait_indirect_dma semaphore(%arg7 : memref<!tpu.dma_semaphore, #tpu.memory_space<semaphore_mem>>) src(%dma_wait3A_891 : memref<1040000x128xf32, #tpu.memory_space<hbm>>) dst(%dma_wait3A_886 : memref<128x128xf32, #tpu.memory_space<vmem>>)
    %add3A_892 = arith.constant 2304 : i32
    %add3A_893 = arith.addi %mul3A_2, %add3A_892 : i32
    %dma_start3A_894 = arith.constant 2 : i32
    %dma_start3A_895 = arith.constant 0 : i32
    %dma_start3A_896 = arith.constant 0 : i32
    %dma_start3A_897 = tpu.memref_slice %arg6[%dma_start3A_894, %dma_start3A_895, %dma_start3A_896] : memref<4x128x128xf32, #tpu.memory_space<vmem>> -> memref<1x128x64xf32, #tpu.memory_space<vmem>>
    %dma_start3A_898 = tpu.memref_squeeze %dma_start3A_897 : memref<1x128x64xf32, #tpu.memory_space<vmem>> -> memref<128x64xf32, #tpu.memory_space<vmem>>
    %dma_start3A_899 = arith.constant 0 : i32
    %dma_start3A_900 = tpu.memref_slice %arg4[%add3A_893, %dma_start3A_899] : memref<106496x64xf32, #tpu.memory_space<hbm>> -> memref<128x64xf32, #tpu.memory_space<hbm>>
    %dma_start3A_901 = arith.constant 0 : i32
    %dma_start3A_902 = tpu.memref_slice %arg4[%add3A_893, %dma_start3A_901] : memref<106496x64xf32, #tpu.memory_space<hbm>> -> memref<128x64xf32, #tpu.memory_space<hbm>>
    %dma_start3A_903 = arith.constant 0 : i32
    %dma_start3A_904 = arith.constant 0 : i32
    %dma_start3A_905 = tpu.memref_slice %arg6[%dma_start3A_894, %dma_start3A_903, %dma_start3A_904] : memref<4x128x128xf32, #tpu.memory_space<vmem>> -> memref<1x128x64xf32, #tpu.memory_space<vmem>>
    %dma_start3A_906 = tpu.memref_squeeze %dma_start3A_905 : memref<1x128x64xf32, #tpu.memory_space<vmem>> -> memref<128x64xf32, #tpu.memory_space<vmem>>
    tpu.enqueue_dma source(%dma_start3A_906 : memref<128x64xf32, #tpu.memory_space<vmem>>) target(%dma_start3A_902 : memref<128x64xf32, #tpu.memory_space<hbm>>) target_semaphore(%arg8 : memref<!tpu.dma_semaphore, #tpu.memory_space<semaphore_mem>>)
    %dma_wait3A_907 = arith.constant 1 : i32
    %dma_wait3A_908 = arith.constant 0 : i32
    %dma_wait3A_909 = arith.constant 0 : i32
    %dma_wait3A_910 = tpu.memref_slice %arg6[%dma_wait3A_907, %dma_wait3A_908, %dma_wait3A_909] : memref<4x128x128xf32, #tpu.memory_space<vmem>> -> memref<1x128x64xf32, #tpu.memory_space<vmem>>
    %dma_wait3A_911 = tpu.memref_squeeze %dma_wait3A_910 : memref<1x128x64xf32, #tpu.memory_space<vmem>> -> memref<128x64xf32, #tpu.memory_space<vmem>>
    %dma_wait3A_912 = arith.constant 0 : i32
    %dma_wait3A_913 = tpu.memref_slice %arg4[%add3A_845, %dma_wait3A_912] : memref<106496x64xf32, #tpu.memory_space<hbm>> -> memref<128x64xf32, #tpu.memory_space<hbm>>
    %dma_wait3A_914 = arith.constant 0 : i32
    %dma_wait3A_915 = tpu.memref_slice %arg4[%add3A_845, %dma_wait3A_914] : memref<106496x64xf32, #tpu.memory_space<hbm>> -> memref<128x64xf32, #tpu.memory_space<hbm>>
    %dma_wait3A_916 = arith.constant 0 : i32
    %dma_wait3A_917 = arith.constant 0 : i32
    %dma_wait3A_918 = tpu.memref_slice %arg6[%dma_wait3A_907, %dma_wait3A_916, %dma_wait3A_917] : memref<4x128x128xf32, #tpu.memory_space<vmem>> -> memref<1x128x64xf32, #tpu.memory_space<vmem>>
    %dma_wait3A_919 = tpu.memref_squeeze %dma_wait3A_918 : memref<1x128x64xf32, #tpu.memory_space<vmem>> -> memref<128x64xf32, #tpu.memory_space<vmem>>
    tpu.wait_dma2 semaphore(%arg8 : memref<!tpu.dma_semaphore, #tpu.memory_space<semaphore_mem>>) src(%dma_wait3A_919 : memref<128x64xf32, #tpu.memory_space<vmem>>) dst(%dma_wait3A_915 : memref<128x64xf32, #tpu.memory_space<hbm>>)
    %dma_start3A_920 = arith.constant 1 : i32
    %dma_start3A_921 = arith.constant 0 : i32
    %dma_start3A_922 = arith.constant 0 : i32
    %dma_start3A_923 = tpu.memref_slice %arg6[%dma_start3A_920, %dma_start3A_921, %dma_start3A_922] : memref<4x128x128xf32, #tpu.memory_space<vmem>> -> memref<1x128x128xf32, #tpu.memory_space<vmem>>
    %dma_start3A_924 = tpu.memref_squeeze %dma_start3A_923 : memref<1x128x128xf32, #tpu.memory_space<vmem>> -> memref<128x128xf32, #tpu.memory_space<vmem>>
    %dma_start3A_925 = arith.constant 2688 : i32
    %dma_start3A_926 = tpu.memref_slice %arg5[%dma_start3A_925] : memref<3328xi32, #tpu.memory_space<vmem>> -> memref<128xi32, #tpu.memory_space<vmem>>
    %dma_start3A_927 = arith.constant 0 : i32
    %dma_start3A_928 = arith.constant 0 : i32
    %dma_start3A_929 = tpu.memref_slice %arg3[%dma_start3A_927, %dma_start3A_928] : memref<1040000x128xf32, #tpu.memory_space<hbm>> -> memref<1040000x128xf32, #tpu.memory_space<hbm>>
    tpu.enqueue_indirect_dma source(%dma_start3A_929 : memref<1040000x128xf32, #tpu.memory_space<hbm>>) target(%dma_start3A_924 : memref<128x128xf32, #tpu.memory_space<vmem>>) offsets(%dma_start3A_926 : memref<128xi32, #tpu.memory_space<vmem>>) semaphore(%arg7 : memref<!tpu.dma_semaphore, #tpu.memory_space<semaphore_mem>>)
    %dma_wait3A_930 = arith.constant 3 : i32
    %dma_wait3A_931 = arith.constant 0 : i32
    %dma_wait3A_932 = arith.constant 0 : i32
    %dma_wait3A_933 = tpu.memref_slice %arg6[%dma_wait3A_930, %dma_wait3A_931, %dma_wait3A_932] : memref<4x128x128xf32, #tpu.memory_space<vmem>> -> memref<1x128x128xf32, #tpu.memory_space<vmem>>
    %dma_wait3A_934 = tpu.memref_squeeze %dma_wait3A_933 : memref<1x128x128xf32, #tpu.memory_space<vmem>> -> memref<128x128xf32, #tpu.memory_space<vmem>>
    %dma_wait3A_935 = arith.constant 2432 : i32
    %dma_wait3A_936 = tpu.memref_slice %arg5[%dma_wait3A_935] : memref<3328xi32, #tpu.memory_space<vmem>> -> memref<128xi32, #tpu.memory_space<vmem>>
    %dma_wait3A_937 = arith.constant 0 : i32
    %dma_wait3A_938 = arith.constant 0 : i32
    %dma_wait3A_939 = tpu.memref_slice %arg3[%dma_wait3A_937, %dma_wait3A_938] : memref<1040000x128xf32, #tpu.memory_space<hbm>> -> memref<1040000x128xf32, #tpu.memory_space<hbm>>
    tpu.wait_indirect_dma semaphore(%arg7 : memref<!tpu.dma_semaphore, #tpu.memory_space<semaphore_mem>>) src(%dma_wait3A_939 : memref<1040000x128xf32, #tpu.memory_space<hbm>>) dst(%dma_wait3A_934 : memref<128x128xf32, #tpu.memory_space<vmem>>)
    %add3A_940 = arith.constant 2432 : i32
    %add3A_941 = arith.addi %mul3A_2, %add3A_940 : i32
    %dma_start3A_942 = arith.constant 3 : i32
    %dma_start3A_943 = arith.constant 0 : i32
    %dma_start3A_944 = arith.constant 0 : i32
    %dma_start3A_945 = tpu.memref_slice %arg6[%dma_start3A_942, %dma_start3A_943, %dma_start3A_944] : memref<4x128x128xf32, #tpu.memory_space<vmem>> -> memref<1x128x64xf32, #tpu.memory_space<vmem>>
    %dma_start3A_946 = tpu.memref_squeeze %dma_start3A_945 : memref<1x128x64xf32, #tpu.memory_space<vmem>> -> memref<128x64xf32, #tpu.memory_space<vmem>>
    %dma_start3A_947 = arith.constant 0 : i32
    %dma_start3A_948 = tpu.memref_slice %arg4[%add3A_941, %dma_start3A_947] : memref<106496x64xf32, #tpu.memory_space<hbm>> -> memref<128x64xf32, #tpu.memory_space<hbm>>
    %dma_start3A_949 = arith.constant 0 : i32
    %dma_start3A_950 = tpu.memref_slice %arg4[%add3A_941, %dma_start3A_949] : memref<106496x64xf32, #tpu.memory_space<hbm>> -> memref<128x64xf32, #tpu.memory_space<hbm>>
    %dma_start3A_951 = arith.constant 0 : i32
    %dma_start3A_952 = arith.constant 0 : i32
    %dma_start3A_953 = tpu.memref_slice %arg6[%dma_start3A_942, %dma_start3A_951, %dma_start3A_952] : memref<4x128x128xf32, #tpu.memory_space<vmem>> -> memref<1x128x64xf32, #tpu.memory_space<vmem>>
    %dma_start3A_954 = tpu.memref_squeeze %dma_start3A_953 : memref<1x128x64xf32, #tpu.memory_space<vmem>> -> memref<128x64xf32, #tpu.memory_space<vmem>>
    tpu.enqueue_dma source(%dma_start3A_954 : memref<128x64xf32, #tpu.memory_space<vmem>>) target(%dma_start3A_950 : memref<128x64xf32, #tpu.memory_space<hbm>>) target_semaphore(%arg8 : memref<!tpu.dma_semaphore, #tpu.memory_space<semaphore_mem>>)
    %dma_wait3A_955 = arith.constant 2 : i32
    %dma_wait3A_956 = arith.constant 0 : i32
    %dma_wait3A_957 = arith.constant 0 : i32
    %dma_wait3A_958 = tpu.memref_slice %arg6[%dma_wait3A_955, %dma_wait3A_956, %dma_wait3A_957] : memref<4x128x128xf32, #tpu.memory_space<vmem>> -> memref<1x128x64xf32, #tpu.memory_space<vmem>>
    %dma_wait3A_959 = tpu.memref_squeeze %dma_wait3A_958 : memref<1x128x64xf32, #tpu.memory_space<vmem>> -> memref<128x64xf32, #tpu.memory_space<vmem>>
    %dma_wait3A_960 = arith.constant 0 : i32
    %dma_wait3A_961 = tpu.memref_slice %arg4[%add3A_893, %dma_wait3A_960] : memref<106496x64xf32, #tpu.memory_space<hbm>> -> memref<128x64xf32, #tpu.memory_space<hbm>>
    %dma_wait3A_962 = arith.constant 0 : i32
    %dma_wait3A_963 = tpu.memref_slice %arg4[%add3A_893, %dma_wait3A_962] : memref<106496x64xf32, #tpu.memory_space<hbm>> -> memref<128x64xf32, #tpu.memory_space<hbm>>
    %dma_wait3A_964 = arith.constant 0 : i32
    %dma_wait3A_965 = arith.constant 0 : i32
    %dma_wait3A_966 = tpu.memref_slice %arg6[%dma_wait3A_955, %dma_wait3A_964, %dma_wait3A_965] : memref<4x128x128xf32, #tpu.memory_space<vmem>> -> memref<1x128x64xf32, #tpu.memory_space<vmem>>
    %dma_wait3A_967 = tpu.memref_squeeze %dma_wait3A_966 : memref<1x128x64xf32, #tpu.memory_space<vmem>> -> memref<128x64xf32, #tpu.memory_space<vmem>>
    tpu.wait_dma2 semaphore(%arg8 : memref<!tpu.dma_semaphore, #tpu.memory_space<semaphore_mem>>) src(%dma_wait3A_967 : memref<128x64xf32, #tpu.memory_space<vmem>>) dst(%dma_wait3A_963 : memref<128x64xf32, #tpu.memory_space<hbm>>)
    %dma_start3A_968 = arith.constant 2 : i32
    %dma_start3A_969 = arith.constant 0 : i32
    %dma_start3A_970 = arith.constant 0 : i32
    %dma_start3A_971 = tpu.memref_slice %arg6[%dma_start3A_968, %dma_start3A_969, %dma_start3A_970] : memref<4x128x128xf32, #tpu.memory_space<vmem>> -> memref<1x128x128xf32, #tpu.memory_space<vmem>>
    %dma_start3A_972 = tpu.memref_squeeze %dma_start3A_971 : memref<1x128x128xf32, #tpu.memory_space<vmem>> -> memref<128x128xf32, #tpu.memory_space<vmem>>
    %dma_start3A_973 = arith.constant 2816 : i32
    %dma_start3A_974 = tpu.memref_slice %arg5[%dma_start3A_973] : memref<3328xi32, #tpu.memory_space<vmem>> -> memref<128xi32, #tpu.memory_space<vmem>>
    %dma_start3A_975 = arith.constant 0 : i32
    %dma_start3A_976 = arith.constant 0 : i32
    %dma_start3A_977 = tpu.memref_slice %arg3[%dma_start3A_975, %dma_start3A_976] : memref<1040000x128xf32, #tpu.memory_space<hbm>> -> memref<1040000x128xf32, #tpu.memory_space<hbm>>
    tpu.enqueue_indirect_dma source(%dma_start3A_977 : memref<1040000x128xf32, #tpu.memory_space<hbm>>) target(%dma_start3A_972 : memref<128x128xf32, #tpu.memory_space<vmem>>) offsets(%dma_start3A_974 : memref<128xi32, #tpu.memory_space<vmem>>) semaphore(%arg7 : memref<!tpu.dma_semaphore, #tpu.memory_space<semaphore_mem>>)
    %dma_wait3A_978 = arith.constant 0 : i32
    %dma_wait3A_979 = arith.constant 0 : i32
    %dma_wait3A_980 = arith.constant 0 : i32
    %dma_wait3A_981 = tpu.memref_slice %arg6[%dma_wait3A_978, %dma_wait3A_979, %dma_wait3A_980] : memref<4x128x128xf32, #tpu.memory_space<vmem>> -> memref<1x128x128xf32, #tpu.memory_space<vmem>>
    %dma_wait3A_982 = tpu.memref_squeeze %dma_wait3A_981 : memref<1x128x128xf32, #tpu.memory_space<vmem>> -> memref<128x128xf32, #tpu.memory_space<vmem>>
    %dma_wait3A_983 = arith.constant 2560 : i32
    %dma_wait3A_984 = tpu.memref_slice %arg5[%dma_wait3A_983] : memref<3328xi32, #tpu.memory_space<vmem>> -> memref<128xi32, #tpu.memory_space<vmem>>
    %dma_wait3A_985 = arith.constant 0 : i32
    %dma_wait3A_986 = arith.constant 0 : i32
    %dma_wait3A_987 = tpu.memref_slice %arg3[%dma_wait3A_985, %dma_wait3A_986] : memref<1040000x128xf32, #tpu.memory_space<hbm>> -> memref<1040000x128xf32, #tpu.memory_space<hbm>>
    tpu.wait_indirect_dma semaphore(%arg7 : memref<!tpu.dma_semaphore, #tpu.memory_space<semaphore_mem>>) src(%dma_wait3A_987 : memref<1040000x128xf32, #tpu.memory_space<hbm>>) dst(%dma_wait3A_982 : memref<128x128xf32, #tpu.memory_space<vmem>>)
    %add3A_988 = arith.constant 2560 : i32
    %add3A_989 = arith.addi %mul3A_2, %add3A_988 : i32
    %dma_start3A_990 = arith.constant 0 : i32
    %dma_start3A_991 = arith.constant 0 : i32
    %dma_start3A_992 = arith.constant 0 : i32
    %dma_start3A_993 = tpu.memref_slice %arg6[%dma_start3A_990, %dma_start3A_991, %dma_start3A_992] : memref<4x128x128xf32, #tpu.memory_space<vmem>> -> memref<1x128x64xf32, #tpu.memory_space<vmem>>
    %dma_start3A_994 = tpu.memref_squeeze %dma_start3A_993 : memref<1x128x64xf32, #tpu.memory_space<vmem>> -> memref<128x64xf32, #tpu.memory_space<vmem>>
    %dma_start3A_995 = arith.constant 0 : i32
    %dma_start3A_996 = tpu.memref_slice %arg4[%add3A_989, %dma_start3A_995] : memref<106496x64xf32, #tpu.memory_space<hbm>> -> memref<128x64xf32, #tpu.memory_space<hbm>>
    %dma_start3A_997 = arith.constant 0 : i32
    %dma_start3A_998 = tpu.memref_slice %arg4[%add3A_989, %dma_start3A_997] : memref<106496x64xf32, #tpu.memory_space<hbm>> -> memref<128x64xf32, #tpu.memory_space<hbm>>
    %dma_start3A_999 = arith.constant 0 : i32
    %dma_start3A_1000 = arith.constant 0 : i32
    %dma_start3A_1001 = tpu.memref_slice %arg6[%dma_start3A_990, %dma_start3A_999, %dma_start3A_1000] : memref<4x128x128xf32, #tpu.memory_space<vmem>> -> memref<1x128x64xf32, #tpu.memory_space<vmem>>
    %dma_start3A_1002 = tpu.memref_squeeze %dma_start3A_1001 : memref<1x128x64xf32, #tpu.memory_space<vmem>> -> memref<128x64xf32, #tpu.memory_space<vmem>>
    tpu.enqueue_dma source(%dma_start3A_1002 : memref<128x64xf32, #tpu.memory_space<vmem>>) target(%dma_start3A_998 : memref<128x64xf32, #tpu.memory_space<hbm>>) target_semaphore(%arg8 : memref<!tpu.dma_semaphore, #tpu.memory_space<semaphore_mem>>)
    %dma_wait3A_1003 = arith.constant 3 : i32
    %dma_wait3A_1004 = arith.constant 0 : i32
    %dma_wait3A_1005 = arith.constant 0 : i32
    %dma_wait3A_1006 = tpu.memref_slice %arg6[%dma_wait3A_1003, %dma_wait3A_1004, %dma_wait3A_1005] : memref<4x128x128xf32, #tpu.memory_space<vmem>> -> memref<1x128x64xf32, #tpu.memory_space<vmem>>
    %dma_wait3A_1007 = tpu.memref_squeeze %dma_wait3A_1006 : memref<1x128x64xf32, #tpu.memory_space<vmem>> -> memref<128x64xf32, #tpu.memory_space<vmem>>
    %dma_wait3A_1008 = arith.constant 0 : i32
    %dma_wait3A_1009 = tpu.memref_slice %arg4[%add3A_941, %dma_wait3A_1008] : memref<106496x64xf32, #tpu.memory_space<hbm>> -> memref<128x64xf32, #tpu.memory_space<hbm>>
    %dma_wait3A_1010 = arith.constant 0 : i32
    %dma_wait3A_1011 = tpu.memref_slice %arg4[%add3A_941, %dma_wait3A_1010] : memref<106496x64xf32, #tpu.memory_space<hbm>> -> memref<128x64xf32, #tpu.memory_space<hbm>>
    %dma_wait3A_1012 = arith.constant 0 : i32
    %dma_wait3A_1013 = arith.constant 0 : i32
    %dma_wait3A_1014 = tpu.memref_slice %arg6[%dma_wait3A_1003, %dma_wait3A_1012, %dma_wait3A_1013] : memref<4x128x128xf32, #tpu.memory_space<vmem>> -> memref<1x128x64xf32, #tpu.memory_space<vmem>>
    %dma_wait3A_1015 = tpu.memref_squeeze %dma_wait3A_1014 : memref<1x128x64xf32, #tpu.memory_space<vmem>> -> memref<128x64xf32, #tpu.memory_space<vmem>>
    tpu.wait_dma2 semaphore(%arg8 : memref<!tpu.dma_semaphore, #tpu.memory_space<semaphore_mem>>) src(%dma_wait3A_1015 : memref<128x64xf32, #tpu.memory_space<vmem>>) dst(%dma_wait3A_1011 : memref<128x64xf32, #tpu.memory_space<hbm>>)
    %dma_start3A_1016 = arith.constant 3 : i32
    %dma_start3A_1017 = arith.constant 0 : i32
    %dma_start3A_1018 = arith.constant 0 : i32
    %dma_start3A_1019 = tpu.memref_slice %arg6[%dma_start3A_1016, %dma_start3A_1017, %dma_start3A_1018] : memref<4x128x128xf32, #tpu.memory_space<vmem>> -> memref<1x128x128xf32, #tpu.memory_space<vmem>>
    %dma_start3A_1020 = tpu.memref_squeeze %dma_start3A_1019 : memref<1x128x128xf32, #tpu.memory_space<vmem>> -> memref<128x128xf32, #tpu.memory_space<vmem>>
    %dma_start3A_1021 = arith.constant 2944 : i32
    %dma_start3A_1022 = tpu.memref_slice %arg5[%dma_start3A_1021] : memref<3328xi32, #tpu.memory_space<vmem>> -> memref<128xi32, #tpu.memory_space<vmem>>
    %dma_start3A_1023 = arith.constant 0 : i32
    %dma_start3A_1024 = arith.constant 0 : i32
    %dma_start3A_1025 = tpu.memref_slice %arg3[%dma_start3A_1023, %dma_start3A_1024] : memref<1040000x128xf32, #tpu.memory_space<hbm>> -> memref<1040000x128xf32, #tpu.memory_space<hbm>>
    tpu.enqueue_indirect_dma source(%dma_start3A_1025 : memref<1040000x128xf32, #tpu.memory_space<hbm>>) target(%dma_start3A_1020 : memref<128x128xf32, #tpu.memory_space<vmem>>) offsets(%dma_start3A_1022 : memref<128xi32, #tpu.memory_space<vmem>>) semaphore(%arg7 : memref<!tpu.dma_semaphore, #tpu.memory_space<semaphore_mem>>)
    %dma_wait3A_1026 = arith.constant 1 : i32
    %dma_wait3A_1027 = arith.constant 0 : i32
    %dma_wait3A_1028 = arith.constant 0 : i32
    %dma_wait3A_1029 = tpu.memref_slice %arg6[%dma_wait3A_1026, %dma_wait3A_1027, %dma_wait3A_1028] : memref<4x128x128xf32, #tpu.memory_space<vmem>> -> memref<1x128x128xf32, #tpu.memory_space<vmem>>
    %dma_wait3A_1030 = tpu.memref_squeeze %dma_wait3A_1029 : memref<1x128x128xf32, #tpu.memory_space<vmem>> -> memref<128x128xf32, #tpu.memory_space<vmem>>
    %dma_wait3A_1031 = arith.constant 2688 : i32
    %dma_wait3A_1032 = tpu.memref_slice %arg5[%dma_wait3A_1031] : memref<3328xi32, #tpu.memory_space<vmem>> -> memref<128xi32, #tpu.memory_space<vmem>>
    %dma_wait3A_1033 = arith.constant 0 : i32
    %dma_wait3A_1034 = arith.constant 0 : i32
    %dma_wait3A_1035 = tpu.memref_slice %arg3[%dma_wait3A_1033, %dma_wait3A_1034] : memref<1040000x128xf32, #tpu.memory_space<hbm>> -> memref<1040000x128xf32, #tpu.memory_space<hbm>>
    tpu.wait_indirect_dma semaphore(%arg7 : memref<!tpu.dma_semaphore, #tpu.memory_space<semaphore_mem>>) src(%dma_wait3A_1035 : memref<1040000x128xf32, #tpu.memory_space<hbm>>) dst(%dma_wait3A_1030 : memref<128x128xf32, #tpu.memory_space<vmem>>)
    %add3A_1036 = arith.constant 2688 : i32
    %add3A_1037 = arith.addi %mul3A_2, %add3A_1036 : i32
    %dma_start3A_1038 = arith.constant 1 : i32
    %dma_start3A_1039 = arith.constant 0 : i32
    %dma_start3A_1040 = arith.constant 0 : i32
    %dma_start3A_1041 = tpu.memref_slice %arg6[%dma_start3A_1038, %dma_start3A_1039, %dma_start3A_1040] : memref<4x128x128xf32, #tpu.memory_space<vmem>> -> memref<1x128x64xf32, #tpu.memory_space<vmem>>
    %dma_start3A_1042 = tpu.memref_squeeze %dma_start3A_1041 : memref<1x128x64xf32, #tpu.memory_space<vmem>> -> memref<128x64xf32, #tpu.memory_space<vmem>>
    %dma_start3A_1043 = arith.constant 0 : i32
    %dma_start3A_1044 = tpu.memref_slice %arg4[%add3A_1037, %dma_start3A_1043] : memref<106496x64xf32, #tpu.memory_space<hbm>> -> memref<128x64xf32, #tpu.memory_space<hbm>>
    %dma_start3A_1045 = arith.constant 0 : i32
    %dma_start3A_1046 = tpu.memref_slice %arg4[%add3A_1037, %dma_start3A_1045] : memref<106496x64xf32, #tpu.memory_space<hbm>> -> memref<128x64xf32, #tpu.memory_space<hbm>>
    %dma_start3A_1047 = arith.constant 0 : i32
    %dma_start3A_1048 = arith.constant 0 : i32
    %dma_start3A_1049 = tpu.memref_slice %arg6[%dma_start3A_1038, %dma_start3A_1047, %dma_start3A_1048] : memref<4x128x128xf32, #tpu.memory_space<vmem>> -> memref<1x128x64xf32, #tpu.memory_space<vmem>>
    %dma_start3A_1050 = tpu.memref_squeeze %dma_start3A_1049 : memref<1x128x64xf32, #tpu.memory_space<vmem>> -> memref<128x64xf32, #tpu.memory_space<vmem>>
    tpu.enqueue_dma source(%dma_start3A_1050 : memref<128x64xf32, #tpu.memory_space<vmem>>) target(%dma_start3A_1046 : memref<128x64xf32, #tpu.memory_space<hbm>>) target_semaphore(%arg8 : memref<!tpu.dma_semaphore, #tpu.memory_space<semaphore_mem>>)
    %dma_wait3A_1051 = arith.constant 0 : i32
    %dma_wait3A_1052 = arith.constant 0 : i32
    %dma_wait3A_1053 = arith.constant 0 : i32
    %dma_wait3A_1054 = tpu.memref_slice %arg6[%dma_wait3A_1051, %dma_wait3A_1052, %dma_wait3A_1053] : memref<4x128x128xf32, #tpu.memory_space<vmem>> -> memref<1x128x64xf32, #tpu.memory_space<vmem>>
    %dma_wait3A_1055 = tpu.memref_squeeze %dma_wait3A_1054 : memref<1x128x64xf32, #tpu.memory_space<vmem>> -> memref<128x64xf32, #tpu.memory_space<vmem>>
    %dma_wait3A_1056 = arith.constant 0 : i32
    %dma_wait3A_1057 = tpu.memref_slice %arg4[%add3A_989, %dma_wait3A_1056] : memref<106496x64xf32, #tpu.memory_space<hbm>> -> memref<128x64xf32, #tpu.memory_space<hbm>>
    %dma_wait3A_1058 = arith.constant 0 : i32
    %dma_wait3A_1059 = tpu.memref_slice %arg4[%add3A_989, %dma_wait3A_1058] : memref<106496x64xf32, #tpu.memory_space<hbm>> -> memref<128x64xf32, #tpu.memory_space<hbm>>
    %dma_wait3A_1060 = arith.constant 0 : i32
    %dma_wait3A_1061 = arith.constant 0 : i32
    %dma_wait3A_1062 = tpu.memref_slice %arg6[%dma_wait3A_1051, %dma_wait3A_1060, %dma_wait3A_1061] : memref<4x128x128xf32, #tpu.memory_space<vmem>> -> memref<1x128x64xf32, #tpu.memory_space<vmem>>
    %dma_wait3A_1063 = tpu.memref_squeeze %dma_wait3A_1062 : memref<1x128x64xf32, #tpu.memory_space<vmem>> -> memref<128x64xf32, #tpu.memory_space<vmem>>
    tpu.wait_dma2 semaphore(%arg8 : memref<!tpu.dma_semaphore, #tpu.memory_space<semaphore_mem>>) src(%dma_wait3A_1063 : memref<128x64xf32, #tpu.memory_space<vmem>>) dst(%dma_wait3A_1059 : memref<128x64xf32, #tpu.memory_space<hbm>>)
    %dma_start3A_1064 = arith.constant 0 : i32
    %dma_start3A_1065 = arith.constant 0 : i32
    %dma_start3A_1066 = arith.constant 0 : i32
    %dma_start3A_1067 = tpu.memref_slice %arg6[%dma_start3A_1064, %dma_start3A_1065, %dma_start3A_1066] : memref<4x128x128xf32, #tpu.memory_space<vmem>> -> memref<1x128x128xf32, #tpu.memory_space<vmem>>
    %dma_start3A_1068 = tpu.memref_squeeze %dma_start3A_1067 : memref<1x128x128xf32, #tpu.memory_space<vmem>> -> memref<128x128xf32, #tpu.memory_space<vmem>>
    %dma_start3A_1069 = arith.constant 3072 : i32
    %dma_start3A_1070 = tpu.memref_slice %arg5[%dma_start3A_1069] : memref<3328xi32, #tpu.memory_space<vmem>> -> memref<128xi32, #tpu.memory_space<vmem>>
    %dma_start3A_1071 = arith.constant 0 : i32
    %dma_start3A_1072 = arith.constant 0 : i32
    %dma_start3A_1073 = tpu.memref_slice %arg3[%dma_start3A_1071, %dma_start3A_1072] : memref<1040000x128xf32, #tpu.memory_space<hbm>> -> memref<1040000x128xf32, #tpu.memory_space<hbm>>
    tpu.enqueue_indirect_dma source(%dma_start3A_1073 : memref<1040000x128xf32, #tpu.memory_space<hbm>>) target(%dma_start3A_1068 : memref<128x128xf32, #tpu.memory_space<vmem>>) offsets(%dma_start3A_1070 : memref<128xi32, #tpu.memory_space<vmem>>) semaphore(%arg7 : memref<!tpu.dma_semaphore, #tpu.memory_space<semaphore_mem>>)
    %dma_wait3A_1074 = arith.constant 2 : i32
    %dma_wait3A_1075 = arith.constant 0 : i32
    %dma_wait3A_1076 = arith.constant 0 : i32
    %dma_wait3A_1077 = tpu.memref_slice %arg6[%dma_wait3A_1074, %dma_wait3A_1075, %dma_wait3A_1076] : memref<4x128x128xf32, #tpu.memory_space<vmem>> -> memref<1x128x128xf32, #tpu.memory_space<vmem>>
    %dma_wait3A_1078 = tpu.memref_squeeze %dma_wait3A_1077 : memref<1x128x128xf32, #tpu.memory_space<vmem>> -> memref<128x128xf32, #tpu.memory_space<vmem>>
    %dma_wait3A_1079 = arith.constant 2816 : i32
    %dma_wait3A_1080 = tpu.memref_slice %arg5[%dma_wait3A_1079] : memref<3328xi32, #tpu.memory_space<vmem>> -> memref<128xi32, #tpu.memory_space<vmem>>
    %dma_wait3A_1081 = arith.constant 0 : i32
    %dma_wait3A_1082 = arith.constant 0 : i32
    %dma_wait3A_1083 = tpu.memref_slice %arg3[%dma_wait3A_1081, %dma_wait3A_1082] : memref<1040000x128xf32, #tpu.memory_space<hbm>> -> memref<1040000x128xf32, #tpu.memory_space<hbm>>
    tpu.wait_indirect_dma semaphore(%arg7 : memref<!tpu.dma_semaphore, #tpu.memory_space<semaphore_mem>>) src(%dma_wait3A_1083 : memref<1040000x128xf32, #tpu.memory_space<hbm>>) dst(%dma_wait3A_1078 : memref<128x128xf32, #tpu.memory_space<vmem>>)
    %add3A_1084 = arith.constant 2816 : i32
    %add3A_1085 = arith.addi %mul3A_2, %add3A_1084 : i32
    %dma_start3A_1086 = arith.constant 2 : i32
    %dma_start3A_1087 = arith.constant 0 : i32
    %dma_start3A_1088 = arith.constant 0 : i32
    %dma_start3A_1089 = tpu.memref_slice %arg6[%dma_start3A_1086, %dma_start3A_1087, %dma_start3A_1088] : memref<4x128x128xf32, #tpu.memory_space<vmem>> -> memref<1x128x64xf32, #tpu.memory_space<vmem>>
    %dma_start3A_1090 = tpu.memref_squeeze %dma_start3A_1089 : memref<1x128x64xf32, #tpu.memory_space<vmem>> -> memref<128x64xf32, #tpu.memory_space<vmem>>
    %dma_start3A_1091 = arith.constant 0 : i32
    %dma_start3A_1092 = tpu.memref_slice %arg4[%add3A_1085, %dma_start3A_1091] : memref<106496x64xf32, #tpu.memory_space<hbm>> -> memref<128x64xf32, #tpu.memory_space<hbm>>
    %dma_start3A_1093 = arith.constant 0 : i32
    %dma_start3A_1094 = tpu.memref_slice %arg4[%add3A_1085, %dma_start3A_1093] : memref<106496x64xf32, #tpu.memory_space<hbm>> -> memref<128x64xf32, #tpu.memory_space<hbm>>
    %dma_start3A_1095 = arith.constant 0 : i32
    %dma_start3A_1096 = arith.constant 0 : i32
    %dma_start3A_1097 = tpu.memref_slice %arg6[%dma_start3A_1086, %dma_start3A_1095, %dma_start3A_1096] : memref<4x128x128xf32, #tpu.memory_space<vmem>> -> memref<1x128x64xf32, #tpu.memory_space<vmem>>
    %dma_start3A_1098 = tpu.memref_squeeze %dma_start3A_1097 : memref<1x128x64xf32, #tpu.memory_space<vmem>> -> memref<128x64xf32, #tpu.memory_space<vmem>>
    tpu.enqueue_dma source(%dma_start3A_1098 : memref<128x64xf32, #tpu.memory_space<vmem>>) target(%dma_start3A_1094 : memref<128x64xf32, #tpu.memory_space<hbm>>) target_semaphore(%arg8 : memref<!tpu.dma_semaphore, #tpu.memory_space<semaphore_mem>>)
    %dma_wait3A_1099 = arith.constant 1 : i32
    %dma_wait3A_1100 = arith.constant 0 : i32
    %dma_wait3A_1101 = arith.constant 0 : i32
    %dma_wait3A_1102 = tpu.memref_slice %arg6[%dma_wait3A_1099, %dma_wait3A_1100, %dma_wait3A_1101] : memref<4x128x128xf32, #tpu.memory_space<vmem>> -> memref<1x128x64xf32, #tpu.memory_space<vmem>>
    %dma_wait3A_1103 = tpu.memref_squeeze %dma_wait3A_1102 : memref<1x128x64xf32, #tpu.memory_space<vmem>> -> memref<128x64xf32, #tpu.memory_space<vmem>>
    %dma_wait3A_1104 = arith.constant 0 : i32
    %dma_wait3A_1105 = tpu.memref_slice %arg4[%add3A_1037, %dma_wait3A_1104] : memref<106496x64xf32, #tpu.memory_space<hbm>> -> memref<128x64xf32, #tpu.memory_space<hbm>>
    %dma_wait3A_1106 = arith.constant 0 : i32
    %dma_wait3A_1107 = tpu.memref_slice %arg4[%add3A_1037, %dma_wait3A_1106] : memref<106496x64xf32, #tpu.memory_space<hbm>> -> memref<128x64xf32, #tpu.memory_space<hbm>>
    %dma_wait3A_1108 = arith.constant 0 : i32
    %dma_wait3A_1109 = arith.constant 0 : i32
    %dma_wait3A_1110 = tpu.memref_slice %arg6[%dma_wait3A_1099, %dma_wait3A_1108, %dma_wait3A_1109] : memref<4x128x128xf32, #tpu.memory_space<vmem>> -> memref<1x128x64xf32, #tpu.memory_space<vmem>>
    %dma_wait3A_1111 = tpu.memref_squeeze %dma_wait3A_1110 : memref<1x128x64xf32, #tpu.memory_space<vmem>> -> memref<128x64xf32, #tpu.memory_space<vmem>>
    tpu.wait_dma2 semaphore(%arg8 : memref<!tpu.dma_semaphore, #tpu.memory_space<semaphore_mem>>) src(%dma_wait3A_1111 : memref<128x64xf32, #tpu.memory_space<vmem>>) dst(%dma_wait3A_1107 : memref<128x64xf32, #tpu.memory_space<hbm>>)
    %dma_start3A_1112 = arith.constant 1 : i32
    %dma_start3A_1113 = arith.constant 0 : i32
    %dma_start3A_1114 = arith.constant 0 : i32
    %dma_start3A_1115 = tpu.memref_slice %arg6[%dma_start3A_1112, %dma_start3A_1113, %dma_start3A_1114] : memref<4x128x128xf32, #tpu.memory_space<vmem>> -> memref<1x128x128xf32, #tpu.memory_space<vmem>>
    %dma_start3A_1116 = tpu.memref_squeeze %dma_start3A_1115 : memref<1x128x128xf32, #tpu.memory_space<vmem>> -> memref<128x128xf32, #tpu.memory_space<vmem>>
    %dma_start3A_1117 = arith.constant 3200 : i32
    %dma_start3A_1118 = tpu.memref_slice %arg5[%dma_start3A_1117] : memref<3328xi32, #tpu.memory_space<vmem>> -> memref<128xi32, #tpu.memory_space<vmem>>
    %dma_start3A_1119 = arith.constant 0 : i32
    %dma_start3A_1120 = arith.constant 0 : i32
    %dma_start3A_1121 = tpu.memref_slice %arg3[%dma_start3A_1119, %dma_start3A_1120] : memref<1040000x128xf32, #tpu.memory_space<hbm>> -> memref<1040000x128xf32, #tpu.memory_space<hbm>>
    tpu.enqueue_indirect_dma source(%dma_start3A_1121 : memref<1040000x128xf32, #tpu.memory_space<hbm>>) target(%dma_start3A_1116 : memref<128x128xf32, #tpu.memory_space<vmem>>) offsets(%dma_start3A_1118 : memref<128xi32, #tpu.memory_space<vmem>>) semaphore(%arg7 : memref<!tpu.dma_semaphore, #tpu.memory_space<semaphore_mem>>)
    %dma_wait3A_1122 = arith.constant 3 : i32
    %dma_wait3A_1123 = arith.constant 0 : i32
    %dma_wait3A_1124 = arith.constant 0 : i32
    %dma_wait3A_1125 = tpu.memref_slice %arg6[%dma_wait3A_1122, %dma_wait3A_1123, %dma_wait3A_1124] : memref<4x128x128xf32, #tpu.memory_space<vmem>> -> memref<1x128x128xf32, #tpu.memory_space<vmem>>
    %dma_wait3A_1126 = tpu.memref_squeeze %dma_wait3A_1125 : memref<1x128x128xf32, #tpu.memory_space<vmem>> -> memref<128x128xf32, #tpu.memory_space<vmem>>
    %dma_wait3A_1127 = arith.constant 2944 : i32
    %dma_wait3A_1128 = tpu.memref_slice %arg5[%dma_wait3A_1127] : memref<3328xi32, #tpu.memory_space<vmem>> -> memref<128xi32, #tpu.memory_space<vmem>>
    %dma_wait3A_1129 = arith.constant 0 : i32
    %dma_wait3A_1130 = arith.constant 0 : i32
    %dma_wait3A_1131 = tpu.memref_slice %arg3[%dma_wait3A_1129, %dma_wait3A_1130] : memref<1040000x128xf32, #tpu.memory_space<hbm>> -> memref<1040000x128xf32, #tpu.memory_space<hbm>>
    tpu.wait_indirect_dma semaphore(%arg7 : memref<!tpu.dma_semaphore, #tpu.memory_space<semaphore_mem>>) src(%dma_wait3A_1131 : memref<1040000x128xf32, #tpu.memory_space<hbm>>) dst(%dma_wait3A_1126 : memref<128x128xf32, #tpu.memory_space<vmem>>)
    %add3A_1132 = arith.constant 2944 : i32
    %add3A_1133 = arith.addi %mul3A_2, %add3A_1132 : i32
    %dma_start3A_1134 = arith.constant 3 : i32
    %dma_start3A_1135 = arith.constant 0 : i32
    %dma_start3A_1136 = arith.constant 0 : i32
    %dma_start3A_1137 = tpu.memref_slice %arg6[%dma_start3A_1134, %dma_start3A_1135, %dma_start3A_1136] : memref<4x128x128xf32, #tpu.memory_space<vmem>> -> memref<1x128x64xf32, #tpu.memory_space<vmem>>
    %dma_start3A_1138 = tpu.memref_squeeze %dma_start3A_1137 : memref<1x128x64xf32, #tpu.memory_space<vmem>> -> memref<128x64xf32, #tpu.memory_space<vmem>>
    %dma_start3A_1139 = arith.constant 0 : i32
    %dma_start3A_1140 = tpu.memref_slice %arg4[%add3A_1133, %dma_start3A_1139] : memref<106496x64xf32, #tpu.memory_space<hbm>> -> memref<128x64xf32, #tpu.memory_space<hbm>>
    %dma_start3A_1141 = arith.constant 0 : i32
    %dma_start3A_1142 = tpu.memref_slice %arg4[%add3A_1133, %dma_start3A_1141] : memref<106496x64xf32, #tpu.memory_space<hbm>> -> memref<128x64xf32, #tpu.memory_space<hbm>>
    %dma_start3A_1143 = arith.constant 0 : i32
    %dma_start3A_1144 = arith.constant 0 : i32
    %dma_start3A_1145 = tpu.memref_slice %arg6[%dma_start3A_1134, %dma_start3A_1143, %dma_start3A_1144] : memref<4x128x128xf32, #tpu.memory_space<vmem>> -> memref<1x128x64xf32, #tpu.memory_space<vmem>>
    %dma_start3A_1146 = tpu.memref_squeeze %dma_start3A_1145 : memref<1x128x64xf32, #tpu.memory_space<vmem>> -> memref<128x64xf32, #tpu.memory_space<vmem>>
    tpu.enqueue_dma source(%dma_start3A_1146 : memref<128x64xf32, #tpu.memory_space<vmem>>) target(%dma_start3A_1142 : memref<128x64xf32, #tpu.memory_space<hbm>>) target_semaphore(%arg8 : memref<!tpu.dma_semaphore, #tpu.memory_space<semaphore_mem>>)
    %dma_wait3A_1147 = arith.constant 0 : i32
    %dma_wait3A_1148 = arith.constant 0 : i32
    %dma_wait3A_1149 = arith.constant 0 : i32
    %dma_wait3A_1150 = tpu.memref_slice %arg6[%dma_wait3A_1147, %dma_wait3A_1148, %dma_wait3A_1149] : memref<4x128x128xf32, #tpu.memory_space<vmem>> -> memref<1x128x128xf32, #tpu.memory_space<vmem>>
    %dma_wait3A_1151 = tpu.memref_squeeze %dma_wait3A_1150 : memref<1x128x128xf32, #tpu.memory_space<vmem>> -> memref<128x128xf32, #tpu.memory_space<vmem>>
    %dma_wait3A_1152 = arith.constant 3072 : i32
    %dma_wait3A_1153 = tpu.memref_slice %arg5[%dma_wait3A_1152] : memref<3328xi32, #tpu.memory_space<vmem>> -> memref<128xi32, #tpu.memory_space<vmem>>
    %dma_wait3A_1154 = arith.constant 0 : i32
    %dma_wait3A_1155 = arith.constant 0 : i32
    %dma_wait3A_1156 = tpu.memref_slice %arg3[%dma_wait3A_1154, %dma_wait3A_1155] : memref<1040000x128xf32, #tpu.memory_space<hbm>> -> memref<1040000x128xf32, #tpu.memory_space<hbm>>
    tpu.wait_indirect_dma semaphore(%arg7 : memref<!tpu.dma_semaphore, #tpu.memory_space<semaphore_mem>>) src(%dma_wait3A_1156 : memref<1040000x128xf32, #tpu.memory_space<hbm>>) dst(%dma_wait3A_1151 : memref<128x128xf32, #tpu.memory_space<vmem>>)
    %add3A_1157 = arith.constant 3072 : i32
    %add3A_1158 = arith.addi %mul3A_2, %add3A_1157 : i32
    %dma_start3A_1159 = arith.constant 0 : i32
    %dma_start3A_1160 = arith.constant 0 : i32
    %dma_start3A_1161 = arith.constant 0 : i32
    %dma_start3A_1162 = tpu.memref_slice %arg6[%dma_start3A_1159, %dma_start3A_1160, %dma_start3A_1161] : memref<4x128x128xf32, #tpu.memory_space<vmem>> -> memref<1x128x64xf32, #tpu.memory_space<vmem>>
    %dma_start3A_1163 = tpu.memref_squeeze %dma_start3A_1162 : memref<1x128x64xf32, #tpu.memory_space<vmem>> -> memref<128x64xf32, #tpu.memory_space<vmem>>
    %dma_start3A_1164 = arith.constant 0 : i32
    %dma_start3A_1165 = tpu.memref_slice %arg4[%add3A_1158, %dma_start3A_1164] : memref<106496x64xf32, #tpu.memory_space<hbm>> -> memref<128x64xf32, #tpu.memory_space<hbm>>
    %dma_start3A_1166 = arith.constant 0 : i32
    %dma_start3A_1167 = tpu.memref_slice %arg4[%add3A_1158, %dma_start3A_1166] : memref<106496x64xf32, #tpu.memory_space<hbm>> -> memref<128x64xf32, #tpu.memory_space<hbm>>
    %dma_start3A_1168 = arith.constant 0 : i32
    %dma_start3A_1169 = arith.constant 0 : i32
    %dma_start3A_1170 = tpu.memref_slice %arg6[%dma_start3A_1159, %dma_start3A_1168, %dma_start3A_1169] : memref<4x128x128xf32, #tpu.memory_space<vmem>> -> memref<1x128x64xf32, #tpu.memory_space<vmem>>
    %dma_start3A_1171 = tpu.memref_squeeze %dma_start3A_1170 : memref<1x128x64xf32, #tpu.memory_space<vmem>> -> memref<128x64xf32, #tpu.memory_space<vmem>>
    tpu.enqueue_dma source(%dma_start3A_1171 : memref<128x64xf32, #tpu.memory_space<vmem>>) target(%dma_start3A_1167 : memref<128x64xf32, #tpu.memory_space<hbm>>) target_semaphore(%arg8 : memref<!tpu.dma_semaphore, #tpu.memory_space<semaphore_mem>>)
    %dma_wait3A_1172 = arith.constant 1 : i32
    %dma_wait3A_1173 = arith.constant 0 : i32
    %dma_wait3A_1174 = arith.constant 0 : i32
    %dma_wait3A_1175 = tpu.memref_slice %arg6[%dma_wait3A_1172, %dma_wait3A_1173, %dma_wait3A_1174] : memref<4x128x128xf32, #tpu.memory_space<vmem>> -> memref<1x128x128xf32, #tpu.memory_space<vmem>>
    %dma_wait3A_1176 = tpu.memref_squeeze %dma_wait3A_1175 : memref<1x128x128xf32, #tpu.memory_space<vmem>> -> memref<128x128xf32, #tpu.memory_space<vmem>>
    %dma_wait3A_1177 = arith.constant 3200 : i32
    %dma_wait3A_1178 = tpu.memref_slice %arg5[%dma_wait3A_1177] : memref<3328xi32, #tpu.memory_space<vmem>> -> memref<128xi32, #tpu.memory_space<vmem>>
    %dma_wait3A_1179 = arith.constant 0 : i32
    %dma_wait3A_1180 = arith.constant 0 : i32
    %dma_wait3A_1181 = tpu.memref_slice %arg3[%dma_wait3A_1179, %dma_wait3A_1180] : memref<1040000x128xf32, #tpu.memory_space<hbm>> -> memref<1040000x128xf32, #tpu.memory_space<hbm>>
    tpu.wait_indirect_dma semaphore(%arg7 : memref<!tpu.dma_semaphore, #tpu.memory_space<semaphore_mem>>) src(%dma_wait3A_1181 : memref<1040000x128xf32, #tpu.memory_space<hbm>>) dst(%dma_wait3A_1176 : memref<128x128xf32, #tpu.memory_space<vmem>>)
    %add3A_1182 = arith.constant 3200 : i32
    %add3A_1183 = arith.addi %mul3A_2, %add3A_1182 : i32
    %dma_start3A_1184 = arith.constant 1 : i32
    %dma_start3A_1185 = arith.constant 0 : i32
    %dma_start3A_1186 = arith.constant 0 : i32
    %dma_start3A_1187 = tpu.memref_slice %arg6[%dma_start3A_1184, %dma_start3A_1185, %dma_start3A_1186] : memref<4x128x128xf32, #tpu.memory_space<vmem>> -> memref<1x128x64xf32, #tpu.memory_space<vmem>>
    %dma_start3A_1188 = tpu.memref_squeeze %dma_start3A_1187 : memref<1x128x64xf32, #tpu.memory_space<vmem>> -> memref<128x64xf32, #tpu.memory_space<vmem>>
    %dma_start3A_1189 = arith.constant 0 : i32
    %dma_start3A_1190 = tpu.memref_slice %arg4[%add3A_1183, %dma_start3A_1189] : memref<106496x64xf32, #tpu.memory_space<hbm>> -> memref<128x64xf32, #tpu.memory_space<hbm>>
    %dma_start3A_1191 = arith.constant 0 : i32
    %dma_start3A_1192 = tpu.memref_slice %arg4[%add3A_1183, %dma_start3A_1191] : memref<106496x64xf32, #tpu.memory_space<hbm>> -> memref<128x64xf32, #tpu.memory_space<hbm>>
    %dma_start3A_1193 = arith.constant 0 : i32
    %dma_start3A_1194 = arith.constant 0 : i32
    %dma_start3A_1195 = tpu.memref_slice %arg6[%dma_start3A_1184, %dma_start3A_1193, %dma_start3A_1194] : memref<4x128x128xf32, #tpu.memory_space<vmem>> -> memref<1x128x64xf32, #tpu.memory_space<vmem>>
    %dma_start3A_1196 = tpu.memref_squeeze %dma_start3A_1195 : memref<1x128x64xf32, #tpu.memory_space<vmem>> -> memref<128x64xf32, #tpu.memory_space<vmem>>
    tpu.enqueue_dma source(%dma_start3A_1196 : memref<128x64xf32, #tpu.memory_space<vmem>>) target(%dma_start3A_1192 : memref<128x64xf32, #tpu.memory_space<hbm>>) target_semaphore(%arg8 : memref<!tpu.dma_semaphore, #tpu.memory_space<semaphore_mem>>)
    %dma_wait3A_1197 = arith.constant 2 : i32
    %dma_wait3A_1198 = arith.constant 0 : i32
    %dma_wait3A_1199 = arith.constant 0 : i32
    %dma_wait3A_1200 = tpu.memref_slice %arg6[%dma_wait3A_1197, %dma_wait3A_1198, %dma_wait3A_1199] : memref<4x128x128xf32, #tpu.memory_space<vmem>> -> memref<1x128x64xf32, #tpu.memory_space<vmem>>
    %dma_wait3A_1201 = tpu.memref_squeeze %dma_wait3A_1200 : memref<1x128x64xf32, #tpu.memory_space<vmem>> -> memref<128x64xf32, #tpu.memory_space<vmem>>
    %dma_wait3A_1202 = arith.constant 0 : i32
    %dma_wait3A_1203 = tpu.memref_slice %arg4[%add3A_1085, %dma_wait3A_1202] : memref<106496x64xf32, #tpu.memory_space<hbm>> -> memref<128x64xf32, #tpu.memory_space<hbm>>
    %dma_wait3A_1204 = arith.constant 0 : i32
    %dma_wait3A_1205 = tpu.memref_slice %arg4[%add3A_1085, %dma_wait3A_1204] : memref<106496x64xf32, #tpu.memory_space<hbm>> -> memref<128x64xf32, #tpu.memory_space<hbm>>
    %dma_wait3A_1206 = arith.constant 0 : i32
    %dma_wait3A_1207 = arith.constant 0 : i32
    %dma_wait3A_1208 = tpu.memref_slice %arg6[%dma_wait3A_1197, %dma_wait3A_1206, %dma_wait3A_1207] : memref<4x128x128xf32, #tpu.memory_space<vmem>> -> memref<1x128x64xf32, #tpu.memory_space<vmem>>
    %dma_wait3A_1209 = tpu.memref_squeeze %dma_wait3A_1208 : memref<1x128x64xf32, #tpu.memory_space<vmem>> -> memref<128x64xf32, #tpu.memory_space<vmem>>
    tpu.wait_dma2 semaphore(%arg8 : memref<!tpu.dma_semaphore, #tpu.memory_space<semaphore_mem>>) src(%dma_wait3A_1209 : memref<128x64xf32, #tpu.memory_space<vmem>>) dst(%dma_wait3A_1205 : memref<128x64xf32, #tpu.memory_space<hbm>>)
    %dma_wait3A_1210 = arith.constant 3 : i32
    %dma_wait3A_1211 = arith.constant 0 : i32
    %dma_wait3A_1212 = arith.constant 0 : i32
    %dma_wait3A_1213 = tpu.memref_slice %arg6[%dma_wait3A_1210, %dma_wait3A_1211, %dma_wait3A_1212] : memref<4x128x128xf32, #tpu.memory_space<vmem>> -> memref<1x128x64xf32, #tpu.memory_space<vmem>>
    %dma_wait3A_1214 = tpu.memref_squeeze %dma_wait3A_1213 : memref<1x128x64xf32, #tpu.memory_space<vmem>> -> memref<128x64xf32, #tpu.memory_space<vmem>>
    %dma_wait3A_1215 = arith.constant 0 : i32
    %dma_wait3A_1216 = tpu.memref_slice %arg4[%add3A_1133, %dma_wait3A_1215] : memref<106496x64xf32, #tpu.memory_space<hbm>> -> memref<128x64xf32, #tpu.memory_space<hbm>>
    %dma_wait3A_1217 = arith.constant 0 : i32
    %dma_wait3A_1218 = tpu.memref_slice %arg4[%add3A_1133, %dma_wait3A_1217] : memref<106496x64xf32, #tpu.memory_space<hbm>> -> memref<128x64xf32, #tpu.memory_space<hbm>>
    %dma_wait3A_1219 = arith.constant 0 : i32
    %dma_wait3A_1220 = arith.constant 0 : i32
    %dma_wait3A_1221 = tpu.memref_slice %arg6[%dma_wait3A_1210, %dma_wait3A_1219, %dma_wait3A_1220] : memref<4x128x128xf32, #tpu.memory_space<vmem>> -> memref<1x128x64xf32, #tpu.memory_space<vmem>>
    %dma_wait3A_1222 = tpu.memref_squeeze %dma_wait3A_1221 : memref<1x128x64xf32, #tpu.memory_space<vmem>> -> memref<128x64xf32, #tpu.memory_space<vmem>>
    tpu.wait_dma2 semaphore(%arg8 : memref<!tpu.dma_semaphore, #tpu.memory_space<semaphore_mem>>) src(%dma_wait3A_1222 : memref<128x64xf32, #tpu.memory_space<vmem>>) dst(%dma_wait3A_1218 : memref<128x64xf32, #tpu.memory_space<hbm>>)
    %dma_wait3A_1223 = arith.constant 0 : i32
    %dma_wait3A_1224 = arith.constant 0 : i32
    %dma_wait3A_1225 = arith.constant 0 : i32
    %dma_wait3A_1226 = tpu.memref_slice %arg6[%dma_wait3A_1223, %dma_wait3A_1224, %dma_wait3A_1225] : memref<4x128x128xf32, #tpu.memory_space<vmem>> -> memref<1x128x64xf32, #tpu.memory_space<vmem>>
    %dma_wait3A_1227 = tpu.memref_squeeze %dma_wait3A_1226 : memref<1x128x64xf32, #tpu.memory_space<vmem>> -> memref<128x64xf32, #tpu.memory_space<vmem>>
    %dma_wait3A_1228 = arith.constant 0 : i32
    %dma_wait3A_1229 = tpu.memref_slice %arg4[%add3A_1158, %dma_wait3A_1228] : memref<106496x64xf32, #tpu.memory_space<hbm>> -> memref<128x64xf32, #tpu.memory_space<hbm>>
    %dma_wait3A_1230 = arith.constant 0 : i32
    %dma_wait3A_1231 = tpu.memref_slice %arg4[%add3A_1158, %dma_wait3A_1230] : memref<106496x64xf32, #tpu.memory_space<hbm>> -> memref<128x64xf32, #tpu.memory_space<hbm>>
    %dma_wait3A_1232 = arith.constant 0 : i32
    %dma_wait3A_1233 = arith.constant 0 : i32
    %dma_wait3A_1234 = tpu.memref_slice %arg6[%dma_wait3A_1223, %dma_wait3A_1232, %dma_wait3A_1233] : memref<4x128x128xf32, #tpu.memory_space<vmem>> -> memref<1x128x64xf32, #tpu.memory_space<vmem>>
    %dma_wait3A_1235 = tpu.memref_squeeze %dma_wait3A_1234 : memref<1x128x64xf32, #tpu.memory_space<vmem>> -> memref<128x64xf32, #tpu.memory_space<vmem>>
    tpu.wait_dma2 semaphore(%arg8 : memref<!tpu.dma_semaphore, #tpu.memory_space<semaphore_mem>>) src(%dma_wait3A_1235 : memref<128x64xf32, #tpu.memory_space<vmem>>) dst(%dma_wait3A_1231 : memref<128x64xf32, #tpu.memory_space<hbm>>)
    %dma_wait3A_1236 = arith.constant 1 : i32
    %dma_wait3A_1237 = arith.constant 0 : i32
    %dma_wait3A_1238 = arith.constant 0 : i32
    %dma_wait3A_1239 = tpu.memref_slice %arg6[%dma_wait3A_1236, %dma_wait3A_1237, %dma_wait3A_1238] : memref<4x128x128xf32, #tpu.memory_space<vmem>> -> memref<1x128x64xf32, #tpu.memory_space<vmem>>
    %dma_wait3A_1240 = tpu.memref_squeeze %dma_wait3A_1239 : memref<1x128x64xf32, #tpu.memory_space<vmem>> -> memref<128x64xf32, #tpu.memory_space<vmem>>
    %dma_wait3A_1241 = arith.constant 0 : i32
    %dma_wait3A_1242 = tpu.memref_slice %arg4[%add3A_1183, %dma_wait3A_1241] : memref<106496x64xf32, #tpu.memory_space<hbm>> -> memref<128x64xf32, #tpu.memory_space<hbm>>
    %dma_wait3A_1243 = arith.constant 0 : i32
    %dma_wait3A_1244 = tpu.memref_slice %arg4[%add3A_1183, %dma_wait3A_1243] : memref<106496x64xf32, #tpu.memory_space<hbm>> -> memref<128x64xf32, #tpu.memory_space<hbm>>
    %dma_wait3A_1245 = arith.constant 0 : i32
    %dma_wait3A_1246 = arith.constant 0 : i32
    %dma_wait3A_1247 = tpu.memref_slice %arg6[%dma_wait3A_1236, %dma_wait3A_1245, %dma_wait3A_1246] : memref<4x128x128xf32, #tpu.memory_space<vmem>> -> memref<1x128x64xf32, #tpu.memory_space<vmem>>
    %dma_wait3A_1248 = tpu.memref_squeeze %dma_wait3A_1247 : memref<1x128x64xf32, #tpu.memory_space<vmem>> -> memref<128x64xf32, #tpu.memory_space<vmem>>
    tpu.wait_dma2 semaphore(%arg8 : memref<!tpu.dma_semaphore, #tpu.memory_space<semaphore_mem>>) src(%dma_wait3A_1248 : memref<128x64xf32, #tpu.memory_space<vmem>>) dst(%dma_wait3A_1244 : memref<128x64xf32, #tpu.memory_space<hbm>>)
    return
  }
}

</mosaic_0001>

<sc_bundles>
// kernel: kernel.3.cloned.1.call-start
scs
__scs_entry_jumppad:
0x0: {  	(pc) =	sbr.rel $0x88, $3  }
0x1: {  	(tag) =	ssettag $0x0;
	lr =	simm.s32 $0x1  }
0x2: {  	[smem:$0x3F9F] =	sst lr;
	_ =	strace $0xD0000000  }
0x3: {  	_ = 	snop  }
0x4: {  	_ = 	snop  }
0x5: {  	_ = 	snop  }
0x6: {  	_ = 	snop  }
0x7: {  	_ = 	snop  }
__scs_overlays_trampoline_lowered:
0x8: {  	[smem:$0x3FAE] =	sst s0  }
0x9: {  	[smem:$0x3FAF] =	sst s1  }
0xa: {  	[smem:$0x3FB0] =	sst s2  }
0xb: {  	[smem:$0x3FB1] =	sst s3  }
0xc: {  	[smem:$0x3FB2] =	sst s4  }
0xd: {  	[smem:$0x3FB3] =	sst s5  }
0xe: {  	[smem:$0x3FB4] =	sst s6  }
0xf: {  	[smem:$0x3FB5] =	sst s7  }
0x10: {  	[smem:$0x3FB6] =	sst s8  }
0x11: {  	[smem:$0x3FB7] =	sst s9;
	s0 =	simm.s32 @!p0 $0x0  }
0x12: {  	s1 =	sld [smem:$0x3F9D];
	s0 =	simm.s32 @p0 $0x1  }
0x13: {  	[smem:$0x3FB8] =	sst s0;
	s0 =	simm.s32 @!p1 $0x0  }
0x14: {  	s2 =	sld [smem:$0x3F9C];
	s0 =	simm.s32 @p1 $0x1  }
0x15: {  	[smem:$0x3FB9] =	sst s0;
	s0 =	simm.s32 @!p2 $0x0  }
0x16: {  	s3 =	sld [smem:$0x3FDB];
	s0 =	simm.s32 @p2 $0x1  }
0x17: {  	s4 =	simm.s32 $0x1BF5;
	[smem:$0x3FBB] =	sst s0  }
0x18: {  	s0 =	sld [smem:$0x3F9E];
	_ =	swait.ge [sflag:s4], $0x0  }
0x19: {  	s7 =	sld [smem:$0x3F9F]  }
0x1a: {  	s8 =	sadd.s32 $0xFFFFE003, lr  }
0x1b: {  	s9 =	sadd.s32 $0xFFFFFEF7, lr;
	s5 =	simm.s32 $0xFFFFFFFF;
	p2 =	slt.u32 s8, $0xFFFFF086  }
0x1c: {  	p1 =	slt.u32 s9, $0xF7A;
	s5 =	simm.s32 @!p2 $0x0  }
0x1d: {  	s5 =	simm.s32 @p1 $0x1;
	p0 =	seq.s32 s7, s2  }
0x1e: {  	s7 =	smul.u32 @!p0 $0xF7A, s2;
	p2 =	seq.s32 @!p0 s5, $0x0  }
0x1f: {  	s9 =	smul.u32 $0xF7A, s1;
	s8 =	simm.s32 @!p0 $0x1BF5;
	p2 =	por !p2, p0  }
0x20: {  	[sflag:s8] =	ssyncset.s32 @!p0 $0xFFFFF086;
	s6 =	sadd.s32 @!p0 s3, s7;
	s7 =	simm.s32 @!p0 $0x108  }
0x21: {  	s3 =	sadd.s32 s3, s9;
	s6 =	sadd.s32 @!p0 $0x88, s6;
	s7 =	simm.s32 @p2 $0x1082  }
0x22: {  	[simem:s7], [sflag:s8] =	dma.local @!p0 [hbm:s6], $0xF7A  }
0x23: {  	s9 =	sor.u32 $0xD0000000, s2;
	s6 =	simm.s32 $0x108;
	_ =	swait.ge @!p0 [sflag:s8], $0x0  }
0x24: {  	s3 =	sadd.s32 $0x88, s3;
	s6 =	simm.s32 @!p1 $0x1082;
	[sflag:s4] =	ssyncset.s32 $0xFFFFF086  }
0x25: {  	[simem:s6], [sflag:s4] =	dma.local [hbm:s3], $0xF7A  }
0x26: {  	[smem:$0x3F9F] =	sst s1;
	(tag) =	ssettag s2;
	_ =	strace s9  }
0x27: {  	s1 =	sld [smem:$0x3FAF]  }
0x28: {  	s2 =	sld [smem:$0x3FB0]  }
0x29: {  	s4 =	sld [smem:$0x3FB2]  }
0x2a: {  	p0 =	seq.s32 s5, $0x0;
	s5 =	sld [smem:$0x3FB3]  }
0x2b: {  	s6 =	sld [smem:$0x3FB4]  }
0x2c: {  	s7 =	sld [smem:$0x3FB5]  }
0x2d: {  	s3 =	simm.s32 $0x108;
	s8 =	sld [smem:$0x3FB6]  }
0x2e: {  	s3 =	simm.s32 @!p0 $0x1082;
	s9 =	sld [smem:$0x3FB7]  }
0x2f: {  	lr =	sadd.s32 s0, s3;
	s0 =	sld [smem:$0x3FAE]  }
0x30: {  	s3 =	sld [smem:$0x3FB1]  }
0x31: {  	[smem:$0x3FBA] =	sst s10  }
0x32: {  	s10 =	sld [smem:$0x3FB8];
	_ =	sdelay $0x3  }
0x33: {  	p0 =	seq.s32 s10, $0x1;
	s10 =	sld [smem:$0x3FBA];
	_ =	sdelay $0x3  }
0x34: {  	[smem:$0x3FBA] =	sst s10  }
0x35: {  	s10 =	sld [smem:$0x3FB9];
	_ =	sdelay $0x3  }
0x36: {  	p1 =	seq.s32 s10, $0x1;
	s10 =	sld [smem:$0x3FBA];
	_ =	sdelay $0x3  }
0x37: {  	[smem:$0x3FBA] =	sst s10  }
0x38: {  	s10 =	sld [smem:$0x3FBB]  }
0x39: {  	_ = 	snop;
	(pc) =	sbr.ind lr, $3  }
0x3a: {  	_ = 	snop  }
0x3b: {  	_ = 	snop  }
0x3c: {  	p2 =	seq.s32 s10, $0x1;
	s10 =	sld [smem:$0x3FBA]  }
0x3d: {  	_ =	shalt  }
0x3e: {  	_ =	shalt  }
0x3f: {  	_ =	shalt  }
0x40: {  	_ =	shalt  }
0x41: {  	_ =	shalt  }
0x42: {  	_ =	shalt  }
0x43: {  	_ =	shalt  }
0x44: {  	_ =	shalt  }
0x45: {  	_ =	shalt  }
0x46: {  	_ =	shalt  }
0x47: {  	_ =	shalt  }
0x48: {  	_ =	shalt  }
0x49: {  	_ =	shalt  }
0x4a: {  	_ =	shalt  }
0x4b: {  	_ =	shalt  }
0x4c: {  	_ =	shalt  }
0x4d: {  	_ =	shalt  }
0x4e: {  	_ =	shalt  }
0x4f: {  	_ =	shalt  }
0x50: {  	_ =	shalt  }
0x51: {  	_ =	shalt  }
0x52: {  	_ =	shalt  }
0x53: {  	_ =	shalt  }
0x54: {  	_ =	shalt  }
0x55: {  	_ =	shalt  }
0x56: {  	_ =	shalt  }
0x57: {  	_ =	shalt  }
0x58: {  	_ =	shalt  }
0x59: {  	_ =	shalt  }
0x5a: {  	_ =	shalt  }
0x5b: {  	_ =	shalt  }
0x5c: {  	_ =	shalt  }
0x5d: {  	_ =	shalt  }
0x5e: {  	_ =	shalt  }
0x5f: {  	_ =	shalt  }
0x60: {  	_ =	shalt  }
0x61: {  	_ =	shalt  }
0x62: {  	_ =	shalt  }
0x63: {  	_ =	shalt  }
0x64: {  	_ =	shalt  }
0x65: {  	_ =	shalt  }
0x66: {  	_ =	shalt  }
0x67: {  	_ =	shalt  }
0x68: {  	_ =	shalt  }
0x69: {  	_ =	shalt  }
0x6a: {  	_ =	shalt  }
0x6b: {  	_ =	shalt  }
0x6c: {  	_ =	shalt  }
0x6d: {  	_ =	shalt  }
0x6e: {  	_ =	shalt  }
0x6f: {  	_ =	shalt  }
0x70: {  	_ =	shalt  }
0x71: {  	_ =	shalt  }
0x72: {  	_ =	shalt  }
0x73: {  	_ =	shalt  }
0x74: {  	_ =	shalt  }
0x75: {  	_ =	shalt  }
0x76: {  	_ =	shalt  }
0x77: {  	_ =	shalt  }
0x78: {  	_ =	shalt  }
0x79: {  	_ =	shalt  }
0x7a: {  	_ =	shalt  }
0x7b: {  	_ =	shalt  }
0x7c: {  	_ =	shalt  }
0x7d: {  	_ =	shalt  }
0x7e: {  	_ =	shalt  }
0x7f: {  	_ =	shalt  }
0x80: {  	_ =	shalt  }
0x81: {  	_ =	shalt  }
0x82: {  	_ =	shalt  }
0x83: {  	_ =	shalt  }
0x84: {  	_ =	shalt  }
0x85: {  	_ =	shalt  }
0x86: {  	_ =	shalt  }
0x87: {  	_ =	shalt  }
.Lfunc_end0:
.L_simem_size_0:
called_computation_lowered:
.L_overlay_start_0:
0x88: {  	s2 =	sld [smem:$0x3FD9]  }
0x89: {  	s3 =	sld [smem:$0x3FFE];
	_ =	sdelay $0x1  }
0x8a: {  	s1 =	srdreg.scid  }
0x8b: {  	s0 =	sand.u32 $0x1, s1  }
0x8c: {  	s17 =	sshll.u32 s0, $0xA;
	s2 =	sadd.s32 s3, s2  }
0x8d: {  	s2 =	sadd.s32 s2, s17  }
0x8e: {  	[smem:$0x3FC6] =	sst s2  }
0x8f: {  	_ = 	snop  }
0x90: {  	s2 =	sld [smem:$0x3FD0];
	(tm) =	ssettm $0x1  }
0x91: {  	s18 =	sld [smem:$0x3FFB];
	_ =	sdelay $0x3  }
0x92: {  	_ =	strace s18  }
0x93: {  	s3 =	sld [smem:$0x3FFC];
	_ =	sdelay $0x3  }
0x94: {  	_ =	strace s3  }
0x95: {  	s3 =	sld [smem:$0x3FFD];
	_ =	sdelay $0x3  }
0x96: {  	_ =	strace s3  }
0x97: {  	_ =	strace $0x8FFFFFFF  }
0x98: {  	s19 =	sld [smem:$0x3FDB];
	_ =	sdelay $0x1  }
0x99: {  	s4 =	simm.s32 $_scs_section_size  }
0x9a: {  	s5 =	simm.s32 $_size__tile_overlayer_lowered;
	s6 =	simm.s32 $_tile_overlayer_lowered  }
0x9b: {  	s22 =	simm.s32 $0x1BFF;
	s21 =	sshll.u32 s6, $0x1;
	s3 =	sadd.s32 s4, s19  }
0x9c: {  	s7 =	simm.s32 $0x0;
	s20 =	sshll.u32 s5, $0x1;
	s5 =	sadd.s32 s21, s3  }
0x9d: {  	[timem:s7], [sflag:s22] =	dma.local [hbm:s5], s20  }
0x9e: {  	_ =	swait.ge [sflag:s22], s20  }
0x9f: {  	s4 =	ssub.s32 $0x0, s20;
	[sflag:s22] =	ssyncset.done $0x0  }
0xa0: {  	[sflag:s22] =	ssyncadd.s32 s4;
	_ =	sdelay $0x1  }
0xa1: {  	s23 =	simm.s32 $0x1B8B  }
0xa2: {  	_ =	swait.ge [sflag:s23], $0x1  }
0xa3: {  	[sflag:s23] =	ssyncset.done $0x0  }
0xa4: {  	s25 =	simm.s32 $0x1B8E;
	s24 =	sld [smem:$0x3FFE];
	[sflag:s23] =	ssyncadd.s32 $0xFFFFFFFF  }
0xa5: {  	s26 =	simm.s32 $execute0_lowered;
	[smem:$0x3FD2] =	sst s25  }
0xa6: {  	s5 =	sshll.u32 s26, $0x1;
	_ =	strace $0x80000046;
	[dreg:$0x1] =	wrdreg $0xFFFFFFFF  }
0xa7: {  	s28 =	simm.s32 $_size_execute0_lowered;
	s3 =	sadd.s32 s3, s5;
	[dreg:$0x0] =	wrdreg $0x0  }
0xa8: {  	s5 =	sshll.u32 s28, $0x1;
	[dreg:$0x2] =	wrdreg s3  }
0xa9: {  	[dreg:$0x3] =	wrdreg s5  }
0xaa: {  	[dreg:$0x4] =	wrdreg $0xC0  }
0xab: {  	_ =	task [dreg:s7], $0x5FFFF  }
0xac: {  	[dreg:$0x1] =	wrdreg $0xFFFFFFFF  }
0xad: {  	[dreg:$0x0] =	wrdreg $0x60  }
0xae: {  	[dreg:$0x2] =	wrdreg s24  }
0xaf: {  	[dreg:$0x3] =	wrdreg s2  }
0xb0: {  	[dreg:$0x4] =	wrdreg $0x9  }
0xb1: {  	_ =	task.clear_ibuf [dreg:s7], $0x5FFFF;
	_ =	strace $0x90000046  }
0xb2: {  	s29 =	simm.s32 $0x9;
	_ =	strace $0x80000048  }
0xb3: {  	_ =	swait.ge [sflag:s29], $0x1  }
0xb4: {  	[sflag:s29] =	ssyncadd.s32 $0xFFFFFFFF  }
0xb5: {  	_ =	strace $0x90000048  }
0xb6: {  	_ =	sfence  }
0xb7: {  	s30 =	sld [smem:$0x0];
	_ =	sdelay $0x2  }
0xb8: {  	s31 =	sshll.u32 s1, $0xD;
	s1 =	sshrl.u32 s1, $0x2  }
0xb9: {  	s3 =	sand.u32 $0x4000, s31;
	s1 =	sadd.s32 s1, s30  }
0xba: {  	s0 =	sor.u32 s3, s0;
	s1 =	sshll.u32 s1, $0x11  }
0xbb: {  	s0 =	sor.u32 s1, s0  }
0xbc: {  	s0 =	sadd.s32 $0x8F2B, s0  }
0xbd: {  	[sflag:s0] =	ssyncadd.remote.s32 $0x1  }
0xbe: {  	_ =	sfence.sel $0xFFFF  }
0xbf: {  	[dreg:$0x0] =	wrdreg $0xFFFFFFFF;
	(pc) =	sbr.abs _section_cstart, $3  }
0xc0: {  	[dreg:$0x1] =	wrdreg $0xFFFFFFFF  }
0xc1: {  	_ =	task.clear_ibuf [dreg:s7], $0x2FFFF;
	_ =	strace $0x9FFFFFFF  }
0xc2: {  	(tm) =	ssettm $0x7FFFFFFF  }
0xc3: {  	_ =	shalt  }
tec
execute0_lowered:
.L_overlay_start_1:
0x0: {  	(tag) =	ssettag $0x1  }
0x1: {  	s1 =	srdreg.scid;
	s2 =	stileid.u32  }
0x2: {  	s0 =	rddreg [dreg:$0x0];
	s1 =	sand.u32 $0x1, s1;
	s4 =	sshll.u32 s2, $0x1  }
0x3: {  	s3 =	rddreg [dreg:$0x1];
	s2 =	simm.s32 $0x0;
	s4 =	sor.u32 s1, s4  }
0x4: {  	[smem:$0x7FF] =	sst s2;
	s5 =	smul.u32 $0x1A0, s4  }
0x5: {  	s25 =	ssub.s32 $0x2, s1;
	_ =	strace $0x80000047;
	s6 =	smul.u32 $0x34000, s4  }
0x6: {  	s1 =	sshrl.u32 s25, $0x1;
	s5 =	sadd.s32 s5, s0;
	s0 =	sadd.s32 $0xFE2400, s0  }
0x7: {  	s4 =	smul.u32 $0x6800, s4;
	s6 =	sshrl.u32 s6, $0x3;
	[dreg:$0x3] =	wrdreg s0  }
0x8: {  	s0 =	ssub.s32 s25, s1;
	s26 =	sadd.s32 $0xFDF000, s5;
	s31 =	sadd.s32 s3, s6  }
0x9: {  	s5 =	sadd.s32 s3, s4;
	s4 =	simm.s32 $0x0;
	[dreg:$0x4] =	wrdreg s26  }
0xa: {  	s6 =	sadd.s32 $0x800, s31;
	s7 =	sadd.s32 $0xC00, s31;
	s8 =	sadd.s32 $0x1000, s31  }
0xb: {  	s9 =	sadd.s32 $0x1400, s31;
	s10 =	sadd.s32 $0x1800, s31;
	s11 =	sadd.s32 $0x1C00, s31  }
0xc: {  	s12 =	sadd.s32 $0x2000, s31;
	s13 =	sadd.s32 $0x2400, s31;
	s14 =	sadd.s32 $0x2800, s31  }
0xd: {  	s15 =	sadd.s32 $0x2C00, s31;
	s16 =	sadd.s32 $0x3000, s31;
	s17 =	sadd.s32 $0x3400, s31  }
0xe: {  	s18 =	sadd.s32 $0x3800, s31;
	s19 =	sadd.s32 $0x3C00, s31;
	s20 =	sadd.s32 $0x4000, s31  }
0xf: {  	s21 =	sadd.s32 $0x4400, s31;
	s22 =	sadd.s32 $0x4800, s31;
	s23 =	sadd.s32 $0x4C00, s31  }
0x10: {  	s24 =	sadd.s32 $0x5000, s31;
	s25 =	sadd.s32 $0x5400, s31;
	s26 =	sadd.s32 $0x5800, s31  }
0x11: {  	s28 =	sadd.s32 $0x5C00, s31;
	s29 =	sadd.s32 $0x6000, s31;
	s0 =	smax.u32 s0, $0x1  }
0x12: {  	s30 =	sadd.s32 $0x6400, s31;
	s1 =	sadd.s32 $0x400, s5;
	[dreg:$0x5] =	wrdreg s0  }
.LBB2_1:
0x13: {  	[dreg:$0x6] =	wrdreg s4  }
0x14: {  	s0 =	rddreg [dreg:$0x4];
	s3 =	simm.s32 $0x3  }
0x15: {  	[tilespmem:s2], [sflag:$0x3] =	stream.linear.gather [hbm4b:s0+s2], $0xD00, $0x38;
	[tilespmem:$0x10D00] =	vst v63  }
0x16: {  	_ =	swait.ge [sflag:s3], $0xD00  }
0x17: {  	s4 =	simm.s32 $0xD00;
	[sflag:s3] =	ssyncset.done $0x0  }
0x18: {  	s0 =	rddreg [dreg:$0x3];
	[sflag:s3] =	ssyncadd.s32 $0xFFFFF300;
	s3 =	simm.s32 $0x80  }
0x19: {  	[tilespmem:s4], [sflag:$0x1] =	stream.indirect.gather [hbm4b:s0+s3], $0x80, s2, s3, $0xb8;
	[tilespmem:$0x10D00] =	vst v63  }
0x1a: {  	s4 =	simm.s32 $0x4D00  }
0x1b: {  	[tilespmem:s4], [sflag:$0x1] =	stream.indirect.gather [hbm4b:s0+s3], $0x80, s3, s3, $0xb8;
	[tilespmem:$0x10D00] =	vst v63  }
0x1c: {  	s31 =	simm.s32 $0x8D00;
	s4 =	simm.s32 $0x100  }
0x1d: {  	[tilespmem:s31], [sflag:$0x1] =	stream.indirect.gather [hbm4b:s0+s3], $0x80, s4, s3, $0xb8;
	[tilespmem:$0x10D00] =	vst v63  }
0x1e: {  	s4 =	simm.s32 $0x1  }
0x1f: {  	_ =	swait.ge [sflag:s4], $0x4000  }
0x20: {  	s31 =	sadd.s32 $0x0, s5;
	s3 =	simm.s32 $0xD80;
	[sflag:s4] =	ssyncset.done $0x0  }
0x21: {  	s0 =	simm.s32 $0xD00;
	[sflag:s4] =	ssyncadd.s32 $0xFFFFC000;
	s4 =	simm.s32 $0x8  }
.LBB2_2:
0x22: {  	[hbm4b:s31+s2] =	stream.linear.scatter [tilespmem:s0], [sflag:$0x2], $0x40, $0x38;
	[tilespmem:$0x10D00] =	vst v63  }
0x23: {  	s31 =	smov.u32 s4;
	s0 =	smov.u32 s3;
	p0 =	sne.s32 s4, $0x3F8  }
.Ltmp0:
0x24: {  	s4 =	sadd.s32 $0x8, s4;
	(pc) =	sbr.rel @p0 .LBB2_2-.Ltmp0, $2  }
0x25: {  	_ =	sdelay $0x2  }
0x26: {  	s3 =	sadd.s32 $0x80, s3;
	s31 =	sadd.s32 s31, s5  }
0x27: {  	[hbm4b:s31+s2] =	stream.linear.scatter [tilespmem:s0], [sflag:$0x2], $0x40, $0x38;
	[tilespmem:$0x10D00] =	vst v63  }
0x28: {  	s0 =	rddreg [dreg:$0x3]  }
0x29: {  	s3 =	simm.s32 $0x80;
	s4 =	simm.s32 $0x180;
	s31 =	simm.s32 $0xCD00  }
0x2a: {  	[tilespmem:s31], [sflag:$0x1] =	stream.indirect.gather [hbm4b:s0+s3], $0x80, s4, s3, $0xb8;
	[tilespmem:$0x10D00] =	vst v63  }
0x2b: {  	s4 =	simm.s32 $0x1  }
0x2c: {  	_ =	swait.ge [sflag:s4], $0x4000  }
0x2d: {  	s3 =	simm.s32 $0x8;
	s31 =	sadd.s32 $0x0, s1;
	[sflag:s4] =	ssyncset.done $0x0  }
0x2e: {  	s0 =	simm.s32 $0x4D80;
	[sflag:s4] =	ssyncadd.s32 $0xFFFFC000;
	s4 =	simm.s32 $0x4D00  }
.LBB2_4:
0x2f: {  	[hbm4b:s31+s2] =	stream.linear.scatter [tilespmem:s4], [sflag:$0x2], $0x40, $0x38;
	[tilespmem:$0x10D00] =	vst v63  }
0x30: {  	s31 =	smov.u32 s3;
	s4 =	smov.u32 s0;
	p0 =	sne.s32 s3, $0x3F8  }
.Ltmp1:
0x31: {  	s3 =	sadd.s32 $0x8, s3;
	(pc) =	sbr.rel @p0 .LBB2_4-.Ltmp1, $2  }
0x32: {  	_ =	sdelay $0x2  }
0x33: {  	s0 =	sadd.s32 $0x80, s0;
	s31 =	sadd.s32 s31, s1  }
0x34: {  	[hbm4b:s31+s2] =	stream.linear.scatter [tilespmem:s4], [sflag:$0x2], $0x40, $0x38;
	[tilespmem:$0x10D00] =	vst v63  }
0x35: {  	s0 =	simm.s32 $0x2  }
0x36: {  	_ =	swait.ge [sflag:s0], $0x2000  }
0x37: {  	s3 =	simm.s32 $0x80;
	s4 =	simm.s32 $0x200;
	[sflag:s0] =	ssyncset.done $0x0  }
0x38: {  	s31 =	simm.s32 $0xD00;
	[sflag:s0] =	ssyncadd.s32 $0xFFFFE000;
	s0 =	rddreg [dreg:$0x3]  }
0x39: {  	[tilespmem:s31], [sflag:$0x1] =	stream.indirect.gather [hbm4b:s0+s3], $0x80, s4, s3, $0xb8;
	[tilespmem:$0x10D00] =	vst v63  }
0x3a: {  	s4 =	simm.s32 $0x1  }
0x3b: {  	_ =	swait.ge [sflag:s4], $0x4000  }
0x3c: {  	s3 =	simm.s32 $0x8;
	s31 =	sadd.s32 $0x0, s6;
	[sflag:s4] =	ssyncset.done $0x0  }
0x3d: {  	s0 =	simm.s32 $0x8D80;
	[sflag:s4] =	ssyncadd.s32 $0xFFFFC000;
	s4 =	simm.s32 $0x8D00  }
.LBB2_6:
0x3e: {  	[hbm4b:s31+s2] =	stream.linear.scatter [tilespmem:s4], [sflag:$0x2], $0x40, $0x38;
	[tilespmem:$0x10D00] =	vst v63  }
0x3f: {  	s31 =	smov.u32 s3;
	s4 =	smov.u32 s0;
	p0 =	sne.s32 s3, $0x3F8  }
.Ltmp2:
0x40: {  	s3 =	sadd.s32 $0x8, s3;
	(pc) =	sbr.rel @p0 .LBB2_6-.Ltmp2, $2  }
0x41: {  	_ =	sdelay $0x2  }
0x42: {  	s0 =	sadd.s32 $0x80, s0;
	s31 =	sadd.s32 s31, s6  }
0x43: {  	[hbm4b:s31+s2] =	stream.linear.scatter [tilespmem:s4], [sflag:$0x2], $0x40, $0x38;
	[tilespmem:$0x10D00] =	vst v63  }
0x44: {  	s0 =	simm.s32 $0x2  }
0x45: {  	_ =	swait.ge [sflag:s0], $0x2000  }
0x46: {  	s3 =	simm.s32 $0x80;
	s4 =	simm.s32 $0x4D00;
	[sflag:s0] =	ssyncset.done $0x0  }
0x47: {  	s31 =	simm.s32 $0x280;
	[sflag:s0] =	ssyncadd.s32 $0xFFFFE000;
	s0 =	rddreg [dreg:$0x3]  }
0x48: {  	[tilespmem:s4], [sflag:$0x1] =	stream.indirect.gather [hbm4b:s0+s3], $0x80, s31, s3, $0xb8;
	[tilespmem:$0x10D00] =	vst v63  }
0x49: {  	s4 =	simm.s32 $0x1  }
0x4a: {  	_ =	swait.ge [sflag:s4], $0x4000  }
0x4b: {  	s3 =	simm.s32 $0x8;
	s31 =	sadd.s32 $0x0, s7;
	[sflag:s4] =	ssyncset.done $0x0  }
0x4c: {  	s0 =	simm.s32 $0xCD80;
	[sflag:s4] =	ssyncadd.s32 $0xFFFFC000;
	s4 =	simm.s32 $0xCD00  }
.LBB2_8:
0x4d: {  	[hbm4b:s31+s2] =	stream.linear.scatter [tilespmem:s4], [sflag:$0x2], $0x40, $0x38;
	[tilespmem:$0x10D00] =	vst v63  }
0x4e: {  	s31 =	smov.u32 s3;
	s4 =	smov.u32 s0;
	p0 =	sne.s32 s3, $0x3F8  }
.Ltmp3:
0x4f: {  	s3 =	sadd.s32 $0x8, s3;
	(pc) =	sbr.rel @p0 .LBB2_8-.Ltmp3, $2  }
0x50: {  	_ =	sdelay $0x2  }
0x51: {  	s0 =	sadd.s32 $0x80, s0;
	s31 =	sadd.s32 s31, s7  }
0x52: {  	[hbm4b:s31+s2] =	stream.linear.scatter [tilespmem:s4], [sflag:$0x2], $0x40, $0x38;
	[tilespmem:$0x10D00] =	vst v63  }
0x53: {  	s0 =	simm.s32 $0x2  }
0x54: {  	_ =	swait.ge [sflag:s0], $0x2000  }
0x55: {  	s3 =	simm.s32 $0x80;
	s4 =	simm.s32 $0x8D00;
	[sflag:s0] =	ssyncset.done $0x0  }
0x56: {  	s31 =	simm.s32 $0x300;
	[sflag:s0] =	ssyncadd.s32 $0xFFFFE000;
	s0 =	rddreg [dreg:$0x3]  }
0x57: {  	[tilespmem:s4], [sflag:$0x1] =	stream.indirect.gather [hbm4b:s0+s3], $0x80, s31, s3, $0xb8;
	[tilespmem:$0x10D00] =	vst v63  }
0x58: {  	s4 =	simm.s32 $0x1  }
0x59: {  	_ =	swait.ge [sflag:s4], $0x4000  }
0x5a: {  	s3 =	simm.s32 $0x8;
	s31 =	sadd.s32 $0x0, s8;
	[sflag:s4] =	ssyncset.done $0x0  }
0x5b: {  	s0 =	simm.s32 $0xD80;
	[sflag:s4] =	ssyncadd.s32 $0xFFFFC000;
	s4 =	simm.s32 $0xD00  }
.LBB2_10:
0x5c: {  	[hbm4b:s31+s2] =	stream.linear.scatter [tilespmem:s4], [sflag:$0x2], $0x40, $0x38;
	[tilespmem:$0x10D00] =	vst v63  }
0x5d: {  	s31 =	smov.u32 s3;
	s4 =	smov.u32 s0;
	p0 =	sne.s32 s3, $0x3F8  }
.Ltmp4:
0x5e: {  	s3 =	sadd.s32 $0x8, s3;
	(pc) =	sbr.rel @p0 .LBB2_10-.Ltmp4, $2  }
0x5f: {  	_ =	sdelay $0x2  }
0x60: {  	s0 =	sadd.s32 $0x80, s0;
	s31 =	sadd.s32 s31, s8  }
0x61: {  	[hbm4b:s31+s2] =	stream.linear.scatter [tilespmem:s4], [sflag:$0x2], $0x40, $0x38;
	[tilespmem:$0x10D00] =	vst v63  }
0x62: {  	s0 =	simm.s32 $0x2  }
0x63: {  	_ =	swait.ge [sflag:s0], $0x2000  }
0x64: {  	s3 =	simm.s32 $0x80;
	s4 =	simm.s32 $0xCD00;
	[sflag:s0] =	ssyncset.done $0x0  }
0x65: {  	s31 =	simm.s32 $0x380;
	[sflag:s0] =	ssyncadd.s32 $0xFFFFE000;
	s0 =	rddreg [dreg:$0x3]  }
0x66: {  	[tilespmem:s4], [sflag:$0x1] =	stream.indirect.gather [hbm4b:s0+s3], $0x80, s31, s3, $0xb8;
	[tilespmem:$0x10D00] =	vst v63  }
0x67: {  	s4 =	simm.s32 $0x1  }
0x68: {  	_ =	swait.ge [sflag:s4], $0x4000  }
0x69: {  	s3 =	simm.s32 $0x8;
	s31 =	sadd.s32 $0x0, s9;
	[sflag:s4] =	ssyncset.done $0x0  }
0x6a: {  	s0 =	simm.s32 $0x4D80;
	[sflag:s4] =	ssyncadd.s32 $0xFFFFC000;
	s4 =	simm.s32 $0x4D00  }
.LBB2_12:
0x6b: {  	[hbm4b:s31+s2] =	stream.linear.scatter [tilespmem:s4], [sflag:$0x2], $0x40, $0x38;
	[tilespmem:$0x10D00] =	vst v63  }
0x6c: {  	s31 =	smov.u32 s3;
	s4 =	smov.u32 s0;
	p0 =	sne.s32 s3, $0x3F8  }
.Ltmp5:
0x6d: {  	s3 =	sadd.s32 $0x8, s3;
	(pc) =	sbr.rel @p0 .LBB2_12-.Ltmp5, $2  }
0x6e: {  	_ =	sdelay $0x2  }
0x6f: {  	s0 =	sadd.s32 $0x80, s0;
	s31 =	sadd.s32 s31, s9  }
0x70: {  	[hbm4b:s31+s2] =	stream.linear.scatter [tilespmem:s4], [sflag:$0x2], $0x40, $0x38;
	[tilespmem:$0x10D00] =	vst v63  }
0x71: {  	s0 =	simm.s32 $0x2  }
0x72: {  	_ =	swait.ge [sflag:s0], $0x2000  }
0x73: {  	s3 =	simm.s32 $0x80;
	s4 =	simm.s32 $0xD00;
	[sflag:s0] =	ssyncset.done $0x0  }
0x74: {  	s31 =	simm.s32 $0x400;
	[sflag:s0] =	ssyncadd.s32 $0xFFFFE000;
	s0 =	rddreg [dreg:$0x3]  }
0x75: {  	[tilespmem:s4], [sflag:$0x1] =	stream.indirect.gather [hbm4b:s0+s3], $0x80, s31, s3, $0xb8;
	[tilespmem:$0x10D00] =	vst v63  }
0x76: {  	s4 =	simm.s32 $0x1  }
0x77: {  	_ =	swait.ge [sflag:s4], $0x4000  }
0x78: {  	s3 =	simm.s32 $0x8;
	s31 =	sadd.s32 $0x0, s10;
	[sflag:s4] =	ssyncset.done $0x0  }
0x79: {  	s0 =	simm.s32 $0x8D80;
	[sflag:s4] =	ssyncadd.s32 $0xFFFFC000;
	s4 =	simm.s32 $0x8D00  }
.LBB2_14:
0x7a: {  	[hbm4b:s31+s2] =	stream.linear.scatter [tilespmem:s4], [sflag:$0x2], $0x40, $0x38;
	[tilespmem:$0x10D00] =	vst v63  }
0x7b: {  	s31 =	smov.u32 s3;
	s4 =	smov.u32 s0;
	p0 =	sne.s32 s3, $0x3F8  }
.Ltmp6:
0x7c: {  	s3 =	sadd.s32 $0x8, s3;
	(pc) =	sbr.rel @p0 .LBB2_14-.Ltmp6, $2  }
0x7d: {  	_ =	sdelay $0x2  }
0x7e: {  	s0 =	sadd.s32 $0x80, s0;
	s31 =	sadd.s32 s31, s10  }
0x7f: {  	[hbm4b:s31+s2] =	stream.linear.scatter [tilespmem:s4], [sflag:$0x2], $0x40, $0x38;
	[tilespmem:$0x10D00] =	vst v63  }
0x80: {  	s0 =	simm.s32 $0x2  }
0x81: {  	_ =	swait.ge [sflag:s0], $0x2000  }
0x82: {  	s3 =	simm.s32 $0x80;
	s4 =	simm.s32 $0x4D00;
	[sflag:s0] =	ssyncset.done $0x0  }
0x83: {  	s31 =	simm.s32 $0x480;
	[sflag:s0] =	ssyncadd.s32 $0xFFFFE000;
	s0 =	rddreg [dreg:$0x3]  }
0x84: {  	[tilespmem:s4], [sflag:$0x1] =	stream.indirect.gather [hbm4b:s0+s3], $0x80, s31, s3, $0xb8;
	[tilespmem:$0x10D00] =	vst v63  }
0x85: {  	s4 =	simm.s32 $0x1  }
0x86: {  	_ =	swait.ge [sflag:s4], $0x4000  }
0x87: {  	s3 =	simm.s32 $0x8;
	s31 =	sadd.s32 $0x0, s11;
	[sflag:s4] =	ssyncset.done $0x0  }
0x88: {  	s0 =	simm.s32 $0xCD80;
	[sflag:s4] =	ssyncadd.s32 $0xFFFFC000;
	s4 =	simm.s32 $0xCD00  }
.LBB2_16:
0x89: {  	[hbm4b:s31+s2] =	stream.linear.scatter [tilespmem:s4], [sflag:$0x2], $0x40, $0x38;
	[tilespmem:$0x10D00] =	vst v63  }
0x8a: {  	s31 =	smov.u32 s3;
	s4 =	smov.u32 s0;
	p0 =	sne.s32 s3, $0x3F8  }
.Ltmp7:
0x8b: {  	s3 =	sadd.s32 $0x8, s3;
	(pc) =	sbr.rel @p0 .LBB2_16-.Ltmp7, $2  }
0x8c: {  	_ =	sdelay $0x2  }
0x8d: {  	s0 =	sadd.s32 $0x80, s0;
	s31 =	sadd.s32 s31, s11  }
0x8e: {  	[hbm4b:s31+s2] =	stream.linear.scatter [tilespmem:s4], [sflag:$0x2], $0x40, $0x38;
	[tilespmem:$0x10D00] =	vst v63  }
0x8f: {  	s0 =	simm.s32 $0x2  }
0x90: {  	_ =	swait.ge [sflag:s0], $0x2000  }
0x91: {  	s3 =	simm.s32 $0x80;
	s4 =	simm.s32 $0x8D00;
	[sflag:s0] =	ssyncset.done $0x0  }
0x92: {  	s31 =	simm.s32 $0x500;
	[sflag:s0] =	ssyncadd.s32 $0xFFFFE000;
	s0 =	rddreg [dreg:$0x3]  }
0x93: {  	[tilespmem:s4], [sflag:$0x1] =	stream.indirect.gather [hbm4b:s0+s3], $0x80, s31, s3, $0xb8;
	[tilespmem:$0x10D00] =	vst v63  }
0x94: {  	s4 =	simm.s32 $0x1  }
0x95: {  	_ =	swait.ge [sflag:s4], $0x4000  }
0x96: {  	s3 =	simm.s32 $0x8;
	s31 =	sadd.s32 $0x0, s12;
	[sflag:s4] =	ssyncset.done $0x0  }
0x97: {  	s0 =	simm.s32 $0xD80;
	[sflag:s4] =	ssyncadd.s32 $0xFFFFC000;
	s4 =	simm.s32 $0xD00  }
.LBB2_18:
0x98: {  	[hbm4b:s31+s2] =	stream.linear.scatter [tilespmem:s4], [sflag:$0x2], $0x40, $0x38;
	[tilespmem:$0x10D00] =	vst v63  }
0x99: {  	s31 =	smov.u32 s3;
	s4 =	smov.u32 s0;
	p0 =	sne.s32 s3, $0x3F8  }
.Ltmp8:
0x9a: {  	s3 =	sadd.s32 $0x8, s3;
	(pc) =	sbr.rel @p0 .LBB2_18-.Ltmp8, $2  }
0x9b: {  	_ =	sdelay $0x2  }
0x9c: {  	s0 =	sadd.s32 $0x80, s0;
	s31 =	sadd.s32 s31, s12  }
0x9d: {  	[hbm4b:s31+s2] =	stream.linear.scatter [tilespmem:s4], [sflag:$0x2], $0x40, $0x38;
	[tilespmem:$0x10D00] =	vst v63  }
0x9e: {  	s0 =	simm.s32 $0x2  }
0x9f: {  	_ =	swait.ge [sflag:s0], $0x2000  }
0xa0: {  	s3 =	simm.s32 $0x80;
	s4 =	simm.s32 $0xCD00;
	[sflag:s0] =	ssyncset.done $0x0  }
0xa1: {  	s31 =	simm.s32 $0x580;
	[sflag:s0] =	ssyncadd.s32 $0xFFFFE000;
	s0 =	rddreg [dreg:$0x3]  }
0xa2: {  	[tilespmem:s4], [sflag:$0x1] =	stream.indirect.gather [hbm4b:s0+s3], $0x80, s31, s3, $0xb8;
	[tilespmem:$0x10D00] =	vst v63  }
0xa3: {  	s4 =	simm.s32 $0x1  }
0xa4: {  	_ =	swait.ge [sflag:s4], $0x4000  }
0xa5: {  	s3 =	simm.s32 $0x8;
	s31 =	sadd.s32 $0x0, s13;
	[sflag:s4] =	ssyncset.done $0x0  }
0xa6: {  	s0 =	simm.s32 $0x4D80;
	[sflag:s4] =	ssyncadd.s32 $0xFFFFC000;
	s4 =	simm.s32 $0x4D00  }
.LBB2_20:
0xa7: {  	[hbm4b:s31+s2] =	stream.linear.scatter [tilespmem:s4], [sflag:$0x2], $0x40, $0x38;
	[tilespmem:$0x10D00] =	vst v63  }
0xa8: {  	s31 =	smov.u32 s3;
	s4 =	smov.u32 s0;
	p0 =	sne.s32 s3, $0x3F8  }
.Ltmp9:
0xa9: {  	s3 =	sadd.s32 $0x8, s3;
	(pc) =	sbr.rel @p0 .LBB2_20-.Ltmp9, $2  }
0xaa: {  	_ =	sdelay $0x2  }
0xab: {  	s0 =	sadd.s32 $0x80, s0;
	s31 =	sadd.s32 s31, s13  }
0xac: {  	[hbm4b:s31+s2] =	stream.linear.scatter [tilespmem:s4], [sflag:$0x2], $0x40, $0x38;
	[tilespmem:$0x10D00] =	vst v63  }
0xad: {  	s0 =	simm.s32 $0x2  }
0xae: {  	_ =	swait.ge [sflag:s0], $0x2000  }
0xaf: {  	s3 =	simm.s32 $0x80;
	s4 =	simm.s32 $0xD00;
	[sflag:s0] =	ssyncset.done $0x0  }
0xb0: {  	s31 =	simm.s32 $0x600;
	[sflag:s0] =	ssyncadd.s32 $0xFFFFE000;
	s0 =	rddreg [dreg:$0x3]  }
0xb1: {  	[tilespmem:s4], [sflag:$0x1] =	stream.indirect.gather [hbm4b:s0+s3], $0x80, s31, s3, $0xb8;
	[tilespmem:$0x10D00] =	vst v63  }
0xb2: {  	s4 =	simm.s32 $0x1  }
0xb3: {  	_ =	swait.ge [sflag:s4], $0x4000  }
0xb4: {  	s3 =	simm.s32 $0x8;
	s31 =	sadd.s32 $0x0, s14;
	[sflag:s4] =	ssyncset.done $0x0  }
0xb5: {  	s0 =	simm.s32 $0x8D80;
	[sflag:s4] =	ssyncadd.s32 $0xFFFFC000;
	s4 =	simm.s32 $0x8D00  }
.LBB2_22:
0xb6: {  	[hbm4b:s31+s2] =	stream.linear.scatter [tilespmem:s4], [sflag:$0x2], $0x40, $0x38;
	[tilespmem:$0x10D00] =	vst v63  }
0xb7: {  	s31 =	smov.u32 s3;
	s4 =	smov.u32 s0;
	p0 =	sne.s32 s3, $0x3F8  }
.Ltmp10:
0xb8: {  	s3 =	sadd.s32 $0x8, s3;
	(pc) =	sbr.rel @p0 .LBB2_22-.Ltmp10, $2  }
0xb9: {  	_ =	sdelay $0x2  }
0xba: {  	s0 =	sadd.s32 $0x80, s0;
	s31 =	sadd.s32 s31, s14  }
0xbb: {  	[hbm4b:s31+s2] =	stream.linear.scatter [tilespmem:s4], [sflag:$0x2], $0x40, $0x38;
	[tilespmem:$0x10D00] =	vst v63  }
0xbc: {  	s0 =	simm.s32 $0x2  }
0xbd: {  	_ =	swait.ge [sflag:s0], $0x2000  }
0xbe: {  	s3 =	simm.s32 $0x80;
	s4 =	simm.s32 $0x4D00;
	[sflag:s0] =	ssyncset.done $0x0  }
0xbf: {  	s31 =	simm.s32 $0x680;
	[sflag:s0] =	ssyncadd.s32 $0xFFFFE000;
	s0 =	rddreg [dreg:$0x3]  }
0xc0: {  	[tilespmem:s4], [sflag:$0x1] =	stream.indirect.gather [hbm4b:s0+s3], $0x80, s31, s3, $0xb8;
	[tilespmem:$0x10D00] =	vst v63  }
0xc1: {  	s4 =	simm.s32 $0x1  }
0xc2: {  	_ =	swait.ge [sflag:s4], $0x4000  }
0xc3: {  	s3 =	simm.s32 $0x8;
	s31 =	sadd.s32 $0x0, s15;
	[sflag:s4] =	ssyncset.done $0x0  }
0xc4: {  	s0 =	simm.s32 $0xCD80;
	[sflag:s4] =	ssyncadd.s32 $0xFFFFC000;
	s4 =	simm.s32 $0xCD00  }
.LBB2_24:
0xc5: {  	[hbm4b:s31+s2] =	stream.linear.scatter [tilespmem:s4], [sflag:$0x2], $0x40, $0x38;
	[tilespmem:$0x10D00] =	vst v63  }
0xc6: {  	s31 =	smov.u32 s3;
	s4 =	smov.u32 s0;
	p0 =	sne.s32 s3, $0x3F8  }
.Ltmp11:
0xc7: {  	s3 =	sadd.s32 $0x8, s3;
	(pc) =	sbr.rel @p0 .LBB2_24-.Ltmp11, $2  }
0xc8: {  	_ =	sdelay $0x2  }
0xc9: {  	s0 =	sadd.s32 $0x80, s0;
	s31 =	sadd.s32 s31, s15  }
0xca: {  	[hbm4b:s31+s2] =	stream.linear.scatter [tilespmem:s4], [sflag:$0x2], $0x40, $0x38;
	[tilespmem:$0x10D00] =	vst v63  }
0xcb: {  	s0 =	simm.s32 $0x2  }
0xcc: {  	_ =	swait.ge [sflag:s0], $0x2000  }
0xcd: {  	s3 =	simm.s32 $0x80;
	s4 =	simm.s32 $0x8D00;
	[sflag:s0] =	ssyncset.done $0x0  }
0xce: {  	s31 =	simm.s32 $0x700;
	[sflag:s0] =	ssyncadd.s32 $0xFFFFE000;
	s0 =	rddreg [dreg:$0x3]  }
0xcf: {  	[tilespmem:s4], [sflag:$0x1] =	stream.indirect.gather [hbm4b:s0+s3], $0x80, s31, s3, $0xb8;
	[tilespmem:$0x10D00] =	vst v63  }
0xd0: {  	s4 =	simm.s32 $0x1  }
0xd1: {  	_ =	swait.ge [sflag:s4], $0x4000  }
0xd2: {  	s3 =	simm.s32 $0x8;
	s31 =	sadd.s32 $0x0, s16;
	[sflag:s4] =	ssyncset.done $0x0  }
0xd3: {  	s0 =	simm.s32 $0xD80;
	[sflag:s4] =	ssyncadd.s32 $0xFFFFC000;
	s4 =	simm.s32 $0xD00  }
.LBB2_26:
0xd4: {  	[hbm4b:s31+s2] =	stream.linear.scatter [tilespmem:s4], [sflag:$0x2], $0x40, $0x38;
	[tilespmem:$0x10D00] =	vst v63  }
0xd5: {  	s31 =	smov.u32 s3;
	s4 =	smov.u32 s0;
	p0 =	sne.s32 s3, $0x3F8  }
.Ltmp12:
0xd6: {  	s3 =	sadd.s32 $0x8, s3;
	(pc) =	sbr.rel @p0 .LBB2_26-.Ltmp12, $2  }
0xd7: {  	_ =	sdelay $0x2  }
0xd8: {  	s0 =	sadd.s32 $0x80, s0;
	s31 =	sadd.s32 s31, s16  }
0xd9: {  	[hbm4b:s31+s2] =	stream.linear.scatter [tilespmem:s4], [sflag:$0x2], $0x40, $0x38;
	[tilespmem:$0x10D00] =	vst v63  }
0xda: {  	s0 =	simm.s32 $0x2  }
0xdb: {  	_ =	swait.ge [sflag:s0], $0x2000  }
0xdc: {  	s3 =	simm.s32 $0x80;
	s4 =	simm.s32 $0xCD00;
	[sflag:s0] =	ssyncset.done $0x0  }
0xdd: {  	s31 =	simm.s32 $0x780;
	[sflag:s0] =	ssyncadd.s32 $0xFFFFE000;
	s0 =	rddreg [dreg:$0x3]  }
0xde: {  	[tilespmem:s4], [sflag:$0x1] =	stream.indirect.gather [hbm4b:s0+s3], $0x80, s31, s3, $0xb8;
	[tilespmem:$0x10D00] =	vst v63  }
0xdf: {  	s4 =	simm.s32 $0x1  }
0xe0: {  	_ =	swait.ge [sflag:s4], $0x4000  }
0xe1: {  	s3 =	simm.s32 $0x8;
	s31 =	sadd.s32 $0x0, s17;
	[sflag:s4] =	ssyncset.done $0x0  }
0xe2: {  	s0 =	simm.s32 $0x4D80;
	[sflag:s4] =	ssyncadd.s32 $0xFFFFC000;
	s4 =	simm.s32 $0x4D00  }
.LBB2_28:
0xe3: {  	[hbm4b:s31+s2] =	stream.linear.scatter [tilespmem:s4], [sflag:$0x2], $0x40, $0x38;
	[tilespmem:$0x10D00] =	vst v63  }
0xe4: {  	s31 =	smov.u32 s3;
	s4 =	smov.u32 s0;
	p0 =	sne.s32 s3, $0x3F8  }
.Ltmp13:
0xe5: {  	s3 =	sadd.s32 $0x8, s3;
	(pc) =	sbr.rel @p0 .LBB2_28-.Ltmp13, $2  }
0xe6: {  	_ =	sdelay $0x2  }
0xe7: {  	s0 =	sadd.s32 $0x80, s0;
	s31 =	sadd.s32 s31, s17  }
0xe8: {  	[hbm4b:s31+s2] =	stream.linear.scatter [tilespmem:s4], [sflag:$0x2], $0x40, $0x38;
	[tilespmem:$0x10D00] =	vst v63  }
0xe9: {  	s0 =	simm.s32 $0x2  }
0xea: {  	_ =	swait.ge [sflag:s0], $0x2000  }
0xeb: {  	s3 =	simm.s32 $0x80;
	s4 =	simm.s32 $0xD00;
	[sflag:s0] =	ssyncset.done $0x0  }
0xec: {  	s31 =	simm.s32 $0x800;
	[sflag:s0] =	ssyncadd.s32 $0xFFFFE000;
	s0 =	rddreg [dreg:$0x3]  }
0xed: {  	[tilespmem:s4], [sflag:$0x1] =	stream.indirect.gather [hbm4b:s0+s3], $0x80, s31, s3, $0xb8;
	[tilespmem:$0x10D00] =	vst v63  }
0xee: {  	s4 =	simm.s32 $0x1  }
0xef: {  	_ =	swait.ge [sflag:s4], $0x4000  }
0xf0: {  	s3 =	simm.s32 $0x8;
	s31 =	sadd.s32 $0x0, s18;
	[sflag:s4] =	ssyncset.done $0x0  }
0xf1: {  	s0 =	simm.s32 $0x8D80;
	[sflag:s4] =	ssyncadd.s32 $0xFFFFC000;
	s4 =	simm.s32 $0x8D00  }
.LBB2_30:
0xf2: {  	[hbm4b:s31+s2] =	stream.linear.scatter [tilespmem:s4], [sflag:$0x2], $0x40, $0x38;
	[tilespmem:$0x10D00] =	vst v63  }
0xf3: {  	s31 =	smov.u32 s3;
	s4 =	smov.u32 s0;
	p0 =	sne.s32 s3, $0x3F8  }
.Ltmp14:
0xf4: {  	s3 =	sadd.s32 $0x8, s3;
	(pc) =	sbr.rel @p0 .LBB2_30-.Ltmp14, $2  }
0xf5: {  	_ =	sdelay $0x2  }
0xf6: {  	s0 =	sadd.s32 $0x80, s0;
	s31 =	sadd.s32 s31, s18  }
0xf7: {  	[hbm4b:s31+s2] =	stream.linear.scatter [tilespmem:s4], [sflag:$0x2], $0x40, $0x38;
	[tilespmem:$0x10D00] =	vst v63  }
0xf8: {  	s0 =	simm.s32 $0x2  }
0xf9: {  	_ =	swait.ge [sflag:s0], $0x2000  }
0xfa: {  	s3 =	simm.s32 $0x80;
	s4 =	simm.s32 $0x4D00;
	[sflag:s0] =	ssyncset.done $0x0  }
0xfb: {  	s31 =	simm.s32 $0x880;
	[sflag:s0] =	ssyncadd.s32 $0xFFFFE000;
	s0 =	rddreg [dreg:$0x3]  }
0xfc: {  	[tilespmem:s4], [sflag:$0x1] =	stream.indirect.gather [hbm4b:s0+s3], $0x80, s31, s3, $0xb8;
	[tilespmem:$0x10D00] =	vst v63  }
0xfd: {  	s4 =	simm.s32 $0x1  }
0xfe: {  	_ =	swait.ge [sflag:s4], $0x4000  }
0xff: {  	s3 =	simm.s32 $0x8;
	s31 =	sadd.s32 $0x0, s19;
	[sflag:s4] =	ssyncset.done $0x0  }
0x100: {  	s0 =	simm.s32 $0xCD80;
	[sflag:s4] =	ssyncadd.s32 $0xFFFFC000;
	s4 =	simm.s32 $0xCD00  }
.LBB2_32:
0x101: {  	[hbm4b:s31+s2] =	stream.linear.scatter [tilespmem:s4], [sflag:$0x2], $0x40, $0x38;
	[tilespmem:$0x10D00] =	vst v63  }
0x102: {  	s31 =	smov.u32 s3;
	s4 =	smov.u32 s0;
	p0 =	sne.s32 s3, $0x3F8  }
.Ltmp15:
0x103: {  	s3 =	sadd.s32 $0x8, s3;
	(pc) =	sbr.rel @p0 .LBB2_32-.Ltmp15, $2  }
0x104: {  	_ =	sdelay $0x2  }
0x105: {  	s0 =	sadd.s32 $0x80, s0;
	s31 =	sadd.s32 s31, s19  }
0x106: {  	[hbm4b:s31+s2] =	stream.linear.scatter [tilespmem:s4], [sflag:$0x2], $0x40, $0x38;
	[tilespmem:$0x10D00] =	vst v63  }
0x107: {  	s0 =	simm.s32 $0x2  }
0x108: {  	_ =	swait.ge [sflag:s0], $0x2000  }
0x109: {  	s3 =	simm.s32 $0x80;
	s4 =	simm.s32 $0x8D00;
	[sflag:s0] =	ssyncset.done $0x0  }
0x10a: {  	s31 =	simm.s32 $0x900;
	[sflag:s0] =	ssyncadd.s32 $0xFFFFE000;
	s0 =	rddreg [dreg:$0x3]  }
0x10b: {  	[tilespmem:s4], [sflag:$0x1] =	stream.indirect.gather [hbm4b:s0+s3], $0x80, s31, s3, $0xb8;
	[tilespmem:$0x10D00] =	vst v63  }
0x10c: {  	s4 =	simm.s32 $0x1  }
0x10d: {  	_ =	swait.ge [sflag:s4], $0x4000  }
0x10e: {  	s3 =	simm.s32 $0x8;
	s31 =	sadd.s32 $0x0, s20;
	[sflag:s4] =	ssyncset.done $0x0  }
0x10f: {  	s0 =	simm.s32 $0xD80;
	[sflag:s4] =	ssyncadd.s32 $0xFFFFC000;
	s4 =	simm.s32 $0xD00  }
.LBB2_34:
0x110: {  	[hbm4b:s31+s2] =	stream.linear.scatter [tilespmem:s4], [sflag:$0x2], $0x40, $0x38;
	[tilespmem:$0x10D00] =	vst v63  }
0x111: {  	s31 =	smov.u32 s3;
	s4 =	smov.u32 s0;
	p0 =	sne.s32 s3, $0x3F8  }
.Ltmp16:
0x112: {  	s3 =	sadd.s32 $0x8, s3;
	(pc) =	sbr.rel @p0 .LBB2_34-.Ltmp16, $2  }
0x113: {  	_ =	sdelay $0x2  }
0x114: {  	s0 =	sadd.s32 $0x80, s0;
	s31 =	sadd.s32 s31, s20  }
0x115: {  	[hbm4b:s31+s2] =	stream.linear.scatter [tilespmem:s4], [sflag:$0x2], $0x40, $0x38;
	[tilespmem:$0x10D00] =	vst v63  }
0x116: {  	s0 =	simm.s32 $0x2  }
0x117: {  	_ =	swait.ge [sflag:s0], $0x2000  }
0x118: {  	s3 =	simm.s32 $0x80;
	s4 =	simm.s32 $0xCD00;
	[sflag:s0] =	ssyncset.done $0x0  }
0x119: {  	s31 =	simm.s32 $0x980;
	[sflag:s0] =	ssyncadd.s32 $0xFFFFE000;
	s0 =	rddreg [dreg:$0x3]  }
0x11a: {  	[tilespmem:s4], [sflag:$0x1] =	stream.indirect.gather [hbm4b:s0+s3], $0x80, s31, s3, $0xb8;
	[tilespmem:$0x10D00] =	vst v63  }
0x11b: {  	s4 =	simm.s32 $0x1  }
0x11c: {  	_ =	swait.ge [sflag:s4], $0x4000  }
0x11d: {  	s3 =	simm.s32 $0x8;
	s31 =	sadd.s32 $0x0, s21;
	[sflag:s4] =	ssyncset.done $0x0  }
0x11e: {  	s0 =	simm.s32 $0x4D80;
	[sflag:s4] =	ssyncadd.s32 $0xFFFFC000;
	s4 =	simm.s32 $0x4D00  }
.LBB2_36:
0x11f: {  	[hbm4b:s31+s2] =	stream.linear.scatter [tilespmem:s4], [sflag:$0x2], $0x40, $0x38;
	[tilespmem:$0x10D00] =	vst v63  }
0x120: {  	s31 =	smov.u32 s3;
	s4 =	smov.u32 s0;
	p0 =	sne.s32 s3, $0x3F8  }
.Ltmp17:
0x121: {  	s3 =	sadd.s32 $0x8, s3;
	(pc) =	sbr.rel @p0 .LBB2_36-.Ltmp17, $2  }
0x122: {  	_ =	sdelay $0x2  }
0x123: {  	s0 =	sadd.s32 $0x80, s0;
	s31 =	sadd.s32 s31, s21  }
0x124: {  	[hbm4b:s31+s2] =	stream.linear.scatter [tilespmem:s4], [sflag:$0x2], $0x40, $0x38;
	[tilespmem:$0x10D00] =	vst v63  }
0x125: {  	s0 =	simm.s32 $0x2  }
0x126: {  	_ =	swait.ge [sflag:s0], $0x2000  }
0x127: {  	s3 =	simm.s32 $0x80;
	s4 =	simm.s32 $0xD00;
	[sflag:s0] =	ssyncset.done $0x0  }
0x128: {  	s31 =	simm.s32 $0xA00;
	[sflag:s0] =	ssyncadd.s32 $0xFFFFE000;
	s0 =	rddreg [dreg:$0x3]  }
0x129: {  	[tilespmem:s4], [sflag:$0x1] =	stream.indirect.gather [hbm4b:s0+s3], $0x80, s31, s3, $0xb8;
	[tilespmem:$0x10D00] =	vst v63  }
0x12a: {  	s4 =	simm.s32 $0x1  }
0x12b: {  	_ =	swait.ge [sflag:s4], $0x4000  }
0x12c: {  	s3 =	simm.s32 $0x8;
	s31 =	sadd.s32 $0x0, s22;
	[sflag:s4] =	ssyncset.done $0x0  }
0x12d: {  	s0 =	simm.s32 $0x8D80;
	[sflag:s4] =	ssyncadd.s32 $0xFFFFC000;
	s4 =	simm.s32 $0x8D00  }
.LBB2_38:
0x12e: {  	[hbm4b:s31+s2] =	stream.linear.scatter [tilespmem:s4], [sflag:$0x2], $0x40, $0x38;
	[tilespmem:$0x10D00] =	vst v63  }
0x12f: {  	s31 =	smov.u32 s3;
	s4 =	smov.u32 s0;
	p0 =	sne.s32 s3, $0x3F8  }
.Ltmp18:
0x130: {  	s3 =	sadd.s32 $0x8, s3;
	(pc) =	sbr.rel @p0 .LBB2_38-.Ltmp18, $2  }
0x131: {  	_ =	sdelay $0x2  }
0x132: {  	s0 =	sadd.s32 $0x80, s0;
	s31 =	sadd.s32 s31, s22  }
0x133: {  	[hbm4b:s31+s2] =	stream.linear.scatter [tilespmem:s4], [sflag:$0x2], $0x40, $0x38;
	[tilespmem:$0x10D00] =	vst v63  }
0x134: {  	s0 =	simm.s32 $0x2  }
0x135: {  	_ =	swait.ge [sflag:s0], $0x2000  }
0x136: {  	s3 =	simm.s32 $0x80;
	s4 =	simm.s32 $0x4D00;
	[sflag:s0] =	ssyncset.done $0x0  }
0x137: {  	s31 =	simm.s32 $0xA80;
	[sflag:s0] =	ssyncadd.s32 $0xFFFFE000;
	s0 =	rddreg [dreg:$0x3]  }
0x138: {  	[tilespmem:s4], [sflag:$0x1] =	stream.indirect.gather [hbm4b:s0+s3], $0x80, s31, s3, $0xb8;
	[tilespmem:$0x10D00] =	vst v63  }
0x139: {  	s4 =	simm.s32 $0x1  }
0x13a: {  	_ =	swait.ge [sflag:s4], $0x4000  }
0x13b: {  	s3 =	simm.s32 $0x8;
	s31 =	sadd.s32 $0x0, s23;
	[sflag:s4] =	ssyncset.done $0x0  }
0x13c: {  	s0 =	simm.s32 $0xCD80;
	[sflag:s4] =	ssyncadd.s32 $0xFFFFC000;
	s4 =	simm.s32 $0xCD00  }
.LBB2_40:
0x13d: {  	[hbm4b:s31+s2] =	stream.linear.scatter [tilespmem:s4], [sflag:$0x2], $0x40, $0x38;
	[tilespmem:$0x10D00] =	vst v63  }
0x13e: {  	s31 =	smov.u32 s3;
	s4 =	smov.u32 s0;
	p0 =	sne.s32 s3, $0x3F8  }
.Ltmp19:
0x13f: {  	s3 =	sadd.s32 $0x8, s3;
	(pc) =	sbr.rel @p0 .LBB2_40-.Ltmp19, $2  }
0x140: {  	_ =	sdelay $0x2  }
0x141: {  	s0 =	sadd.s32 $0x80, s0;
	s31 =	sadd.s32 s31, s23  }
0x142: {  	[hbm4b:s31+s2] =	stream.linear.scatter [tilespmem:s4], [sflag:$0x2], $0x40, $0x38;
	[tilespmem:$0x10D00] =	vst v63  }
0x143: {  	s0 =	simm.s32 $0x2  }
0x144: {  	_ =	swait.ge [sflag:s0], $0x2000  }
0x145: {  	s3 =	simm.s32 $0x80;
	s4 =	simm.s32 $0x8D00;
	[sflag:s0] =	ssyncset.done $0x0  }
0x146: {  	s31 =	simm.s32 $0xB00;
	[sflag:s0] =	ssyncadd.s32 $0xFFFFE000;
	s0 =	rddreg [dreg:$0x3]  }
0x147: {  	[tilespmem:s4], [sflag:$0x1] =	stream.indirect.gather [hbm4b:s0+s3], $0x80, s31, s3, $0xb8;
	[tilespmem:$0x10D00] =	vst v63  }
0x148: {  	s4 =	simm.s32 $0x1  }
0x149: {  	_ =	swait.ge [sflag:s4], $0x4000  }
0x14a: {  	s3 =	simm.s32 $0x8;
	s31 =	sadd.s32 $0x0, s24;
	[sflag:s4] =	ssyncset.done $0x0  }
0x14b: {  	s0 =	simm.s32 $0xD80;
	[sflag:s4] =	ssyncadd.s32 $0xFFFFC000;
	s4 =	simm.s32 $0xD00  }
.LBB2_42:
0x14c: {  	[hbm4b:s31+s2] =	stream.linear.scatter [tilespmem:s4], [sflag:$0x2], $0x40, $0x38;
	[tilespmem:$0x10D00] =	vst v63  }
0x14d: {  	s31 =	smov.u32 s3;
	s4 =	smov.u32 s0;
	p0 =	sne.s32 s3, $0x3F8  }
.Ltmp20:
0x14e: {  	s3 =	sadd.s32 $0x8, s3;
	(pc) =	sbr.rel @p0 .LBB2_42-.Ltmp20, $2  }
0x14f: {  	_ =	sdelay $0x2  }
0x150: {  	s0 =	sadd.s32 $0x80, s0;
	s31 =	sadd.s32 s31, s24  }
0x151: {  	[hbm4b:s31+s2] =	stream.linear.scatter [tilespmem:s4], [sflag:$0x2], $0x40, $0x38;
	[tilespmem:$0x10D00] =	vst v63  }
0x152: {  	s0 =	simm.s32 $0x2  }
0x153: {  	_ =	swait.ge [sflag:s0], $0x2000  }
0x154: {  	s3 =	simm.s32 $0x80;
	s4 =	simm.s32 $0xCD00;
	[sflag:s0] =	ssyncset.done $0x0  }
0x155: {  	s31 =	simm.s32 $0xB80;
	[sflag:s0] =	ssyncadd.s32 $0xFFFFE000;
	s0 =	rddreg [dreg:$0x3]  }
0x156: {  	[tilespmem:s4], [sflag:$0x1] =	stream.indirect.gather [hbm4b:s0+s3], $0x80, s31, s3, $0xb8;
	[tilespmem:$0x10D00] =	vst v63  }
0x157: {  	s4 =	simm.s32 $0x1  }
0x158: {  	_ =	swait.ge [sflag:s4], $0x4000  }
0x159: {  	s3 =	simm.s32 $0x8;
	s31 =	sadd.s32 $0x0, s25;
	[sflag:s4] =	ssyncset.done $0x0  }
0x15a: {  	s0 =	simm.s32 $0x4D80;
	[sflag:s4] =	ssyncadd.s32 $0xFFFFC000;
	s4 =	simm.s32 $0x4D00  }
.LBB2_44:
0x15b: {  	[hbm4b:s31+s2] =	stream.linear.scatter [tilespmem:s4], [sflag:$0x2], $0x40, $0x38;
	[tilespmem:$0x10D00] =	vst v63  }
0x15c: {  	s31 =	smov.u32 s3;
	s4 =	smov.u32 s0;
	p0 =	sne.s32 s3, $0x3F8  }
.Ltmp21:
0x15d: {  	s3 =	sadd.s32 $0x8, s3;
	(pc) =	sbr.rel @p0 .LBB2_44-.Ltmp21, $2  }
0x15e: {  	_ =	sdelay $0x2  }
0x15f: {  	s0 =	sadd.s32 $0x80, s0;
	s31 =	sadd.s32 s31, s25  }
0x160: {  	[hbm4b:s31+s2] =	stream.linear.scatter [tilespmem:s4], [sflag:$0x2], $0x40, $0x38;
	[tilespmem:$0x10D00] =	vst v63  }
0x161: {  	s0 =	simm.s32 $0x2  }
0x162: {  	_ =	swait.ge [sflag:s0], $0x2000  }
0x163: {  	s3 =	simm.s32 $0x80;
	s4 =	simm.s32 $0xD00;
	[sflag:s0] =	ssyncset.done $0x0  }
0x164: {  	s31 =	simm.s32 $0xC00;
	[sflag:s0] =	ssyncadd.s32 $0xFFFFE000;
	s0 =	rddreg [dreg:$0x3]  }
0x165: {  	[tilespmem:s4], [sflag:$0x1] =	stream.indirect.gather [hbm4b:s0+s3], $0x80, s31, s3, $0xb8;
	[tilespmem:$0x10D00] =	vst v63  }
0x166: {  	s4 =	simm.s32 $0x1  }
0x167: {  	_ =	swait.ge [sflag:s4], $0x4000  }
0x168: {  	s3 =	simm.s32 $0x8;
	s31 =	sadd.s32 $0x0, s26;
	[sflag:s4] =	ssyncset.done $0x0  }
0x169: {  	s0 =	simm.s32 $0x8D80;
	[sflag:s4] =	ssyncadd.s32 $0xFFFFC000;
	s4 =	simm.s32 $0x8D00  }
.LBB2_46:
0x16a: {  	[hbm4b:s31+s2] =	stream.linear.scatter [tilespmem:s4], [sflag:$0x2], $0x40, $0x38;
	[tilespmem:$0x10D00] =	vst v63  }
0x16b: {  	s31 =	smov.u32 s3;
	s4 =	smov.u32 s0;
	p0 =	sne.s32 s3, $0x3F8  }
.Ltmp22:
0x16c: {  	s3 =	sadd.s32 $0x8, s3;
	(pc) =	sbr.rel @p0 .LBB2_46-.Ltmp22, $2  }
0x16d: {  	_ =	sdelay $0x2  }
0x16e: {  	s0 =	sadd.s32 $0x80, s0;
	s31 =	sadd.s32 s31, s26  }
0x16f: {  	[hbm4b:s31+s2] =	stream.linear.scatter [tilespmem:s4], [sflag:$0x2], $0x40, $0x38;
	[tilespmem:$0x10D00] =	vst v63  }
0x170: {  	s0 =	simm.s32 $0x2  }
0x171: {  	_ =	swait.ge [sflag:s0], $0x2000  }
0x172: {  	s3 =	simm.s32 $0x80;
	s4 =	simm.s32 $0x4D00;
	[sflag:s0] =	ssyncset.done $0x0  }
0x173: {  	s31 =	simm.s32 $0xC80;
	[sflag:s0] =	ssyncadd.s32 $0xFFFFE000;
	s0 =	rddreg [dreg:$0x3]  }
0x174: {  	[tilespmem:s4], [sflag:$0x1] =	stream.indirect.gather [hbm4b:s0+s3], $0x80, s31, s3, $0xb8;
	[tilespmem:$0x10D00] =	vst v63  }
0x175: {  	s4 =	simm.s32 $0x1  }
0x176: {  	_ =	swait.ge [sflag:s4], $0x4000  }
0x177: {  	s3 =	simm.s32 $0x8;
	s31 =	sadd.s32 $0x0, s28;
	[sflag:s4] =	ssyncset.done $0x0  }
0x178: {  	s0 =	simm.s32 $0xCD80;
	[sflag:s4] =	ssyncadd.s32 $0xFFFFC000;
	s4 =	simm.s32 $0xCD00  }
.LBB2_48:
0x179: {  	[hbm4b:s31+s2] =	stream.linear.scatter [tilespmem:s4], [sflag:$0x2], $0x40, $0x38;
	[tilespmem:$0x10D00] =	vst v63  }
0x17a: {  	s31 =	smov.u32 s3;
	s4 =	smov.u32 s0;
	p0 =	sne.s32 s3, $0x3F8  }
.Ltmp23:
0x17b: {  	s3 =	sadd.s32 $0x8, s3;
	(pc) =	sbr.rel @p0 .LBB2_48-.Ltmp23, $2  }
0x17c: {  	_ =	sdelay $0x2  }
0x17d: {  	s0 =	sadd.s32 $0x80, s0;
	s31 =	sadd.s32 s31, s28  }
0x17e: {  	[hbm4b:s31+s2] =	stream.linear.scatter [tilespmem:s4], [sflag:$0x2], $0x40, $0x38;
	[tilespmem:$0x10D00] =	vst v63  }
0x17f: {  	s0 =	simm.s32 $0x1  }
0x180: {  	_ =	swait.ge [sflag:s0], $0x4000  }
0x181: {  	s4 =	simm.s32 $0xD00;
	s3 =	simm.s32 $0x8;
	[sflag:s0] =	ssyncset.done $0x0  }
0x182: {  	s31 =	sadd.s32 $0x0, s29;
	[sflag:s0] =	ssyncadd.s32 $0xFFFFC000;
	s0 =	simm.s32 $0xD80  }
.LBB2_50:
0x183: {  	[hbm4b:s31+s2] =	stream.linear.scatter [tilespmem:s4], [sflag:$0x2], $0x40, $0x38;
	[tilespmem:$0x10D00] =	vst v63  }
0x184: {  	s31 =	smov.u32 s3;
	s4 =	smov.u32 s0;
	p0 =	sne.s32 s3, $0x3F8  }
.Ltmp24:
0x185: {  	s3 =	sadd.s32 $0x8, s3;
	(pc) =	sbr.rel @p0 .LBB2_50-.Ltmp24, $2  }
0x186: {  	_ =	sdelay $0x2  }
0x187: {  	s0 =	sadd.s32 $0x80, s0;
	s31 =	sadd.s32 s31, s29  }
0x188: {  	[hbm4b:s31+s2] =	stream.linear.scatter [tilespmem:s4], [sflag:$0x2], $0x40, $0x38;
	[tilespmem:$0x10D00] =	vst v63  }
0x189: {  	s0 =	simm.s32 $0x1  }
0x18a: {  	_ =	swait.ge [sflag:s0], $0x4000  }
0x18b: {  	s4 =	simm.s32 $0x4D00;
	s3 =	simm.s32 $0x8;
	[sflag:s0] =	ssyncset.done $0x0  }
0x18c: {  	s31 =	sadd.s32 $0x0, s30;
	[sflag:s0] =	ssyncadd.s32 $0xFFFFC000;
	s0 =	simm.s32 $0x4D80  }
.LBB2_52:
0x18d: {  	[hbm4b:s31+s2] =	stream.linear.scatter [tilespmem:s4], [sflag:$0x2], $0x40, $0x38;
	[tilespmem:$0x10D00] =	vst v63  }
0x18e: {  	s31 =	smov.u32 s3;
	s4 =	smov.u32 s0;
	p0 =	sne.s32 s3, $0x3F8  }
.Ltmp25:
0x18f: {  	s3 =	sadd.s32 $0x8, s3;
	(pc) =	sbr.rel @p0 .LBB2_52-.Ltmp25, $2  }
0x190: {  	_ =	sdelay $0x2  }
0x191: {  	s0 =	sadd.s32 $0x80, s0;
	s31 =	sadd.s32 s31, s30  }
0x192: {  	[hbm4b:s31+s2] =	stream.linear.scatter [tilespmem:s4], [sflag:$0x2], $0x40, $0x38;
	[tilespmem:$0x10D00] =	vst v63  }
0x193: {  	s3 =	simm.s32 $0x2  }
0x194: {  	_ =	swait.ge [sflag:s3], $0x2000  }
0x195: {  	[sflag:s3] =	ssyncset.done $0x0  }
0x196: {  	[sflag:s3] =	ssyncadd.s32 $0xFFFFE000  }
0x197: {  	_ =	swait.ge [sflag:s3], $0x2000  }
0x198: {  	[sflag:s3] =	ssyncset.done $0x0  }
0x199: {  	[sflag:s3] =	ssyncadd.s32 $0xFFFFE000  }
0x19a: {  	_ =	swait.ge [sflag:s3], $0x2000  }
0x19b: {  	[sflag:s3] =	ssyncset.done $0x0  }
0x19c: {  	[sflag:s3] =	ssyncadd.s32 $0xFFFFE000  }
0x19d: {  	_ =	swait.ge [sflag:s3], $0x2000  }
0x19e: {  	s31 =	rddreg [dreg:$0x6]  }
0x19f: {  	s0 =	rddreg [dreg:$0x5];
	s4 =	sadd.s32 $0x1, s31  }
0x1a0: {  	p0 =	sne.s32 s4, s0  }
.Ltmp26:
0x1a1: {  	_ = 	snop;
	(pc) =	sbr.rel @p0 .LBB2_1-.Ltmp26, $3  }
0x1a2: {  	_ =	sdelay $0x1  }
0x1a3: {  	[sflag:s3] =	ssyncset.done $0x0  }
0x1a4: {  	[sflag:s3] =	ssyncadd.s32 $0xFFFFE000  }
0x1a5: {  	_ =	sfence.sel $0x180000  }
0x1a6: {  	[bflag:$0x0] =	sbarrier.arrive $0xFFFF  }
0x1a7: {  	_ =	strace $0x90000047  }
0x1a8: {  	s0 =	stileid.u32;
	[bflag:$0x2] =	sbarrier.arrive $0xFFFF  }
0x1a9: {  	p0 =	sne.s32 s0, $0x0;
	s0 =	rddreg [dreg:$0x2]  }
0x1aa: {  	s0 =	sadd.s32 @!p0 $0x100000, s0  }
0x1ab: {  	[sflag:s0] =	ssyncadd.tile.s32 @!p0 $0x1;
	_ =	shalt  }
.Lfunc_end2:
_tile_overlayer_lowered:
.L_overlay_start_2:
0x1ac: {  	(tag) =	ssettag $0x2  }
0x1ad: {  	s0 =	rddreg [dreg:$0x0];
	s2 =	stileid.u32  }
0x1ae: {  	s1 =	rddreg [dreg:$0x1];
	p0 =	sne.s32 s2, $0x0  }
0x1af: {  	s3 =	rddreg [dreg:$0x2];
	[bflag:$0x3] =	sbarrier.arrive $0xFFFF;
	s2 =	simm.s32 @!p0 $0x1C03  }
0x1b0: {  	[timem:s3], [sflag:s2] =	dma.local @!p0 [hbm:s0], s1  }
0x1b1: {  	s0 =	simm.s32 @!p0 $0x3  }
0x1b2: {  	_ =	swait.ge @!p0 [sflag:s0], s1  }
0x1b3: {  	s1 =	ssub.s32 @!p0 $0x0, s1;
	[sflag:s0] =	ssyncset.done @!p0 $0x0  }
0x1b4: {  	[sflag:s0] =	ssyncadd.s32 @!p0 s1  }
0x1b5: {  	[bflag:$0x3] =	sbarrier.arrive $0xFFFF  }
0x1b6: {  	_ =	shalt  }

</sc_bundles>
